<compile_context>
chip_gen: v7x
topology: tpu7x:2x2x1
jax: 0.10.2.dev20260603
libtpu: 0.0.44.dev20260713+nightly
codegen_flags: <defaults>
</compile_context>

<pallas_src>
import jax
import jax.numpy as jnp
from jax import lax
from jax.experimental import pallas as pl
from jax.experimental.pallas import tpu as pltpu, tpu_sc as plsc

NUM_CORES = 2
NUM_SUBCORES = 16
NW = NUM_CORES * NUM_SUBCORES
BATCH = 16384
EMBED = 32
B_PER_W = BATCH // NW
LANE = 128
RING = 8
NITER = B_PER_W // RING

_mesh = plsc.VectorSubcoreMesh(core_axis_name="c", subcore_axis_name="s",
                               num_cores=NUM_CORES, num_subcores=NUM_SUBCORES)

_DNUMS = lax.GatherDimensionNumbers(
    offset_dims=(), collapsed_slice_dims=(0,), start_index_map=(0,))


def _lane_sum(s, lanes):
    for sh in (8, 4, 2, 1):
        perm = lax.bitwise_xor(lanes, sh)[:, None]
        s = s + lax.gather(s, perm, _DNUMS, (1,),
                           mode=lax.GatherScatterMode.PROMISE_IN_BOUNDS)
    return s


def _sc_body(users_r, items_r, ue_r, ie_r, out_r,
             uidx_v, iidx_v, uslab_v, islab_v, out_v, sem):
    wid = lax.axis_index("s") * NUM_CORES + lax.axis_index("c")
    base = wid * B_PER_W

    pltpu.sync_copy(users_r.at[pl.ds(base, B_PER_W)],
                    uidx_v.at[pl.ds(0, B_PER_W)])
    pltpu.sync_copy(items_r.at[pl.ds(base, B_PER_W)],
                    iidx_v.at[pl.ds(0, B_PER_W)])

    lanes = lax.iota(jnp.int32, 16)

    def fire(kk, uvi, ivi):
        ub = pl.multiple_of((uvi >> 7) * LANE, LANE)
        ib = pl.multiple_of((ivi >> 7) * LANE, LANE)
        pltpu.async_copy(ue_r.at[:, pl.ds(ub, LANE)], uslab_v.at[kk],
                         sem.at[kk])
        pltpu.async_copy(ie_r.at[:, pl.ds(ib, LANE)], islab_v.at[kk],
                         sem.at[kk])

    def drain(kk):
        pltpu.make_async_copy(
            ue_r.at[:, pl.ds(0, LANE)], uslab_v.at[kk], sem.at[kk]).wait()
        pltpu.make_async_copy(
            ie_r.at[:, pl.ds(0, LANE)], islab_v.at[kk], sem.at[kk]).wait()

    uvec0 = uidx_v[pl.ds(0, 16)]
    ivec0 = iidx_v[pl.ds(0, 16)]
    for kk in range(RING):
        fire(kk, uvec0[kk], ivec0[kk])

    def step(g, acc):
        o8 = pl.multiple_of(g * RING, 8)
        uvec = uidx_v[pl.ds(o8, 16)]
        ivec = iidx_v[pl.ds(o8, 16)]
        for kk in range(RING):
            drain(kk)
            uc = jnp.full((16,), uvec[kk] & (LANE - 1), jnp.int32)
            ic = jnp.full((16,), ivec[kk] & (LANE - 1), jnp.int32)
            kv = jnp.full((16,), kk, jnp.int32)
            u0 = plsc.load_gather(uslab_v, [kv, lanes, uc])
            u1 = plsc.load_gather(uslab_v, [kv, lanes + 16, uc])
            v0 = plsc.load_gather(islab_v, [kv, lanes, ic])
            v1 = plsc.load_gather(islab_v, [kv, lanes + 16, ic])

            @pl.when(g < NITER - 1)
            def _():
                fire(kk, uvec[RING + kk], ivec[RING + kk])

            s = _lane_sum(u0 * v0 + u1 * v1, lanes)
            e = (g % 2) * RING + kk
            acc = jnp.where(lanes == e, s, acc)

        @pl.when(g % 2 == 1)
        def _():
            out_v[pl.ds(pl.multiple_of((g // 2) * 16, 16), 16)] = acc
        return acc

    lax.fori_loop(0, NITER, step, jnp.zeros((16,), jnp.float32))
    pltpu.sync_copy(out_v, out_r.at[pl.ds(base, B_PER_W)])


_sc_kernel = pl.kernel(
    _sc_body,
    out_type=jax.ShapeDtypeStruct((BATCH,), jnp.float32),
    mesh=_mesh,
    compiler_params=pltpu.CompilerParams(needs_layout_passes=False),
    scratch_types=[
        pltpu.VMEM((B_PER_W + 16,), jnp.int32),
        pltpu.VMEM((B_PER_W + 16,), jnp.int32),
        pltpu.VMEM((RING, EMBED, LANE), jnp.float32),
        pltpu.VMEM((RING, EMBED, LANE), jnp.float32),
        pltpu.VMEM((B_PER_W,), jnp.float32),
        pltpu.SemaphoreType.DMA((RING,)),
    ],
)


def kernel(users, items, user_embed, item_embed):
    return _sc_kernel(users.astype(jnp.int32), items.astype(jnp.int32),
                      user_embed.T, item_embed.T)

# --- scband reference (transcript-rebuilt; emitter-appended) ---
"""Pipeline reference for scband-matrix-factorization-3255585210981 (READ-ONLY COPY).

The authoritative reference and input builder live on the scoring server;
editing this copy changes nothing except your own understanding.
"""

import jax, jax.numpy as jnp
import numpy as np

NUM_USERS = 1000000
NUM_ITEMS = 1000000
EMBED_DIM = 32
BATCH = 16384

def setup_inputs(seed: int = 0) -> dict:
    key = jax.random.key(seed)
    k1, k2, k3, k4 = jax.random.split(key, 4)
    users = jax.random.randint(k1, (BATCH,), 0, NUM_USERS, dtype=jnp.int64 if jax.config.jax_enable_x64 else jnp.int32)
    items = jax.random.randint(k2, (BATCH,), 0, NUM_ITEMS, dtype=jnp.int64 if jax.config.jax_enable_x64 else jnp.int32)
    user_embed = jax.random.normal(k3, (NUM_USERS, EMBED_DIM), dtype=jnp.float32)
    item_embed = jax.random.normal(k4, (NUM_ITEMS, EMBED_DIM), dtype=jnp.float32)
    return {"users": users, "items": items, "user_embed": user_embed, "item_embed": item_embed}

def reference(users, items, user_embed, item_embed):
    u = jnp.take(user_embed, users, axis=0)
    v = jnp.take(item_embed, items, axis=0)
    return (u * v).sum(axis=1)

if __name__ == "__main__":
    import jax
    _d = setup_inputs()
    print(jax.jit(kernel)(*tuple(_d.values())))

</pallas_src>

<mosaic_0001>
#map = affine_map<(d0, d1) -> (0)>
#map1 = affine_map<(d0, d1) -> (0, 0)>
module attributes {stable_mosaic.version = 14 : i64} {
  func.func @_sc_body(%arg0: i32, %arg1: i32, %arg2: memref<16384xi32, #tpu.memory_space<hbm>>, %arg3: memref<16384xi32, #tpu.memory_space<hbm>>, %arg4: memref<32x1000000xf32, #tpu.memory_space<hbm>>, %arg5: memref<32x1000000xf32, #tpu.memory_space<hbm>>, %arg6: memref<16384xf32, #tpu.memory_space<hbm>>, %arg7: memref<528xi32, #tpu.memory_space<vmem>>, %arg8: memref<528xi32, #tpu.memory_space<vmem>>, %arg9: memref<8x32x128xf32, #tpu.memory_space<vmem>>, %arg10: memref<8x32x128xf32, #tpu.memory_space<vmem>>, %arg11: memref<512xf32, #tpu.memory_space<vmem>>, %arg12: memref<8x!tpu.dma_semaphore, #tpu.memory_space<semaphore_mem>>) attributes {dimension_semantics = [#tpu.dimension_semantics<core_parallel>, #tpu.dimension_semantics<subcore_parallel>], iteration_bounds = array<i64: 2, 16>, scalar_prefetch = 0 : i64, scratch_operands = 6 : i64, tpu.core_type = #tpu.core_type<sc_vector_subcore>, window_params = [{transform_indices = #map}, {transform_indices = #map}, {transform_indices = #map1}, {transform_indices = #map1}, {transform_indices = #map}]} {
    %mul3A = arith.constant 2 : i32
    %mul3A_0 = arith.muli %arg1, %mul3A : i32
    %add3A = arith.addi %mul3A_0, %arg0 : i32
    %mul3A_1 = arith.constant 512 : i32
    %mul3A_2 = arith.muli %add3A, %mul3A_1 : i32
    "tpu.region"() ({
      %run_scoped3A = tpu.sem_alloc : memref<!tpu.dma_semaphore, #tpu.memory_space<semaphore_mem>>
      %dma_start3A_375 = arith.constant 0 : i32
      %dma_start3A_376 = tpu.memref_slice %arg7[%dma_start3A_375] : memref<528xi32, #tpu.memory_space<vmem>> -> memref<512xi32, #tpu.memory_space<vmem>>
      %dma_start3A_377 = tpu.memref_slice %arg2[%mul3A_2] : memref<16384xi32, #tpu.memory_space<hbm>> -> memref<512xi32, #tpu.memory_space<hbm>>
      %dma_start3A_378 = arith.constant 0 : i32
      %dma_start3A_379 = tpu.memref_slice %arg7[%dma_start3A_378] : memref<528xi32, #tpu.memory_space<vmem>> -> memref<512xi32, #tpu.memory_space<vmem>>
      %dma_start3A_380 = tpu.memref_slice %arg2[%mul3A_2] : memref<16384xi32, #tpu.memory_space<hbm>> -> memref<512xi32, #tpu.memory_space<hbm>>
      tpu.enqueue_dma source(%dma_start3A_380 : memref<512xi32, #tpu.memory_space<hbm>>) target(%dma_start3A_379 : memref<512xi32, #tpu.memory_space<vmem>>) target_semaphore(%run_scoped3A : memref<!tpu.dma_semaphore, #tpu.memory_space<semaphore_mem>>)
      %dma_wait3A = arith.constant 0 : i32
      %dma_wait3A_381 = tpu.memref_slice %arg7[%dma_wait3A] : memref<528xi32, #tpu.memory_space<vmem>> -> memref<512xi32, #tpu.memory_space<vmem>>
      %dma_wait3A_382 = tpu.memref_slice %arg2[%mul3A_2] : memref<16384xi32, #tpu.memory_space<hbm>> -> memref<512xi32, #tpu.memory_space<hbm>>
      %dma_wait3A_383 = arith.constant 0 : i32
      %dma_wait3A_384 = tpu.memref_slice %arg7[%dma_wait3A_383] : memref<528xi32, #tpu.memory_space<vmem>> -> memref<512xi32, #tpu.memory_space<vmem>>
      %dma_wait3A_385 = tpu.memref_slice %arg2[%mul3A_2] : memref<16384xi32, #tpu.memory_space<hbm>> -> memref<512xi32, #tpu.memory_space<hbm>>
      tpu.wait_dma2 semaphore(%run_scoped3A : memref<!tpu.dma_semaphore, #tpu.memory_space<semaphore_mem>>) src(%dma_wait3A_385 : memref<512xi32, #tpu.memory_space<hbm>>) dst(%dma_wait3A_384 : memref<512xi32, #tpu.memory_space<vmem>>)
      tpu.yield
    }) : () -> ()
    "tpu.region"() ({
      %run_scoped3A = tpu.sem_alloc : memref<!tpu.dma_semaphore, #tpu.memory_space<semaphore_mem>>
      %dma_start3A_375 = arith.constant 0 : i32
      %dma_start3A_376 = tpu.memref_slice %arg8[%dma_start3A_375] : memref<528xi32, #tpu.memory_space<vmem>> -> memref<512xi32, #tpu.memory_space<vmem>>
      %dma_start3A_377 = tpu.memref_slice %arg3[%mul3A_2] : memref<16384xi32, #tpu.memory_space<hbm>> -> memref<512xi32, #tpu.memory_space<hbm>>
      %dma_start3A_378 = arith.constant 0 : i32
      %dma_start3A_379 = tpu.memref_slice %arg8[%dma_start3A_378] : memref<528xi32, #tpu.memory_space<vmem>> -> memref<512xi32, #tpu.memory_space<vmem>>
      %dma_start3A_380 = tpu.memref_slice %arg3[%mul3A_2] : memref<16384xi32, #tpu.memory_space<hbm>> -> memref<512xi32, #tpu.memory_space<hbm>>
      tpu.enqueue_dma source(%dma_start3A_380 : memref<512xi32, #tpu.memory_space<hbm>>) target(%dma_start3A_379 : memref<512xi32, #tpu.memory_space<vmem>>) target_semaphore(%run_scoped3A : memref<!tpu.dma_semaphore, #tpu.memory_space<semaphore_mem>>)
      %dma_wait3A = arith.constant 0 : i32
      %dma_wait3A_381 = tpu.memref_slice %arg8[%dma_wait3A] : memref<528xi32, #tpu.memory_space<vmem>> -> memref<512xi32, #tpu.memory_space<vmem>>
      %dma_wait3A_382 = tpu.memref_slice %arg3[%mul3A_2] : memref<16384xi32, #tpu.memory_space<hbm>> -> memref<512xi32, #tpu.memory_space<hbm>>
      %dma_wait3A_383 = arith.constant 0 : i32
      %dma_wait3A_384 = tpu.memref_slice %arg8[%dma_wait3A_383] : memref<528xi32, #tpu.memory_space<vmem>> -> memref<512xi32, #tpu.memory_space<vmem>>
      %dma_wait3A_385 = tpu.memref_slice %arg3[%mul3A_2] : memref<16384xi32, #tpu.memory_space<hbm>> -> memref<512xi32, #tpu.memory_space<hbm>>
      tpu.wait_dma2 semaphore(%run_scoped3A : memref<!tpu.dma_semaphore, #tpu.memory_space<semaphore_mem>>) src(%dma_wait3A_385 : memref<512xi32, #tpu.memory_space<hbm>>) dst(%dma_wait3A_384 : memref<512xi32, #tpu.memory_space<vmem>>)
      tpu.yield
    }) : () -> ()
    %iota3A = tpu.iota {dimensions = array<i32: 0>} : vector<16xi32>
    %get3A = arith.constant 0 : index
    %get3A_3 = tpu.vector_load %arg7[%get3A] {strides = array<i32>} : memref<528xi32, #tpu.memory_space<vmem>>, vector<16xi32>,
    %get3A_4 = arith.constant 0 : index
    %get3A_5 = tpu.vector_load %arg8[%get3A_4] {strides = array<i32>} : memref<528xi32, #tpu.memory_space<vmem>>, vector<16xi32>,
    %slice3A = vector.extract_strided_slice %get3A_3 {offsets = [0], sizes = [1], strides = [1]} : vector<16xi32> to vector<1xi32>
    %squeeze3A = vector.extract %slice3A[0] : i32 from vector<1xi32>
    %slice3A_6 = vector.extract_strided_slice %get3A_5 {offsets = [0], sizes = [1], strides = [1]} : vector<16xi32> to vector<1xi32>
    %squeeze3A_7 = vector.extract %slice3A_6[0] : i32 from vector<1xi32>
    %shift_right_arithmetic3A = arith.constant 7 : i32
    %shift_right_arithmetic3A_8 = arith.shrsi %squeeze3A, %shift_right_arithmetic3A : i32
    %mul3A_9 = arith.constant 128 : i32
    %mul3A_10 = arith.muli %shift_right_arithmetic3A_8, %mul3A_9 : i32
    %multiple_of3A = tpu.assume_multiple %mul3A_10, 128 : i32
    %shift_right_arithmetic3A_11 = arith.constant 7 : i32
    %shift_right_arithmetic3A_12 = arith.shrsi %squeeze3A_7, %shift_right_arithmetic3A_11 : i32
    %mul3A_13 = arith.constant 128 : i32
    %mul3A_14 = arith.muli %shift_right_arithmetic3A_12, %mul3A_13 : i32
    %multiple_of3A_15 = tpu.assume_multiple %mul3A_14, 128 : i32
    %dma_start3A = arith.constant 0 : i32
    %dma_start3A_16 = arith.constant 0 : i32
    %dma_start3A_17 = arith.constant 0 : i32
    %dma_start3A_18 = arith.constant 0 : i32
    %dma_start3A_19 = tpu.memref_slice %arg9[%dma_start3A, %dma_start3A_17, %dma_start3A_18] : memref<8x32x128xf32, #tpu.memory_space<vmem>> -> memref<1x32x128xf32, #tpu.memory_space<vmem>>
    %dma_start3A_20 = tpu.memref_squeeze %dma_start3A_19 : memref<1x32x128xf32, #tpu.memory_space<vmem>> -> memref<32x128xf32, #tpu.memory_space<vmem>>
    %dma_start3A_21 = arith.constant 0 : i32
    %dma_start3A_22 = tpu.memref_slice %arg4[%dma_start3A_21, %multiple_of3A] : memref<32x1000000xf32, #tpu.memory_space<hbm>> -> memref<32x128xf32, #tpu.memory_space<hbm>>
    %dma_start3A_23 = tpu.memref_slice %arg12[%dma_start3A_16] : memref<8x!tpu.dma_semaphore, #tpu.memory_space<semaphore_mem>> -> memref<1x!tpu.dma_semaphore, #tpu.memory_space<semaphore_mem>>
    %dma_start3A_24 = tpu.memref_squeeze %dma_start3A_23 : memref<1x!tpu.dma_semaphore, #tpu.memory_space<semaphore_mem>> -> memref<!tpu.dma_semaphore, #tpu.memory_space<semaphore_mem>>
    %dma_start3A_25 = arith.constant 0 : i32
    %dma_start3A_26 = arith.constant 0 : i32
    %dma_start3A_27 = tpu.memref_slice %arg9[%dma_start3A, %dma_start3A_25, %dma_start3A_26] : memref<8x32x128xf32, #tpu.memory_space<vmem>> -> memref<1x32x128xf32, #tpu.memory_space<vmem>>
    %dma_start3A_28 = tpu.memref_squeeze %dma_start3A_27 : memref<1x32x128xf32, #tpu.memory_space<vmem>> -> memref<32x128xf32, #tpu.memory_space<vmem>>
    %dma_start3A_29 = arith.constant 0 : i32
    %dma_start3A_30 = tpu.memref_slice %arg4[%dma_start3A_29, %multiple_of3A] : memref<32x1000000xf32, #tpu.memory_space<hbm>> -> memref<32x128xf32, #tpu.memory_space<hbm>>
    tpu.enqueue_dma source(%dma_start3A_30 : memref<32x128xf32, #tpu.memory_space<hbm>>) target(%dma_start3A_28 : memref<32x128xf32, #tpu.memory_space<vmem>>) target_semaphore(%dma_start3A_24 : memref<!tpu.dma_semaphore, #tpu.memory_space<semaphore_mem>>)
    %dma_start3A_31 = arith.constant 0 : i32
    %dma_start3A_32 = arith.constant 0 : i32
    %dma_start3A_33 = arith.constant 0 : i32
    %dma_start3A_34 = arith.constant 0 : i32
    %dma_start3A_35 = tpu.memref_slice %arg10[%dma_start3A_31, %dma_start3A_33, %dma_start3A_34] : memref<8x32x128xf32, #tpu.memory_space<vmem>> -> memref<1x32x128xf32, #tpu.memory_space<vmem>>
    %dma_start3A_36 = tpu.memref_squeeze %dma_start3A_35 : memref<1x32x128xf32, #tpu.memory_space<vmem>> -> memref<32x128xf32, #tpu.memory_space<vmem>>
    %dma_start3A_37 = arith.constant 0 : i32
    %dma_start3A_38 = tpu.memref_slice %arg5[%dma_start3A_37, %multiple_of3A_15] : memref<32x1000000xf32, #tpu.memory_space<hbm>> -> memref<32x128xf32, #tpu.memory_space<hbm>>
    %dma_start3A_39 = tpu.memref_slice %arg12[%dma_start3A_32] : memref<8x!tpu.dma_semaphore, #tpu.memory_space<semaphore_mem>> -> memref<1x!tpu.dma_semaphore, #tpu.memory_space<semaphore_mem>>
    %dma_start3A_40 = tpu.memref_squeeze %dma_start3A_39 : memref<1x!tpu.dma_semaphore, #tpu.memory_space<semaphore_mem>> -> memref<!tpu.dma_semaphore, #tpu.memory_space<semaphore_mem>>
    %dma_start3A_41 = arith.constant 0 : i32
    %dma_start3A_42 = arith.constant 0 : i32
    %dma_start3A_43 = tpu.memref_slice %arg10[%dma_start3A_31, %dma_start3A_41, %dma_start3A_42] : memref<8x32x128xf32, #tpu.memory_space<vmem>> -> memref<1x32x128xf32, #tpu.memory_space<vmem>>
    %dma_start3A_44 = tpu.memref_squeeze %dma_start3A_43 : memref<1x32x128xf32, #tpu.memory_space<vmem>> -> memref<32x128xf32, #tpu.memory_space<vmem>>
    %dma_start3A_45 = arith.constant 0 : i32
    %dma_start3A_46 = tpu.memref_slice %arg5[%dma_start3A_45, %multiple_of3A_15] : memref<32x1000000xf32, #tpu.memory_space<hbm>> -> memref<32x128xf32, #tpu.memory_space<hbm>>
    tpu.enqueue_dma source(%dma_start3A_46 : memref<32x128xf32, #tpu.memory_space<hbm>>) target(%dma_start3A_44 : memref<32x128xf32, #tpu.memory_space<vmem>>) target_semaphore(%dma_start3A_40 : memref<!tpu.dma_semaphore, #tpu.memory_space<semaphore_mem>>)
    %slice3A_47 = vector.extract_strided_slice %get3A_3 {offsets = [1], sizes = [1], strides = [1]} : vector<16xi32> to vector<1xi32>
    %squeeze3A_48 = vector.extract %slice3A_47[0] : i32 from vector<1xi32>
    %slice3A_49 = vector.extract_strided_slice %get3A_5 {offsets = [1], sizes = [1], strides = [1]} : vector<16xi32> to vector<1xi32>
    %squeeze3A_50 = vector.extract %slice3A_49[0] : i32 from vector<1xi32>
    %shift_right_arithmetic3A_51 = arith.constant 7 : i32
    %shift_right_arithmetic3A_52 = arith.shrsi %squeeze3A_48, %shift_right_arithmetic3A_51 : i32
    %mul3A_53 = arith.constant 128 : i32
    %mul3A_54 = arith.muli %shift_right_arithmetic3A_52, %mul3A_53 : i32
    %multiple_of3A_55 = tpu.assume_multiple %mul3A_54, 128 : i32
    %shift_right_arithmetic3A_56 = arith.constant 7 : i32
    %shift_right_arithmetic3A_57 = arith.shrsi %squeeze3A_50, %shift_right_arithmetic3A_56 : i32
    %mul3A_58 = arith.constant 128 : i32
    %mul3A_59 = arith.muli %shift_right_arithmetic3A_57, %mul3A_58 : i32
    %multiple_of3A_60 = tpu.assume_multiple %mul3A_59, 128 : i32
    %dma_start3A_61 = arith.constant 1 : i32
    %dma_start3A_62 = arith.constant 1 : i32
    %dma_start3A_63 = arith.constant 0 : i32
    %dma_start3A_64 = arith.constant 0 : i32
    %dma_start3A_65 = tpu.memref_slice %arg9[%dma_start3A_61, %dma_start3A_63, %dma_start3A_64] : memref<8x32x128xf32, #tpu.memory_space<vmem>> -> memref<1x32x128xf32, #tpu.memory_space<vmem>>
    %dma_start3A_66 = tpu.memref_squeeze %dma_start3A_65 : memref<1x32x128xf32, #tpu.memory_space<vmem>> -> memref<32x128xf32, #tpu.memory_space<vmem>>
    %dma_start3A_67 = arith.constant 0 : i32
    %dma_start3A_68 = tpu.memref_slice %arg4[%dma_start3A_67, %multiple_of3A_55] : memref<32x1000000xf32, #tpu.memory_space<hbm>> -> memref<32x128xf32, #tpu.memory_space<hbm>>
    %dma_start3A_69 = tpu.memref_slice %arg12[%dma_start3A_62] : memref<8x!tpu.dma_semaphore, #tpu.memory_space<semaphore_mem>> -> memref<1x!tpu.dma_semaphore, #tpu.memory_space<semaphore_mem>>
    %dma_start3A_70 = tpu.memref_squeeze %dma_start3A_69 : memref<1x!tpu.dma_semaphore, #tpu.memory_space<semaphore_mem>> -> memref<!tpu.dma_semaphore, #tpu.memory_space<semaphore_mem>>
    %dma_start3A_71 = arith.constant 0 : i32
    %dma_start3A_72 = arith.constant 0 : i32
    %dma_start3A_73 = tpu.memref_slice %arg9[%dma_start3A_61, %dma_start3A_71, %dma_start3A_72] : memref<8x32x128xf32, #tpu.memory_space<vmem>> -> memref<1x32x128xf32, #tpu.memory_space<vmem>>
    %dma_start3A_74 = tpu.memref_squeeze %dma_start3A_73 : memref<1x32x128xf32, #tpu.memory_space<vmem>> -> memref<32x128xf32, #tpu.memory_space<vmem>>
    %dma_start3A_75 = arith.constant 0 : i32
    %dma_start3A_76 = tpu.memref_slice %arg4[%dma_start3A_75, %multiple_of3A_55] : memref<32x1000000xf32, #tpu.memory_space<hbm>> -> memref<32x128xf32, #tpu.memory_space<hbm>>
    tpu.enqueue_dma source(%dma_start3A_76 : memref<32x128xf32, #tpu.memory_space<hbm>>) target(%dma_start3A_74 : memref<32x128xf32, #tpu.memory_space<vmem>>) target_semaphore(%dma_start3A_70 : memref<!tpu.dma_semaphore, #tpu.memory_space<semaphore_mem>>)
    %dma_start3A_77 = arith.constant 1 : i32
    %dma_start3A_78 = arith.constant 1 : i32
    %dma_start3A_79 = arith.constant 0 : i32
    %dma_start3A_80 = arith.constant 0 : i32
    %dma_start3A_81 = tpu.memref_slice %arg10[%dma_start3A_77, %dma_start3A_79, %dma_start3A_80] : memref<8x32x128xf32, #tpu.memory_space<vmem>> -> memref<1x32x128xf32, #tpu.memory_space<vmem>>
    %dma_start3A_82 = tpu.memref_squeeze %dma_start3A_81 : memref<1x32x128xf32, #tpu.memory_space<vmem>> -> memref<32x128xf32, #tpu.memory_space<vmem>>
    %dma_start3A_83 = arith.constant 0 : i32
    %dma_start3A_84 = tpu.memref_slice %arg5[%dma_start3A_83, %multiple_of3A_60] : memref<32x1000000xf32, #tpu.memory_space<hbm>> -> memref<32x128xf32, #tpu.memory_space<hbm>>
    %dma_start3A_85 = tpu.memref_slice %arg12[%dma_start3A_78] : memref<8x!tpu.dma_semaphore, #tpu.memory_space<semaphore_mem>> -> memref<1x!tpu.dma_semaphore, #tpu.memory_space<semaphore_mem>>
    %dma_start3A_86 = tpu.memref_squeeze %dma_start3A_85 : memref<1x!tpu.dma_semaphore, #tpu.memory_space<semaphore_mem>> -> memref<!tpu.dma_semaphore, #tpu.memory_space<semaphore_mem>>
    %dma_start3A_87 = arith.constant 0 : i32
    %dma_start3A_88 = arith.constant 0 : i32
    %dma_start3A_89 = tpu.memref_slice %arg10[%dma_start3A_77, %dma_start3A_87, %dma_start3A_88] : memref<8x32x128xf32, #tpu.memory_space<vmem>> -> memref<1x32x128xf32, #tpu.memory_space<vmem>>
    %dma_start3A_90 = tpu.memref_squeeze %dma_start3A_89 : memref<1x32x128xf32, #tpu.memory_space<vmem>> -> memref<32x128xf32, #tpu.memory_space<vmem>>
    %dma_start3A_91 = arith.constant 0 : i32
    %dma_start3A_92 = tpu.memref_slice %arg5[%dma_start3A_91, %multiple_of3A_60] : memref<32x1000000xf32, #tpu.memory_space<hbm>> -> memref<32x128xf32, #tpu.memory_space<hbm>>
    tpu.enqueue_dma source(%dma_start3A_92 : memref<32x128xf32, #tpu.memory_space<hbm>>) target(%dma_start3A_90 : memref<32x128xf32, #tpu.memory_space<vmem>>) target_semaphore(%dma_start3A_86 : memref<!tpu.dma_semaphore, #tpu.memory_space<semaphore_mem>>)
    %slice3A_93 = vector.extract_strided_slice %get3A_3 {offsets = [2], sizes = [1], strides = [1]} : vector<16xi32> to vector<1xi32>
    %squeeze3A_94 = vector.extract %slice3A_93[0] : i32 from vector<1xi32>
    %slice3A_95 = vector.extract_strided_slice %get3A_5 {offsets = [2], sizes = [1], strides = [1]} : vector<16xi32> to vector<1xi32>
    %squeeze3A_96 = vector.extract %slice3A_95[0] : i32 from vector<1xi32>
    %shift_right_arithmetic3A_97 = arith.constant 7 : i32
    %shift_right_arithmetic3A_98 = arith.shrsi %squeeze3A_94, %shift_right_arithmetic3A_97 : i32
    %mul3A_99 = arith.constant 128 : i32
    %mul3A_100 = arith.muli %shift_right_arithmetic3A_98, %mul3A_99 : i32
    %multiple_of3A_101 = tpu.assume_multiple %mul3A_100, 128 : i32
    %shift_right_arithmetic3A_102 = arith.constant 7 : i32
    %shift_right_arithmetic3A_103 = arith.shrsi %squeeze3A_96, %shift_right_arithmetic3A_102 : i32
    %mul3A_104 = arith.constant 128 : i32
    %mul3A_105 = arith.muli %shift_right_arithmetic3A_103, %mul3A_104 : i32
    %multiple_of3A_106 = tpu.assume_multiple %mul3A_105, 128 : i32
    %dma_start3A_107 = arith.constant 2 : i32
    %dma_start3A_108 = arith.constant 2 : i32
    %dma_start3A_109 = arith.constant 0 : i32
    %dma_start3A_110 = arith.constant 0 : i32
    %dma_start3A_111 = tpu.memref_slice %arg9[%dma_start3A_107, %dma_start3A_109, %dma_start3A_110] : memref<8x32x128xf32, #tpu.memory_space<vmem>> -> memref<1x32x128xf32, #tpu.memory_space<vmem>>
    %dma_start3A_112 = tpu.memref_squeeze %dma_start3A_111 : memref<1x32x128xf32, #tpu.memory_space<vmem>> -> memref<32x128xf32, #tpu.memory_space<vmem>>
    %dma_start3A_113 = arith.constant 0 : i32
    %dma_start3A_114 = tpu.memref_slice %arg4[%dma_start3A_113, %multiple_of3A_101] : memref<32x1000000xf32, #tpu.memory_space<hbm>> -> memref<32x128xf32, #tpu.memory_space<hbm>>
    %dma_start3A_115 = tpu.memref_slice %arg12[%dma_start3A_108] : memref<8x!tpu.dma_semaphore, #tpu.memory_space<semaphore_mem>> -> memref<1x!tpu.dma_semaphore, #tpu.memory_space<semaphore_mem>>
    %dma_start3A_116 = tpu.memref_squeeze %dma_start3A_115 : memref<1x!tpu.dma_semaphore, #tpu.memory_space<semaphore_mem>> -> memref<!tpu.dma_semaphore, #tpu.memory_space<semaphore_mem>>
    %dma_start3A_117 = arith.constant 0 : i32
    %dma_start3A_118 = arith.constant 0 : i32
    %dma_start3A_119 = tpu.memref_slice %arg9[%dma_start3A_107, %dma_start3A_117, %dma_start3A_118] : memref<8x32x128xf32, #tpu.memory_space<vmem>> -> memref<1x32x128xf32, #tpu.memory_space<vmem>>
    %dma_start3A_120 = tpu.memref_squeeze %dma_start3A_119 : memref<1x32x128xf32, #tpu.memory_space<vmem>> -> memref<32x128xf32, #tpu.memory_space<vmem>>
    %dma_start3A_121 = arith.constant 0 : i32
    %dma_start3A_122 = tpu.memref_slice %arg4[%dma_start3A_121, %multiple_of3A_101] : memref<32x1000000xf32, #tpu.memory_space<hbm>> -> memref<32x128xf32, #tpu.memory_space<hbm>>
    tpu.enqueue_dma source(%dma_start3A_122 : memref<32x128xf32, #tpu.memory_space<hbm>>) target(%dma_start3A_120 : memref<32x128xf32, #tpu.memory_space<vmem>>) target_semaphore(%dma_start3A_116 : memref<!tpu.dma_semaphore, #tpu.memory_space<semaphore_mem>>)
    %dma_start3A_123 = arith.constant 2 : i32
    %dma_start3A_124 = arith.constant 2 : i32
    %dma_start3A_125 = arith.constant 0 : i32
    %dma_start3A_126 = arith.constant 0 : i32
    %dma_start3A_127 = tpu.memref_slice %arg10[%dma_start3A_123, %dma_start3A_125, %dma_start3A_126] : memref<8x32x128xf32, #tpu.memory_space<vmem>> -> memref<1x32x128xf32, #tpu.memory_space<vmem>>
    %dma_start3A_128 = tpu.memref_squeeze %dma_start3A_127 : memref<1x32x128xf32, #tpu.memory_space<vmem>> -> memref<32x128xf32, #tpu.memory_space<vmem>>
    %dma_start3A_129 = arith.constant 0 : i32
    %dma_start3A_130 = tpu.memref_slice %arg5[%dma_start3A_129, %multiple_of3A_106] : memref<32x1000000xf32, #tpu.memory_space<hbm>> -> memref<32x128xf32, #tpu.memory_space<hbm>>
    %dma_start3A_131 = tpu.memref_slice %arg12[%dma_start3A_124] : memref<8x!tpu.dma_semaphore, #tpu.memory_space<semaphore_mem>> -> memref<1x!tpu.dma_semaphore, #tpu.memory_space<semaphore_mem>>
    %dma_start3A_132 = tpu.memref_squeeze %dma_start3A_131 : memref<1x!tpu.dma_semaphore, #tpu.memory_space<semaphore_mem>> -> memref<!tpu.dma_semaphore, #tpu.memory_space<semaphore_mem>>
    %dma_start3A_133 = arith.constant 0 : i32
    %dma_start3A_134 = arith.constant 0 : i32
    %dma_start3A_135 = tpu.memref_slice %arg10[%dma_start3A_123, %dma_start3A_133, %dma_start3A_134] : memref<8x32x128xf32, #tpu.memory_space<vmem>> -> memref<1x32x128xf32, #tpu.memory_space<vmem>>
    %dma_start3A_136 = tpu.memref_squeeze %dma_start3A_135 : memref<1x32x128xf32, #tpu.memory_space<vmem>> -> memref<32x128xf32, #tpu.memory_space<vmem>>
    %dma_start3A_137 = arith.constant 0 : i32
    %dma_start3A_138 = tpu.memref_slice %arg5[%dma_start3A_137, %multiple_of3A_106] : memref<32x1000000xf32, #tpu.memory_space<hbm>> -> memref<32x128xf32, #tpu.memory_space<hbm>>
    tpu.enqueue_dma source(%dma_start3A_138 : memref<32x128xf32, #tpu.memory_space<hbm>>) target(%dma_start3A_136 : memref<32x128xf32, #tpu.memory_space<vmem>>) target_semaphore(%dma_start3A_132 : memref<!tpu.dma_semaphore, #tpu.memory_space<semaphore_mem>>)
    %slice3A_139 = vector.extract_strided_slice %get3A_3 {offsets = [3], sizes = [1], strides = [1]} : vector<16xi32> to vector<1xi32>
    %squeeze3A_140 = vector.extract %slice3A_139[0] : i32 from vector<1xi32>
    %slice3A_141 = vector.extract_strided_slice %get3A_5 {offsets = [3], sizes = [1], strides = [1]} : vector<16xi32> to vector<1xi32>
    %squeeze3A_142 = vector.extract %slice3A_141[0] : i32 from vector<1xi32>
    %shift_right_arithmetic3A_143 = arith.constant 7 : i32
    %shift_right_arithmetic3A_144 = arith.shrsi %squeeze3A_140, %shift_right_arithmetic3A_143 : i32
    %mul3A_145 = arith.constant 128 : i32
    %mul3A_146 = arith.muli %shift_right_arithmetic3A_144, %mul3A_145 : i32
    %multiple_of3A_147 = tpu.assume_multiple %mul3A_146, 128 : i32
    %shift_right_arithmetic3A_148 = arith.constant 7 : i32
    %shift_right_arithmetic3A_149 = arith.shrsi %squeeze3A_142, %shift_right_arithmetic3A_148 : i32
    %mul3A_150 = arith.constant 128 : i32
    %mul3A_151 = arith.muli %shift_right_arithmetic3A_149, %mul3A_150 : i32
    %multiple_of3A_152 = tpu.assume_multiple %mul3A_151, 128 : i32
    %dma_start3A_153 = arith.constant 3 : i32
    %dma_start3A_154 = arith.constant 3 : i32
    %dma_start3A_155 = arith.constant 0 : i32
    %dma_start3A_156 = arith.constant 0 : i32
    %dma_start3A_157 = tpu.memref_slice %arg9[%dma_start3A_153, %dma_start3A_155, %dma_start3A_156] : memref<8x32x128xf32, #tpu.memory_space<vmem>> -> memref<1x32x128xf32, #tpu.memory_space<vmem>>
    %dma_start3A_158 = tpu.memref_squeeze %dma_start3A_157 : memref<1x32x128xf32, #tpu.memory_space<vmem>> -> memref<32x128xf32, #tpu.memory_space<vmem>>
    %dma_start3A_159 = arith.constant 0 : i32
    %dma_start3A_160 = tpu.memref_slice %arg4[%dma_start3A_159, %multiple_of3A_147] : memref<32x1000000xf32, #tpu.memory_space<hbm>> -> memref<32x128xf32, #tpu.memory_space<hbm>>
    %dma_start3A_161 = tpu.memref_slice %arg12[%dma_start3A_154] : memref<8x!tpu.dma_semaphore, #tpu.memory_space<semaphore_mem>> -> memref<1x!tpu.dma_semaphore, #tpu.memory_space<semaphore_mem>>
    %dma_start3A_162 = tpu.memref_squeeze %dma_start3A_161 : memref<1x!tpu.dma_semaphore, #tpu.memory_space<semaphore_mem>> -> memref<!tpu.dma_semaphore, #tpu.memory_space<semaphore_mem>>
    %dma_start3A_163 = arith.constant 0 : i32
    %dma_start3A_164 = arith.constant 0 : i32
    %dma_start3A_165 = tpu.memref_slice %arg9[%dma_start3A_153, %dma_start3A_163, %dma_start3A_164] : memref<8x32x128xf32, #tpu.memory_space<vmem>> -> memref<1x32x128xf32, #tpu.memory_space<vmem>>
    %dma_start3A_166 = tpu.memref_squeeze %dma_start3A_165 : memref<1x32x128xf32, #tpu.memory_space<vmem>> -> memref<32x128xf32, #tpu.memory_space<vmem>>
    %dma_start3A_167 = arith.constant 0 : i32
    %dma_start3A_168 = tpu.memref_slice %arg4[%dma_start3A_167, %multiple_of3A_147] : memref<32x1000000xf32, #tpu.memory_space<hbm>> -> memref<32x128xf32, #tpu.memory_space<hbm>>
    tpu.enqueue_dma source(%dma_start3A_168 : memref<32x128xf32, #tpu.memory_space<hbm>>) target(%dma_start3A_166 : memref<32x128xf32, #tpu.memory_space<vmem>>) target_semaphore(%dma_start3A_162 : memref<!tpu.dma_semaphore, #tpu.memory_space<semaphore_mem>>)
    %dma_start3A_169 = arith.constant 3 : i32
    %dma_start3A_170 = arith.constant 3 : i32
    %dma_start3A_171 = arith.constant 0 : i32
    %dma_start3A_172 = arith.constant 0 : i32
    %dma_start3A_173 = tpu.memref_slice %arg10[%dma_start3A_169, %dma_start3A_171, %dma_start3A_172] : memref<8x32x128xf32, #tpu.memory_space<vmem>> -> memref<1x32x128xf32, #tpu.memory_space<vmem>>
    %dma_start3A_174 = tpu.memref_squeeze %dma_start3A_173 : memref<1x32x128xf32, #tpu.memory_space<vmem>> -> memref<32x128xf32, #tpu.memory_space<vmem>>
    %dma_start3A_175 = arith.constant 0 : i32
    %dma_start3A_176 = tpu.memref_slice %arg5[%dma_start3A_175, %multiple_of3A_152] : memref<32x1000000xf32, #tpu.memory_space<hbm>> -> memref<32x128xf32, #tpu.memory_space<hbm>>
    %dma_start3A_177 = tpu.memref_slice %arg12[%dma_start3A_170] : memref<8x!tpu.dma_semaphore, #tpu.memory_space<semaphore_mem>> -> memref<1x!tpu.dma_semaphore, #tpu.memory_space<semaphore_mem>>
    %dma_start3A_178 = tpu.memref_squeeze %dma_start3A_177 : memref<1x!tpu.dma_semaphore, #tpu.memory_space<semaphore_mem>> -> memref<!tpu.dma_semaphore, #tpu.memory_space<semaphore_mem>>
    %dma_start3A_179 = arith.constant 0 : i32
    %dma_start3A_180 = arith.constant 0 : i32
    %dma_start3A_181 = tpu.memref_slice %arg10[%dma_start3A_169, %dma_start3A_179, %dma_start3A_180] : memref<8x32x128xf32, #tpu.memory_space<vmem>> -> memref<1x32x128xf32, #tpu.memory_space<vmem>>
    %dma_start3A_182 = tpu.memref_squeeze %dma_start3A_181 : memref<1x32x128xf32, #tpu.memory_space<vmem>> -> memref<32x128xf32, #tpu.memory_space<vmem>>
    %dma_start3A_183 = arith.constant 0 : i32
    %dma_start3A_184 = tpu.memref_slice %arg5[%dma_start3A_183, %multiple_of3A_152] : memref<32x1000000xf32, #tpu.memory_space<hbm>> -> memref<32x128xf32, #tpu.memory_space<hbm>>
    tpu.enqueue_dma source(%dma_start3A_184 : memref<32x128xf32, #tpu.memory_space<hbm>>) target(%dma_start3A_182 : memref<32x128xf32, #tpu.memory_space<vmem>>) target_semaphore(%dma_start3A_178 : memref<!tpu.dma_semaphore, #tpu.memory_space<semaphore_mem>>)
    %slice3A_185 = vector.extract_strided_slice %get3A_3 {offsets = [4], sizes = [1], strides = [1]} : vector<16xi32> to vector<1xi32>
    %squeeze3A_186 = vector.extract %slice3A_185[0] : i32 from vector<1xi32>
    %slice3A_187 = vector.extract_strided_slice %get3A_5 {offsets = [4], sizes = [1], strides = [1]} : vector<16xi32> to vector<1xi32>
    %squeeze3A_188 = vector.extract %slice3A_187[0] : i32 from vector<1xi32>
    %shift_right_arithmetic3A_189 = arith.constant 7 : i32
    %shift_right_arithmetic3A_190 = arith.shrsi %squeeze3A_186, %shift_right_arithmetic3A_189 : i32
    %mul3A_191 = arith.constant 128 : i32
    %mul3A_192 = arith.muli %shift_right_arithmetic3A_190, %mul3A_191 : i32
    %multiple_of3A_193 = tpu.assume_multiple %mul3A_192, 128 : i32
    %shift_right_arithmetic3A_194 = arith.constant 7 : i32
    %shift_right_arithmetic3A_195 = arith.shrsi %squeeze3A_188, %shift_right_arithmetic3A_194 : i32
    %mul3A_196 = arith.constant 128 : i32
    %mul3A_197 = arith.muli %shift_right_arithmetic3A_195, %mul3A_196 : i32
    %multiple_of3A_198 = tpu.assume_multiple %mul3A_197, 128 : i32
    %dma_start3A_199 = arith.constant 4 : i32
    %dma_start3A_200 = arith.constant 4 : i32
    %dma_start3A_201 = arith.constant 0 : i32
    %dma_start3A_202 = arith.constant 0 : i32
    %dma_start3A_203 = tpu.memref_slice %arg9[%dma_start3A_199, %dma_start3A_201, %dma_start3A_202] : memref<8x32x128xf32, #tpu.memory_space<vmem>> -> memref<1x32x128xf32, #tpu.memory_space<vmem>>
    %dma_start3A_204 = tpu.memref_squeeze %dma_start3A_203 : memref<1x32x128xf32, #tpu.memory_space<vmem>> -> memref<32x128xf32, #tpu.memory_space<vmem>>
    %dma_start3A_205 = arith.constant 0 : i32
    %dma_start3A_206 = tpu.memref_slice %arg4[%dma_start3A_205, %multiple_of3A_193] : memref<32x1000000xf32, #tpu.memory_space<hbm>> -> memref<32x128xf32, #tpu.memory_space<hbm>>
    %dma_start3A_207 = tpu.memref_slice %arg12[%dma_start3A_200] : memref<8x!tpu.dma_semaphore, #tpu.memory_space<semaphore_mem>> -> memref<1x!tpu.dma_semaphore, #tpu.memory_space<semaphore_mem>>
    %dma_start3A_208 = tpu.memref_squeeze %dma_start3A_207 : memref<1x!tpu.dma_semaphore, #tpu.memory_space<semaphore_mem>> -> memref<!tpu.dma_semaphore, #tpu.memory_space<semaphore_mem>>
    %dma_start3A_209 = arith.constant 0 : i32
    %dma_start3A_210 = arith.constant 0 : i32
    %dma_start3A_211 = tpu.memref_slice %arg9[%dma_start3A_199, %dma_start3A_209, %dma_start3A_210] : memref<8x32x128xf32, #tpu.memory_space<vmem>> -> memref<1x32x128xf32, #tpu.memory_space<vmem>>
    %dma_start3A_212 = tpu.memref_squeeze %dma_start3A_211 : memref<1x32x128xf32, #tpu.memory_space<vmem>> -> memref<32x128xf32, #tpu.memory_space<vmem>>
    %dma_start3A_213 = arith.constant 0 : i32
    %dma_start3A_214 = tpu.memref_slice %arg4[%dma_start3A_213, %multiple_of3A_193] : memref<32x1000000xf32, #tpu.memory_space<hbm>> -> memref<32x128xf32, #tpu.memory_space<hbm>>
    tpu.enqueue_dma source(%dma_start3A_214 : memref<32x128xf32, #tpu.memory_space<hbm>>) target(%dma_start3A_212 : memref<32x128xf32, #tpu.memory_space<vmem>>) target_semaphore(%dma_start3A_208 : memref<!tpu.dma_semaphore, #tpu.memory_space<semaphore_mem>>)
    %dma_start3A_215 = arith.constant 4 : i32
    %dma_start3A_216 = arith.constant 4 : i32
    %dma_start3A_217 = arith.constant 0 : i32
    %dma_start3A_218 = arith.constant 0 : i32
    %dma_start3A_219 = tpu.memref_slice %arg10[%dma_start3A_215, %dma_start3A_217, %dma_start3A_218] : memref<8x32x128xf32, #tpu.memory_space<vmem>> -> memref<1x32x128xf32, #tpu.memory_space<vmem>>
    %dma_start3A_220 = tpu.memref_squeeze %dma_start3A_219 : memref<1x32x128xf32, #tpu.memory_space<vmem>> -> memref<32x128xf32, #tpu.memory_space<vmem>>
    %dma_start3A_221 = arith.constant 0 : i32
    %dma_start3A_222 = tpu.memref_slice %arg5[%dma_start3A_221, %multiple_of3A_198] : memref<32x1000000xf32, #tpu.memory_space<hbm>> -> memref<32x128xf32, #tpu.memory_space<hbm>>
    %dma_start3A_223 = tpu.memref_slice %arg12[%dma_start3A_216] : memref<8x!tpu.dma_semaphore, #tpu.memory_space<semaphore_mem>> -> memref<1x!tpu.dma_semaphore, #tpu.memory_space<semaphore_mem>>
    %dma_start3A_224 = tpu.memref_squeeze %dma_start3A_223 : memref<1x!tpu.dma_semaphore, #tpu.memory_space<semaphore_mem>> -> memref<!tpu.dma_semaphore, #tpu.memory_space<semaphore_mem>>
    %dma_start3A_225 = arith.constant 0 : i32
    %dma_start3A_226 = arith.constant 0 : i32
    %dma_start3A_227 = tpu.memref_slice %arg10[%dma_start3A_215, %dma_start3A_225, %dma_start3A_226] : memref<8x32x128xf32, #tpu.memory_space<vmem>> -> memref<1x32x128xf32, #tpu.memory_space<vmem>>
    %dma_start3A_228 = tpu.memref_squeeze %dma_start3A_227 : memref<1x32x128xf32, #tpu.memory_space<vmem>> -> memref<32x128xf32, #tpu.memory_space<vmem>>
    %dma_start3A_229 = arith.constant 0 : i32
    %dma_start3A_230 = tpu.memref_slice %arg5[%dma_start3A_229, %multiple_of3A_198] : memref<32x1000000xf32, #tpu.memory_space<hbm>> -> memref<32x128xf32, #tpu.memory_space<hbm>>
    tpu.enqueue_dma source(%dma_start3A_230 : memref<32x128xf32, #tpu.memory_space<hbm>>) target(%dma_start3A_228 : memref<32x128xf32, #tpu.memory_space<vmem>>) target_semaphore(%dma_start3A_224 : memref<!tpu.dma_semaphore, #tpu.memory_space<semaphore_mem>>)
    %slice3A_231 = vector.extract_strided_slice %get3A_3 {offsets = [5], sizes = [1], strides = [1]} : vector<16xi32> to vector<1xi32>
    %squeeze3A_232 = vector.extract %slice3A_231[0] : i32 from vector<1xi32>
    %slice3A_233 = vector.extract_strided_slice %get3A_5 {offsets = [5], sizes = [1], strides = [1]} : vector<16xi32> to vector<1xi32>
    %squeeze3A_234 = vector.extract %slice3A_233[0] : i32 from vector<1xi32>
    %shift_right_arithmetic3A_235 = arith.constant 7 : i32
    %shift_right_arithmetic3A_236 = arith.shrsi %squeeze3A_232, %shift_right_arithmetic3A_235 : i32
    %mul3A_237 = arith.constant 128 : i32
    %mul3A_238 = arith.muli %shift_right_arithmetic3A_236, %mul3A_237 : i32
    %multiple_of3A_239 = tpu.assume_multiple %mul3A_238, 128 : i32
    %shift_right_arithmetic3A_240 = arith.constant 7 : i32
    %shift_right_arithmetic3A_241 = arith.shrsi %squeeze3A_234, %shift_right_arithmetic3A_240 : i32
    %mul3A_242 = arith.constant 128 : i32
    %mul3A_243 = arith.muli %shift_right_arithmetic3A_241, %mul3A_242 : i32
    %multiple_of3A_244 = tpu.assume_multiple %mul3A_243, 128 : i32
    %dma_start3A_245 = arith.constant 5 : i32
    %dma_start3A_246 = arith.constant 5 : i32
    %dma_start3A_247 = arith.constant 0 : i32
    %dma_start3A_248 = arith.constant 0 : i32
    %dma_start3A_249 = tpu.memref_slice %arg9[%dma_start3A_245, %dma_start3A_247, %dma_start3A_248] : memref<8x32x128xf32, #tpu.memory_space<vmem>> -> memref<1x32x128xf32, #tpu.memory_space<vmem>>
    %dma_start3A_250 = tpu.memref_squeeze %dma_start3A_249 : memref<1x32x128xf32, #tpu.memory_space<vmem>> -> memref<32x128xf32, #tpu.memory_space<vmem>>
    %dma_start3A_251 = arith.constant 0 : i32
    %dma_start3A_252 = tpu.memref_slice %arg4[%dma_start3A_251, %multiple_of3A_239] : memref<32x1000000xf32, #tpu.memory_space<hbm>> -> memref<32x128xf32, #tpu.memory_space<hbm>>
    %dma_start3A_253 = tpu.memref_slice %arg12[%dma_start3A_246] : memref<8x!tpu.dma_semaphore, #tpu.memory_space<semaphore_mem>> -> memref<1x!tpu.dma_semaphore, #tpu.memory_space<semaphore_mem>>
    %dma_start3A_254 = tpu.memref_squeeze %dma_start3A_253 : memref<1x!tpu.dma_semaphore, #tpu.memory_space<semaphore_mem>> -> memref<!tpu.dma_semaphore, #tpu.memory_space<semaphore_mem>>
    %dma_start3A_255 = arith.constant 0 : i32
    %dma_start3A_256 = arith.constant 0 : i32
    %dma_start3A_257 = tpu.memref_slice %arg9[%dma_start3A_245, %dma_start3A_255, %dma_start3A_256] : memref<8x32x128xf32, #tpu.memory_space<vmem>> -> memref<1x32x128xf32, #tpu.memory_space<vmem>>
    %dma_start3A_258 = tpu.memref_squeeze %dma_start3A_257 : memref<1x32x128xf32, #tpu.memory_space<vmem>> -> memref<32x128xf32, #tpu.memory_space<vmem>>
    %dma_start3A_259 = arith.constant 0 : i32
    %dma_start3A_260 = tpu.memref_slice %arg4[%dma_start3A_259, %multiple_of3A_239] : memref<32x1000000xf32, #tpu.memory_space<hbm>> -> memref<32x128xf32, #tpu.memory_space<hbm>>
    tpu.enqueue_dma source(%dma_start3A_260 : memref<32x128xf32, #tpu.memory_space<hbm>>) target(%dma_start3A_258 : memref<32x128xf32, #tpu.memory_space<vmem>>) target_semaphore(%dma_start3A_254 : memref<!tpu.dma_semaphore, #tpu.memory_space<semaphore_mem>>)
    %dma_start3A_261 = arith.constant 5 : i32
    %dma_start3A_262 = arith.constant 5 : i32
    %dma_start3A_263 = arith.constant 0 : i32
    %dma_start3A_264 = arith.constant 0 : i32
    %dma_start3A_265 = tpu.memref_slice %arg10[%dma_start3A_261, %dma_start3A_263, %dma_start3A_264] : memref<8x32x128xf32, #tpu.memory_space<vmem>> -> memref<1x32x128xf32, #tpu.memory_space<vmem>>
    %dma_start3A_266 = tpu.memref_squeeze %dma_start3A_265 : memref<1x32x128xf32, #tpu.memory_space<vmem>> -> memref<32x128xf32, #tpu.memory_space<vmem>>
    %dma_start3A_267 = arith.constant 0 : i32
    %dma_start3A_268 = tpu.memref_slice %arg5[%dma_start3A_267, %multiple_of3A_244] : memref<32x1000000xf32, #tpu.memory_space<hbm>> -> memref<32x128xf32, #tpu.memory_space<hbm>>
    %dma_start3A_269 = tpu.memref_slice %arg12[%dma_start3A_262] : memref<8x!tpu.dma_semaphore, #tpu.memory_space<semaphore_mem>> -> memref<1x!tpu.dma_semaphore, #tpu.memory_space<semaphore_mem>>
    %dma_start3A_270 = tpu.memref_squeeze %dma_start3A_269 : memref<1x!tpu.dma_semaphore, #tpu.memory_space<semaphore_mem>> -> memref<!tpu.dma_semaphore, #tpu.memory_space<semaphore_mem>>
    %dma_start3A_271 = arith.constant 0 : i32
    %dma_start3A_272 = arith.constant 0 : i32
    %dma_start3A_273 = tpu.memref_slice %arg10[%dma_start3A_261, %dma_start3A_271, %dma_start3A_272] : memref<8x32x128xf32, #tpu.memory_space<vmem>> -> memref<1x32x128xf32, #tpu.memory_space<vmem>>
    %dma_start3A_274 = tpu.memref_squeeze %dma_start3A_273 : memref<1x32x128xf32, #tpu.memory_space<vmem>> -> memref<32x128xf32, #tpu.memory_space<vmem>>
    %dma_start3A_275 = arith.constant 0 : i32
    %dma_start3A_276 = tpu.memref_slice %arg5[%dma_start3A_275, %multiple_of3A_244] : memref<32x1000000xf32, #tpu.memory_space<hbm>> -> memref<32x128xf32, #tpu.memory_space<hbm>>
    tpu.enqueue_dma source(%dma_start3A_276 : memref<32x128xf32, #tpu.memory_space<hbm>>) target(%dma_start3A_274 : memref<32x128xf32, #tpu.memory_space<vmem>>) target_semaphore(%dma_start3A_270 : memref<!tpu.dma_semaphore, #tpu.memory_space<semaphore_mem>>)
    %slice3A_277 = vector.extract_strided_slice %get3A_3 {offsets = [6], sizes = [1], strides = [1]} : vector<16xi32> to vector<1xi32>
    %squeeze3A_278 = vector.extract %slice3A_277[0] : i32 from vector<1xi32>
    %slice3A_279 = vector.extract_strided_slice %get3A_5 {offsets = [6], sizes = [1], strides = [1]} : vector<16xi32> to vector<1xi32>
    %squeeze3A_280 = vector.extract %slice3A_279[0] : i32 from vector<1xi32>
    %shift_right_arithmetic3A_281 = arith.constant 7 : i32
    %shift_right_arithmetic3A_282 = arith.shrsi %squeeze3A_278, %shift_right_arithmetic3A_281 : i32
    %mul3A_283 = arith.constant 128 : i32
    %mul3A_284 = arith.muli %shift_right_arithmetic3A_282, %mul3A_283 : i32
    %multiple_of3A_285 = tpu.assume_multiple %mul3A_284, 128 : i32
    %shift_right_arithmetic3A_286 = arith.constant 7 : i32
    %shift_right_arithmetic3A_287 = arith.shrsi %squeeze3A_280, %shift_right_arithmetic3A_286 : i32
    %mul3A_288 = arith.constant 128 : i32
    %mul3A_289 = arith.muli %shift_right_arithmetic3A_287, %mul3A_288 : i32
    %multiple_of3A_290 = tpu.assume_multiple %mul3A_289, 128 : i32
    %dma_start3A_291 = arith.constant 6 : i32
    %dma_start3A_292 = arith.constant 6 : i32
    %dma_start3A_293 = arith.constant 0 : i32
    %dma_start3A_294 = arith.constant 0 : i32
    %dma_start3A_295 = tpu.memref_slice %arg9[%dma_start3A_291, %dma_start3A_293, %dma_start3A_294] : memref<8x32x128xf32, #tpu.memory_space<vmem>> -> memref<1x32x128xf32, #tpu.memory_space<vmem>>
    %dma_start3A_296 = tpu.memref_squeeze %dma_start3A_295 : memref<1x32x128xf32, #tpu.memory_space<vmem>> -> memref<32x128xf32, #tpu.memory_space<vmem>>
    %dma_start3A_297 = arith.constant 0 : i32
    %dma_start3A_298 = tpu.memref_slice %arg4[%dma_start3A_297, %multiple_of3A_285] : memref<32x1000000xf32, #tpu.memory_space<hbm>> -> memref<32x128xf32, #tpu.memory_space<hbm>>
    %dma_start3A_299 = tpu.memref_slice %arg12[%dma_start3A_292] : memref<8x!tpu.dma_semaphore, #tpu.memory_space<semaphore_mem>> -> memref<1x!tpu.dma_semaphore, #tpu.memory_space<semaphore_mem>>
    %dma_start3A_300 = tpu.memref_squeeze %dma_start3A_299 : memref<1x!tpu.dma_semaphore, #tpu.memory_space<semaphore_mem>> -> memref<!tpu.dma_semaphore, #tpu.memory_space<semaphore_mem>>
    %dma_start3A_301 = arith.constant 0 : i32
    %dma_start3A_302 = arith.constant 0 : i32
    %dma_start3A_303 = tpu.memref_slice %arg9[%dma_start3A_291, %dma_start3A_301, %dma_start3A_302] : memref<8x32x128xf32, #tpu.memory_space<vmem>> -> memref<1x32x128xf32, #tpu.memory_space<vmem>>
    %dma_start3A_304 = tpu.memref_squeeze %dma_start3A_303 : memref<1x32x128xf32, #tpu.memory_space<vmem>> -> memref<32x128xf32, #tpu.memory_space<vmem>>
    %dma_start3A_305 = arith.constant 0 : i32
    %dma_start3A_306 = tpu.memref_slice %arg4[%dma_start3A_305, %multiple_of3A_285] : memref<32x1000000xf32, #tpu.memory_space<hbm>> -> memref<32x128xf32, #tpu.memory_space<hbm>>
    tpu.enqueue_dma source(%dma_start3A_306 : memref<32x128xf32, #tpu.memory_space<hbm>>) target(%dma_start3A_304 : memref<32x128xf32, #tpu.memory_space<vmem>>) target_semaphore(%dma_start3A_300 : memref<!tpu.dma_semaphore, #tpu.memory_space<semaphore_mem>>)
    %dma_start3A_307 = arith.constant 6 : i32
    %dma_start3A_308 = arith.constant 6 : i32
    %dma_start3A_309 = arith.constant 0 : i32
    %dma_start3A_310 = arith.constant 0 : i32
    %dma_start3A_311 = tpu.memref_slice %arg10[%dma_start3A_307, %dma_start3A_309, %dma_start3A_310] : memref<8x32x128xf32, #tpu.memory_space<vmem>> -> memref<1x32x128xf32, #tpu.memory_space<vmem>>
    %dma_start3A_312 = tpu.memref_squeeze %dma_start3A_311 : memref<1x32x128xf32, #tpu.memory_space<vmem>> -> memref<32x128xf32, #tpu.memory_space<vmem>>
    %dma_start3A_313 = arith.constant 0 : i32
    %dma_start3A_314 = tpu.memref_slice %arg5[%dma_start3A_313, %multiple_of3A_290] : memref<32x1000000xf32, #tpu.memory_space<hbm>> -> memref<32x128xf32, #tpu.memory_space<hbm>>
    %dma_start3A_315 = tpu.memref_slice %arg12[%dma_start3A_308] : memref<8x!tpu.dma_semaphore, #tpu.memory_space<semaphore_mem>> -> memref<1x!tpu.dma_semaphore, #tpu.memory_space<semaphore_mem>>
    %dma_start3A_316 = tpu.memref_squeeze %dma_start3A_315 : memref<1x!tpu.dma_semaphore, #tpu.memory_space<semaphore_mem>> -> memref<!tpu.dma_semaphore, #tpu.memory_space<semaphore_mem>>
    %dma_start3A_317 = arith.constant 0 : i32
    %dma_start3A_318 = arith.constant 0 : i32
    %dma_start3A_319 = tpu.memref_slice %arg10[%dma_start3A_307, %dma_start3A_317, %dma_start3A_318] : memref<8x32x128xf32, #tpu.memory_space<vmem>> -> memref<1x32x128xf32, #tpu.memory_space<vmem>>
    %dma_start3A_320 = tpu.memref_squeeze %dma_start3A_319 : memref<1x32x128xf32, #tpu.memory_space<vmem>> -> memref<32x128xf32, #tpu.memory_space<vmem>>
    %dma_start3A_321 = arith.constant 0 : i32
    %dma_start3A_322 = tpu.memref_slice %arg5[%dma_start3A_321, %multiple_of3A_290] : memref<32x1000000xf32, #tpu.memory_space<hbm>> -> memref<32x128xf32, #tpu.memory_space<hbm>>
    tpu.enqueue_dma source(%dma_start3A_322 : memref<32x128xf32, #tpu.memory_space<hbm>>) target(%dma_start3A_320 : memref<32x128xf32, #tpu.memory_space<vmem>>) target_semaphore(%dma_start3A_316 : memref<!tpu.dma_semaphore, #tpu.memory_space<semaphore_mem>>)
    %slice3A_323 = vector.extract_strided_slice %get3A_3 {offsets = [7], sizes = [1], strides = [1]} : vector<16xi32> to vector<1xi32>
    %squeeze3A_324 = vector.extract %slice3A_323[0] : i32 from vector<1xi32>
    %slice3A_325 = vector.extract_strided_slice %get3A_5 {offsets = [7], sizes = [1], strides = [1]} : vector<16xi32> to vector<1xi32>
    %squeeze3A_326 = vector.extract %slice3A_325[0] : i32 from vector<1xi32>
    %shift_right_arithmetic3A_327 = arith.constant 7 : i32
    %shift_right_arithmetic3A_328 = arith.shrsi %squeeze3A_324, %shift_right_arithmetic3A_327 : i32
    %mul3A_329 = arith.constant 128 : i32
    %mul3A_330 = arith.muli %shift_right_arithmetic3A_328, %mul3A_329 : i32
    %multiple_of3A_331 = tpu.assume_multiple %mul3A_330, 128 : i32
    %shift_right_arithmetic3A_332 = arith.constant 7 : i32
    %shift_right_arithmetic3A_333 = arith.shrsi %squeeze3A_326, %shift_right_arithmetic3A_332 : i32
    %mul3A_334 = arith.constant 128 : i32
    %mul3A_335 = arith.muli %shift_right_arithmetic3A_333, %mul3A_334 : i32
    %multiple_of3A_336 = tpu.assume_multiple %mul3A_335, 128 : i32
    %dma_start3A_337 = arith.constant 7 : i32
    %dma_start3A_338 = arith.constant 7 : i32
    %dma_start3A_339 = arith.constant 0 : i32
    %dma_start3A_340 = arith.constant 0 : i32
    %dma_start3A_341 = tpu.memref_slice %arg9[%dma_start3A_337, %dma_start3A_339, %dma_start3A_340] : memref<8x32x128xf32, #tpu.memory_space<vmem>> -> memref<1x32x128xf32, #tpu.memory_space<vmem>>
    %dma_start3A_342 = tpu.memref_squeeze %dma_start3A_341 : memref<1x32x128xf32, #tpu.memory_space<vmem>> -> memref<32x128xf32, #tpu.memory_space<vmem>>
    %dma_start3A_343 = arith.constant 0 : i32
    %dma_start3A_344 = tpu.memref_slice %arg4[%dma_start3A_343, %multiple_of3A_331] : memref<32x1000000xf32, #tpu.memory_space<hbm>> -> memref<32x128xf32, #tpu.memory_space<hbm>>
    %dma_start3A_345 = tpu.memref_slice %arg12[%dma_start3A_338] : memref<8x!tpu.dma_semaphore, #tpu.memory_space<semaphore_mem>> -> memref<1x!tpu.dma_semaphore, #tpu.memory_space<semaphore_mem>>
    %dma_start3A_346 = tpu.memref_squeeze %dma_start3A_345 : memref<1x!tpu.dma_semaphore, #tpu.memory_space<semaphore_mem>> -> memref<!tpu.dma_semaphore, #tpu.memory_space<semaphore_mem>>
    %dma_start3A_347 = arith.constant 0 : i32
    %dma_start3A_348 = arith.constant 0 : i32
    %dma_start3A_349 = tpu.memref_slice %arg9[%dma_start3A_337, %dma_start3A_347, %dma_start3A_348] : memref<8x32x128xf32, #tpu.memory_space<vmem>> -> memref<1x32x128xf32, #tpu.memory_space<vmem>>
    %dma_start3A_350 = tpu.memref_squeeze %dma_start3A_349 : memref<1x32x128xf32, #tpu.memory_space<vmem>> -> memref<32x128xf32, #tpu.memory_space<vmem>>
    %dma_start3A_351 = arith.constant 0 : i32
    %dma_start3A_352 = tpu.memref_slice %arg4[%dma_start3A_351, %multiple_of3A_331] : memref<32x1000000xf32, #tpu.memory_space<hbm>> -> memref<32x128xf32, #tpu.memory_space<hbm>>
    tpu.enqueue_dma source(%dma_start3A_352 : memref<32x128xf32, #tpu.memory_space<hbm>>) target(%dma_start3A_350 : memref<32x128xf32, #tpu.memory_space<vmem>>) target_semaphore(%dma_start3A_346 : memref<!tpu.dma_semaphore, #tpu.memory_space<semaphore_mem>>)
    %dma_start3A_353 = arith.constant 7 : i32
    %dma_start3A_354 = arith.constant 7 : i32
    %dma_start3A_355 = arith.constant 0 : i32
    %dma_start3A_356 = arith.constant 0 : i32
    %dma_start3A_357 = tpu.memref_slice %arg10[%dma_start3A_353, %dma_start3A_355, %dma_start3A_356] : memref<8x32x128xf32, #tpu.memory_space<vmem>> -> memref<1x32x128xf32, #tpu.memory_space<vmem>>
    %dma_start3A_358 = tpu.memref_squeeze %dma_start3A_357 : memref<1x32x128xf32, #tpu.memory_space<vmem>> -> memref<32x128xf32, #tpu.memory_space<vmem>>
    %dma_start3A_359 = arith.constant 0 : i32
    %dma_start3A_360 = tpu.memref_slice %arg5[%dma_start3A_359, %multiple_of3A_336] : memref<32x1000000xf32, #tpu.memory_space<hbm>> -> memref<32x128xf32, #tpu.memory_space<hbm>>
    %dma_start3A_361 = tpu.memref_slice %arg12[%dma_start3A_354] : memref<8x!tpu.dma_semaphore, #tpu.memory_space<semaphore_mem>> -> memref<1x!tpu.dma_semaphore, #tpu.memory_space<semaphore_mem>>
    %dma_start3A_362 = tpu.memref_squeeze %dma_start3A_361 : memref<1x!tpu.dma_semaphore, #tpu.memory_space<semaphore_mem>> -> memref<!tpu.dma_semaphore, #tpu.memory_space<semaphore_mem>>
    %dma_start3A_363 = arith.constant 0 : i32
    %dma_start3A_364 = arith.constant 0 : i32
    %dma_start3A_365 = tpu.memref_slice %arg10[%dma_start3A_353, %dma_start3A_363, %dma_start3A_364] : memref<8x32x128xf32, #tpu.memory_space<vmem>> -> memref<1x32x128xf32, #tpu.memory_space<vmem>>
    %dma_start3A_366 = tpu.memref_squeeze %dma_start3A_365 : memref<1x32x128xf32, #tpu.memory_space<vmem>> -> memref<32x128xf32, #tpu.memory_space<vmem>>
    %dma_start3A_367 = arith.constant 0 : i32
    %dma_start3A_368 = tpu.memref_slice %arg5[%dma_start3A_367, %multiple_of3A_336] : memref<32x1000000xf32, #tpu.memory_space<hbm>> -> memref<32x128xf32, #tpu.memory_space<hbm>>
    tpu.enqueue_dma source(%dma_start3A_368 : memref<32x128xf32, #tpu.memory_space<hbm>>) target(%dma_start3A_366 : memref<32x128xf32, #tpu.memory_space<vmem>>) target_semaphore(%dma_start3A_362 : memref<!tpu.dma_semaphore, #tpu.memory_space<semaphore_mem>>)
    %broadcast_in_dim3A = arith.constant 0.000000e+00 : f32
    %broadcast_in_dim3A_369 = vector.broadcast %broadcast_in_dim3A : f32 to vector<16xf32>
    %scan3A = arith.constant 0 : i32
    %scan3A_370 = arith.constant 64 : i32
    %scan3A_371 = arith.addi %scan3A, %scan3A_370 : i32
    %scan3A_372 = arith.constant 1 : i32
    %scan3A_373 = scf.for %scan3A_375 = %scan3A to %scan3A_371 step %scan3A_372 iter_args(%scan3A_376 = %broadcast_in_dim3A_369) -> (vector<16xf32>)  : i32 {
      %mul3A_377 = arith.constant 8 : i32
      %mul3A_378 = arith.muli %scan3A_375, %mul3A_377 : i32
      %multiple_of3A_379 = tpu.assume_multiple %mul3A_378, 8 : i32
      %get3A_380 = arith.index_cast %multiple_of3A_379 : i32 to index
      %get3A_381 = tpu.vector_load %arg7[%get3A_380] {strides = array<i32>} : memref<528xi32, #tpu.memory_space<vmem>>, vector<16xi32>,
      %get3A_382 = arith.index_cast %multiple_of3A_379 : i32 to index
      %get3A_383 = tpu.vector_load %arg8[%get3A_382] {strides = array<i32>} : memref<528xi32, #tpu.memory_space<vmem>>, vector<16xi32>,
      %dma_wait3A = arith.constant 0 : i32
      %dma_wait3A_384 = arith.constant 0 : i32
      %dma_wait3A_385 = arith.constant 0 : i32
      %dma_wait3A_386 = arith.constant 0 : i32
      %dma_wait3A_387 = tpu.memref_slice %arg9[%dma_wait3A, %dma_wait3A_385, %dma_wait3A_386] : memref<8x32x128xf32, #tpu.memory_space<vmem>> -> memref<1x32x128xf32, #tpu.memory_space<vmem>>
      %dma_wait3A_388 = tpu.memref_squeeze %dma_wait3A_387 : memref<1x32x128xf32, #tpu.memory_space<vmem>> -> memref<32x128xf32, #tpu.memory_space<vmem>>
      %dma_wait3A_389 = arith.constant 0 : i32
      %dma_wait3A_390 = arith.constant 0 : i32
      %dma_wait3A_391 = tpu.memref_slice %arg4[%dma_wait3A_389, %dma_wait3A_390] : memref<32x1000000xf32, #tpu.memory_space<hbm>> -> memref<32x128xf32, #tpu.memory_space<hbm>>
      %dma_wait3A_392 = tpu.memref_slice %arg12[%dma_wait3A_384] : memref<8x!tpu.dma_semaphore, #tpu.memory_space<semaphore_mem>> -> memref<1x!tpu.dma_semaphore, #tpu.memory_space<semaphore_mem>>
      %dma_wait3A_393 = tpu.memref_squeeze %dma_wait3A_392 : memref<1x!tpu.dma_semaphore, #tpu.memory_space<semaphore_mem>> -> memref<!tpu.dma_semaphore, #tpu.memory_space<semaphore_mem>>
      %dma_wait3A_394 = arith.constant 0 : i32
      %dma_wait3A_395 = arith.constant 0 : i32
      %dma_wait3A_396 = tpu.memref_slice %arg9[%dma_wait3A, %dma_wait3A_394, %dma_wait3A_395] : memref<8x32x128xf32, #tpu.memory_space<vmem>> -> memref<1x32x128xf32, #tpu.memory_space<vmem>>
      %dma_wait3A_397 = tpu.memref_squeeze %dma_wait3A_396 : memref<1x32x128xf32, #tpu.memory_space<vmem>> -> memref<32x128xf32, #tpu.memory_space<vmem>>
      %dma_wait3A_398 = arith.constant 0 : i32
      %dma_wait3A_399 = arith.constant 0 : i32
      %dma_wait3A_400 = tpu.memref_slice %arg4[%dma_wait3A_398, %dma_wait3A_399] : memref<32x1000000xf32, #tpu.memory_space<hbm>> -> memref<32x128xf32, #tpu.memory_space<hbm>>
      tpu.wait_dma2 semaphore(%dma_wait3A_393 : memref<!tpu.dma_semaphore, #tpu.memory_space<semaphore_mem>>) src(%dma_wait3A_400 : memref<32x128xf32, #tpu.memory_space<hbm>>) dst(%dma_wait3A_397 : memref<32x128xf32, #tpu.memory_space<vmem>>)
      %dma_wait3A_401 = arith.constant 0 : i32
      %dma_wait3A_402 = arith.constant 0 : i32
      %dma_wait3A_403 = arith.constant 0 : i32
      %dma_wait3A_404 = arith.constant 0 : i32
      %dma_wait3A_405 = tpu.memref_slice %arg10[%dma_wait3A_401, %dma_wait3A_403, %dma_wait3A_404] : memref<8x32x128xf32, #tpu.memory_space<vmem>> -> memref<1x32x128xf32, #tpu.memory_space<vmem>>
      %dma_wait3A_406 = tpu.memref_squeeze %dma_wait3A_405 : memref<1x32x128xf32, #tpu.memory_space<vmem>> -> memref<32x128xf32, #tpu.memory_space<vmem>>
      %dma_wait3A_407 = arith.constant 0 : i32
      %dma_wait3A_408 = arith.constant 0 : i32
      %dma_wait3A_409 = tpu.memref_slice %arg5[%dma_wait3A_407, %dma_wait3A_408] : memref<32x1000000xf32, #tpu.memory_space<hbm>> -> memref<32x128xf32, #tpu.memory_space<hbm>>
      %dma_wait3A_410 = tpu.memref_slice %arg12[%dma_wait3A_402] : memref<8x!tpu.dma_semaphore, #tpu.memory_space<semaphore_mem>> -> memref<1x!tpu.dma_semaphore, #tpu.memory_space<semaphore_mem>>
      %dma_wait3A_411 = tpu.memref_squeeze %dma_wait3A_410 : memref<1x!tpu.dma_semaphore, #tpu.memory_space<semaphore_mem>> -> memref<!tpu.dma_semaphore, #tpu.memory_space<semaphore_mem>>
      %dma_wait3A_412 = arith.constant 0 : i32
      %dma_wait3A_413 = arith.constant 0 : i32
      %dma_wait3A_414 = tpu.memref_slice %arg10[%dma_wait3A_401, %dma_wait3A_412, %dma_wait3A_413] : memref<8x32x128xf32, #tpu.memory_space<vmem>> -> memref<1x32x128xf32, #tpu.memory_space<vmem>>
      %dma_wait3A_415 = tpu.memref_squeeze %dma_wait3A_414 : memref<1x32x128xf32, #tpu.memory_space<vmem>> -> memref<32x128xf32, #tpu.memory_space<vmem>>
      %dma_wait3A_416 = arith.constant 0 : i32
      %dma_wait3A_417 = arith.constant 0 : i32
      %dma_wait3A_418 = tpu.memref_slice %arg5[%dma_wait3A_416, %dma_wait3A_417] : memref<32x1000000xf32, #tpu.memory_space<hbm>> -> memref<32x128xf32, #tpu.memory_space<hbm>>
      tpu.wait_dma2 semaphore(%dma_wait3A_411 : memref<!tpu.dma_semaphore, #tpu.memory_space<semaphore_mem>>) src(%dma_wait3A_418 : memref<32x128xf32, #tpu.memory_space<hbm>>) dst(%dma_wait3A_415 : memref<32x128xf32, #tpu.memory_space<vmem>>)
      %slice3A_419 = vector.extract_strided_slice %get3A_381 {offsets = [0], sizes = [1], strides = [1]} : vector<16xi32> to vector<1xi32>
      %squeeze3A_420 = vector.extract %slice3A_419[0] : i32 from vector<1xi32>
      %and3A = arith.constant 127 : i32
      %and3A_421 = arith.andi %squeeze3A_420, %and3A : i32
      %broadcast_in_dim3A_422 = vector.broadcast %and3A_421 : i32 to vector<16xi32>
      %slice3A_423 = vector.extract_strided_slice %get3A_383 {offsets = [0], sizes = [1], strides = [1]} : vector<16xi32> to vector<1xi32>
      %squeeze3A_424 = vector.extract %slice3A_423[0] : i32 from vector<1xi32>
      %and3A_425 = arith.constant 127 : i32
      %and3A_426 = arith.andi %squeeze3A_424, %and3A_425 : i32
      %broadcast_in_dim3A_427 = vector.broadcast %and3A_426 : i32 to vector<16xi32>
      %broadcast_in_dim3A_428 = arith.constant 0 : i32
      %broadcast_in_dim3A_429 = vector.broadcast %broadcast_in_dim3A_428 : i32 to vector<16xi32>
      %gather3A = tpu.vector_load_idx %arg9[%broadcast_in_dim3A_429, %iota3A, %broadcast_in_dim3A_422] : memref<8x32x128xf32, #tpu.memory_space<vmem>>[vector<16xi32>, vector<16xi32>, vector<16xi32>], vector<16xf32>,
      %add3A_430 = arith.constant 16 : i32
      %add3A_431 = vector.broadcast %add3A_430 : i32 to vector<16xi32>
      %add3A_432 = arith.addi %iota3A, %add3A_431 : vector<16xi32>
      %gather3A_433 = tpu.vector_load_idx %arg9[%broadcast_in_dim3A_429, %add3A_432, %broadcast_in_dim3A_422] : memref<8x32x128xf32, #tpu.memory_space<vmem>>[vector<16xi32>, vector<16xi32>, vector<16xi32>], vector<16xf32>,
      %gather3A_434 = tpu.vector_load_idx %arg10[%broadcast_in_dim3A_429, %iota3A, %broadcast_in_dim3A_427] : memref<8x32x128xf32, #tpu.memory_space<vmem>>[vector<16xi32>, vector<16xi32>, vector<16xi32>], vector<16xf32>,
      %add3A_435 = arith.constant 16 : i32
      %add3A_436 = vector.broadcast %add3A_435 : i32 to vector<16xi32>
      %add3A_437 = arith.addi %iota3A, %add3A_436 : vector<16xi32>
      %gather3A_438 = tpu.vector_load_idx %arg10[%broadcast_in_dim3A_429, %add3A_437, %broadcast_in_dim3A_427] : memref<8x32x128xf32, #tpu.memory_space<vmem>>[vector<16xi32>, vector<16xi32>, vector<16xi32>], vector<16xf32>,
      %lt3A = arith.constant 63 : i32
      %lt3A_439 = arith.cmpi slt, %scan3A_375, %lt3A : i32
      %convert_element_type3A = arith.extui %lt3A_439 : i1 to i32
      %cond3A = arith.constant 0 : i32
      %cond3A_440 = arith.cmpi ne, %convert_element_type3A, %cond3A : i32
      scf.if %cond3A_440 {
        %slice3A_1329 = vector.extract_strided_slice %get3A_381 {offsets = [8], sizes = [1], strides = [1]} : vector<16xi32> to vector<1xi32>
        %squeeze3A_1330 = vector.extract %slice3A_1329[0] : i32 from vector<1xi32>
        %slice3A_1331 = vector.extract_strided_slice %get3A_383 {offsets = [8], sizes = [1], strides = [1]} : vector<16xi32> to vector<1xi32>
        %squeeze3A_1332 = vector.extract %slice3A_1331[0] : i32 from vector<1xi32>
        %shift_right_arithmetic3A_1333 = arith.constant 7 : i32
        %shift_right_arithmetic3A_1334 = arith.shrsi %squeeze3A_1330, %shift_right_arithmetic3A_1333 : i32
        %mul3A_1335 = arith.constant 128 : i32
        %mul3A_1336 = arith.muli %shift_right_arithmetic3A_1334, %mul3A_1335 : i32
        %multiple_of3A_1337 = tpu.assume_multiple %mul3A_1336, 128 : i32
        %shift_right_arithmetic3A_1338 = arith.constant 7 : i32
        %shift_right_arithmetic3A_1339 = arith.shrsi %squeeze3A_1332, %shift_right_arithmetic3A_1338 : i32
        %mul3A_1340 = arith.constant 128 : i32
        %mul3A_1341 = arith.muli %shift_right_arithmetic3A_1339, %mul3A_1340 : i32
        %multiple_of3A_1342 = tpu.assume_multiple %mul3A_1341, 128 : i32
        %dma_start3A_1343 = arith.constant 0 : i32
        %dma_start3A_1344 = arith.constant 0 : i32
        %dma_start3A_1345 = arith.constant 0 : i32
        %dma_start3A_1346 = arith.constant 0 : i32
        %dma_start3A_1347 = tpu.memref_slice %arg9[%dma_start3A_1343, %dma_start3A_1345, %dma_start3A_1346] : memref<8x32x128xf32, #tpu.memory_space<vmem>> -> memref<1x32x128xf32, #tpu.memory_space<vmem>>
        %dma_start3A_1348 = tpu.memref_squeeze %dma_start3A_1347 : memref<1x32x128xf32, #tpu.memory_space<vmem>> -> memref<32x128xf32, #tpu.memory_space<vmem>>
        %dma_start3A_1349 = arith.constant 0 : i32
        %dma_start3A_1350 = tpu.memref_slice %arg4[%dma_start3A_1349, %multiple_of3A_1337] : memref<32x1000000xf32, #tpu.memory_space<hbm>> -> memref<32x128xf32, #tpu.memory_space<hbm>>
        %dma_start3A_1351 = tpu.memref_slice %arg12[%dma_start3A_1344] : memref<8x!tpu.dma_semaphore, #tpu.memory_space<semaphore_mem>> -> memref<1x!tpu.dma_semaphore, #tpu.memory_space<semaphore_mem>>
        %dma_start3A_1352 = tpu.memref_squeeze %dma_start3A_1351 : memref<1x!tpu.dma_semaphore, #tpu.memory_space<semaphore_mem>> -> memref<!tpu.dma_semaphore, #tpu.memory_space<semaphore_mem>>
        %dma_start3A_1353 = arith.constant 0 : i32
        %dma_start3A_1354 = arith.constant 0 : i32
        %dma_start3A_1355 = tpu.memref_slice %arg9[%dma_start3A_1343, %dma_start3A_1353, %dma_start3A_1354] : memref<8x32x128xf32, #tpu.memory_space<vmem>> -> memref<1x32x128xf32, #tpu.memory_space<vmem>>
        %dma_start3A_1356 = tpu.memref_squeeze %dma_start3A_1355 : memref<1x32x128xf32, #tpu.memory_space<vmem>> -> memref<32x128xf32, #tpu.memory_space<vmem>>
        %dma_start3A_1357 = arith.constant 0 : i32
        %dma_start3A_1358 = tpu.memref_slice %arg4[%dma_start3A_1357, %multiple_of3A_1337] : memref<32x1000000xf32, #tpu.memory_space<hbm>> -> memref<32x128xf32, #tpu.memory_space<hbm>>
        tpu.enqueue_dma source(%dma_start3A_1358 : memref<32x128xf32, #tpu.memory_space<hbm>>) target(%dma_start3A_1356 : memref<32x128xf32, #tpu.memory_space<vmem>>) target_semaphore(%dma_start3A_1352 : memref<!tpu.dma_semaphore, #tpu.memory_space<semaphore_mem>>)
        %dma_start3A_1359 = arith.constant 0 : i32
        %dma_start3A_1360 = arith.constant 0 : i32
        %dma_start3A_1361 = arith.constant 0 : i32
        %dma_start3A_1362 = arith.constant 0 : i32
        %dma_start3A_1363 = tpu.memref_slice %arg10[%dma_start3A_1359, %dma_start3A_1361, %dma_start3A_1362] : memref<8x32x128xf32, #tpu.memory_space<vmem>> -> memref<1x32x128xf32, #tpu.memory_space<vmem>>
        %dma_start3A_1364 = tpu.memref_squeeze %dma_start3A_1363 : memref<1x32x128xf32, #tpu.memory_space<vmem>> -> memref<32x128xf32, #tpu.memory_space<vmem>>
        %dma_start3A_1365 = arith.constant 0 : i32
        %dma_start3A_1366 = tpu.memref_slice %arg5[%dma_start3A_1365, %multiple_of3A_1342] : memref<32x1000000xf32, #tpu.memory_space<hbm>> -> memref<32x128xf32, #tpu.memory_space<hbm>>
        %dma_start3A_1367 = tpu.memref_slice %arg12[%dma_start3A_1360] : memref<8x!tpu.dma_semaphore, #tpu.memory_space<semaphore_mem>> -> memref<1x!tpu.dma_semaphore, #tpu.memory_space<semaphore_mem>>
        %dma_start3A_1368 = tpu.memref_squeeze %dma_start3A_1367 : memref<1x!tpu.dma_semaphore, #tpu.memory_space<semaphore_mem>> -> memref<!tpu.dma_semaphore, #tpu.memory_space<semaphore_mem>>
        %dma_start3A_1369 = arith.constant 0 : i32
        %dma_start3A_1370 = arith.constant 0 : i32
        %dma_start3A_1371 = tpu.memref_slice %arg10[%dma_start3A_1359, %dma_start3A_1369, %dma_start3A_1370] : memref<8x32x128xf32, #tpu.memory_space<vmem>> -> memref<1x32x128xf32, #tpu.memory_space<vmem>>
        %dma_start3A_1372 = tpu.memref_squeeze %dma_start3A_1371 : memref<1x32x128xf32, #tpu.memory_space<vmem>> -> memref<32x128xf32, #tpu.memory_space<vmem>>
        %dma_start3A_1373 = arith.constant 0 : i32
        %dma_start3A_1374 = tpu.memref_slice %arg5[%dma_start3A_1373, %multiple_of3A_1342] : memref<32x1000000xf32, #tpu.memory_space<hbm>> -> memref<32x128xf32, #tpu.memory_space<hbm>>
        tpu.enqueue_dma source(%dma_start3A_1374 : memref<32x128xf32, #tpu.memory_space<hbm>>) target(%dma_start3A_1372 : memref<32x128xf32, #tpu.memory_space<vmem>>) target_semaphore(%dma_start3A_1368 : memref<!tpu.dma_semaphore, #tpu.memory_space<semaphore_mem>>)
      } else {
      }
      %mul3A_441 = arith.mulf %gather3A, %gather3A_434 : vector<16xf32>
      %mul3A_442 = arith.mulf %gather3A_433, %gather3A_438 : vector<16xf32>
      %add3A_443 = arith.addf %mul3A_441, %mul3A_442 : vector<16xf32>
      %xor3A = arith.constant 8 : i32
      %xor3A_444 = vector.broadcast %xor3A : i32 to vector<16xi32>
      %xor3A_445 = arith.xori %iota3A, %xor3A_444 : vector<16xi32>
      %broadcast_in_dim3A_446 = vector.shape_cast %xor3A_445 : vector<16xi32> to vector<16x1xi32>
      %gather3A_447 = vector.shape_cast %broadcast_in_dim3A_446 : vector<16x1xi32> to vector<16xi32>
      %gather3A_448 = tpu.dynamic_gather %add3A_443[%gather3A_447] in [0] : vector<16xf32>, vector<16xi32> -> vector<16xf32>
      %add3A_449 = arith.addf %add3A_443, %gather3A_448 : vector<16xf32>
      %xor3A_450 = arith.constant 4 : i32
      %xor3A_451 = vector.broadcast %xor3A_450 : i32 to vector<16xi32>
      %xor3A_452 = arith.xori %iota3A, %xor3A_451 : vector<16xi32>
      %broadcast_in_dim3A_453 = vector.shape_cast %xor3A_452 : vector<16xi32> to vector<16x1xi32>
      %gather3A_454 = vector.shape_cast %broadcast_in_dim3A_453 : vector<16x1xi32> to vector<16xi32>
      %gather3A_455 = tpu.dynamic_gather %add3A_449[%gather3A_454] in [0] : vector<16xf32>, vector<16xi32> -> vector<16xf32>
      %add3A_456 = arith.addf %add3A_449, %gather3A_455 : vector<16xf32>
      %xor3A_457 = arith.constant 2 : i32
      %xor3A_458 = vector.broadcast %xor3A_457 : i32 to vector<16xi32>
      %xor3A_459 = arith.xori %iota3A, %xor3A_458 : vector<16xi32>
      %broadcast_in_dim3A_460 = vector.shape_cast %xor3A_459 : vector<16xi32> to vector<16x1xi32>
      %gather3A_461 = vector.shape_cast %broadcast_in_dim3A_460 : vector<16x1xi32> to vector<16xi32>
      %gather3A_462 = tpu.dynamic_gather %add3A_456[%gather3A_461] in [0] : vector<16xf32>, vector<16xi32> -> vector<16xf32>
      %add3A_463 = arith.addf %add3A_456, %gather3A_462 : vector<16xf32>
      %xor3A_464 = arith.constant 1 : i32
      %xor3A_465 = vector.broadcast %xor3A_464 : i32 to vector<16xi32>
      %xor3A_466 = arith.xori %iota3A, %xor3A_465 : vector<16xi32>
      %broadcast_in_dim3A_467 = vector.shape_cast %xor3A_466 : vector<16xi32> to vector<16x1xi32>
      %gather3A_468 = vector.shape_cast %broadcast_in_dim3A_467 : vector<16x1xi32> to vector<16xi32>
      %gather3A_469 = tpu.dynamic_gather %add3A_463[%gather3A_468] in [0] : vector<16xf32>, vector<16xi32> -> vector<16xf32>
      %add3A_470 = arith.addf %add3A_463, %gather3A_469 : vector<16xf32>
      %jit3A = arith.constant 2 : i32
      %eq3A = arith.constant 0 : i32
      %eq3A_471 = arith.cmpi eq, %jit3A, %eq3A : i32
      %jit3A_472 = arith.constant 1 : i32
      %select_n3A = arith.select %eq3A_471, %jit3A_472, %jit3A : i32
      %rem3A = arith.remsi %scan3A_375, %select_n3A : i32
      %ne3A = arith.constant 0 : i32
      %ne3A_473 = arith.cmpi ne, %rem3A, %ne3A : i32
      %lt3A_474 = arith.constant 0 : i32
      %lt3A_475 = arith.cmpi slt, %rem3A, %lt3A_474 : i32
      %lt3A_476 = arith.constant 0 : i32
      %lt3A_477 = arith.cmpi slt, %select_n3A, %lt3A_476 : i32
      %ne3A_478 = arith.xori %lt3A_475, %lt3A_477 : i1
      %and3A_479 = arith.andi %ne3A_478, %ne3A_473 : i1
      %add3A_480 = arith.addi %rem3A, %select_n3A : i32
      %select_n3A_481 = arith.select %and3A_479, %add3A_480, %rem3A : i32
      %mul3A_482 = arith.constant 8 : i32
      %mul3A_483 = arith.muli %select_n3A_481, %mul3A_482 : i32
      %add3A_484 = arith.constant 0 : i32
      %add3A_485 = arith.addi %mul3A_483, %add3A_484 : i32
      %eq3A_486 = vector.broadcast %add3A_485 : i32 to vector<16xi32>
      %eq3A_487 = arith.cmpi eq, %iota3A, %eq3A_486 : vector<16xi32>
      %select_n3A_488 = arith.select %eq3A_487, %add3A_470, %scan3A_376 : vector<16xi1>, vector<16xf32>
      %dma_wait3A_489 = arith.constant 1 : i32
      %dma_wait3A_490 = arith.constant 1 : i32
      %dma_wait3A_491 = arith.constant 0 : i32
      %dma_wait3A_492 = arith.constant 0 : i32
      %dma_wait3A_493 = tpu.memref_slice %arg9[%dma_wait3A_489, %dma_wait3A_491, %dma_wait3A_492] : memref<8x32x128xf32, #tpu.memory_space<vmem>> -> memref<1x32x128xf32, #tpu.memory_space<vmem>>
      %dma_wait3A_494 = tpu.memref_squeeze %dma_wait3A_493 : memref<1x32x128xf32, #tpu.memory_space<vmem>> -> memref<32x128xf32, #tpu.memory_space<vmem>>
      %dma_wait3A_495 = arith.constant 0 : i32
      %dma_wait3A_496 = arith.constant 0 : i32
      %dma_wait3A_497 = tpu.memref_slice %arg4[%dma_wait3A_495, %dma_wait3A_496] : memref<32x1000000xf32, #tpu.memory_space<hbm>> -> memref<32x128xf32, #tpu.memory_space<hbm>>
      %dma_wait3A_498 = tpu.memref_slice %arg12[%dma_wait3A_490] : memref<8x!tpu.dma_semaphore, #tpu.memory_space<semaphore_mem>> -> memref<1x!tpu.dma_semaphore, #tpu.memory_space<semaphore_mem>>
      %dma_wait3A_499 = tpu.memref_squeeze %dma_wait3A_498 : memref<1x!tpu.dma_semaphore, #tpu.memory_space<semaphore_mem>> -> memref<!tpu.dma_semaphore, #tpu.memory_space<semaphore_mem>>
      %dma_wait3A_500 = arith.constant 0 : i32
      %dma_wait3A_501 = arith.constant 0 : i32
      %dma_wait3A_502 = tpu.memref_slice %arg9[%dma_wait3A_489, %dma_wait3A_500, %dma_wait3A_501] : memref<8x32x128xf32, #tpu.memory_space<vmem>> -> memref<1x32x128xf32, #tpu.memory_space<vmem>>
      %dma_wait3A_503 = tpu.memref_squeeze %dma_wait3A_502 : memref<1x32x128xf32, #tpu.memory_space<vmem>> -> memref<32x128xf32, #tpu.memory_space<vmem>>
      %dma_wait3A_504 = arith.constant 0 : i32
      %dma_wait3A_505 = arith.constant 0 : i32
      %dma_wait3A_506 = tpu.memref_slice %arg4[%dma_wait3A_504, %dma_wait3A_505] : memref<32x1000000xf32, #tpu.memory_space<hbm>> -> memref<32x128xf32, #tpu.memory_space<hbm>>
      tpu.wait_dma2 semaphore(%dma_wait3A_499 : memref<!tpu.dma_semaphore, #tpu.memory_space<semaphore_mem>>) src(%dma_wait3A_506 : memref<32x128xf32, #tpu.memory_space<hbm>>) dst(%dma_wait3A_503 : memref<32x128xf32, #tpu.memory_space<vmem>>)
      %dma_wait3A_507 = arith.constant 1 : i32
      %dma_wait3A_508 = arith.constant 1 : i32
      %dma_wait3A_509 = arith.constant 0 : i32
      %dma_wait3A_510 = arith.constant 0 : i32
      %dma_wait3A_511 = tpu.memref_slice %arg10[%dma_wait3A_507, %dma_wait3A_509, %dma_wait3A_510] : memref<8x32x128xf32, #tpu.memory_space<vmem>> -> memref<1x32x128xf32, #tpu.memory_space<vmem>>
      %dma_wait3A_512 = tpu.memref_squeeze %dma_wait3A_511 : memref<1x32x128xf32, #tpu.memory_space<vmem>> -> memref<32x128xf32, #tpu.memory_space<vmem>>
      %dma_wait3A_513 = arith.constant 0 : i32
      %dma_wait3A_514 = arith.constant 0 : i32
      %dma_wait3A_515 = tpu.memref_slice %arg5[%dma_wait3A_513, %dma_wait3A_514] : memref<32x1000000xf32, #tpu.memory_space<hbm>> -> memref<32x128xf32, #tpu.memory_space<hbm>>
      %dma_wait3A_516 = tpu.memref_slice %arg12[%dma_wait3A_508] : memref<8x!tpu.dma_semaphore, #tpu.memory_space<semaphore_mem>> -> memref<1x!tpu.dma_semaphore, #tpu.memory_space<semaphore_mem>>
      %dma_wait3A_517 = tpu.memref_squeeze %dma_wait3A_516 : memref<1x!tpu.dma_semaphore, #tpu.memory_space<semaphore_mem>> -> memref<!tpu.dma_semaphore, #tpu.memory_space<semaphore_mem>>
      %dma_wait3A_518 = arith.constant 0 : i32
      %dma_wait3A_519 = arith.constant 0 : i32
      %dma_wait3A_520 = tpu.memref_slice %arg10[%dma_wait3A_507, %dma_wait3A_518, %dma_wait3A_519] : memref<8x32x128xf32, #tpu.memory_space<vmem>> -> memref<1x32x128xf32, #tpu.memory_space<vmem>>
      %dma_wait3A_521 = tpu.memref_squeeze %dma_wait3A_520 : memref<1x32x128xf32, #tpu.memory_space<vmem>> -> memref<32x128xf32, #tpu.memory_space<vmem>>
      %dma_wait3A_522 = arith.constant 0 : i32
      %dma_wait3A_523 = arith.constant 0 : i32
      %dma_wait3A_524 = tpu.memref_slice %arg5[%dma_wait3A_522, %dma_wait3A_523] : memref<32x1000000xf32, #tpu.memory_space<hbm>> -> memref<32x128xf32, #tpu.memory_space<hbm>>
      tpu.wait_dma2 semaphore(%dma_wait3A_517 : memref<!tpu.dma_semaphore, #tpu.memory_space<semaphore_mem>>) src(%dma_wait3A_524 : memref<32x128xf32, #tpu.memory_space<hbm>>) dst(%dma_wait3A_521 : memref<32x128xf32, #tpu.memory_space<vmem>>)
      %slice3A_525 = vector.extract_strided_slice %get3A_381 {offsets = [1], sizes = [1], strides = [1]} : vector<16xi32> to vector<1xi32>
      %squeeze3A_526 = vector.extract %slice3A_525[0] : i32 from vector<1xi32>
      %and3A_527 = arith.constant 127 : i32
      %and3A_528 = arith.andi %squeeze3A_526, %and3A_527 : i32
      %broadcast_in_dim3A_529 = vector.broadcast %and3A_528 : i32 to vector<16xi32>
      %slice3A_530 = vector.extract_strided_slice %get3A_383 {offsets = [1], sizes = [1], strides = [1]} : vector<16xi32> to vector<1xi32>
      %squeeze3A_531 = vector.extract %slice3A_530[0] : i32 from vector<1xi32>
      %and3A_532 = arith.constant 127 : i32
      %and3A_533 = arith.andi %squeeze3A_531, %and3A_532 : i32
      %broadcast_in_dim3A_534 = vector.broadcast %and3A_533 : i32 to vector<16xi32>
      %broadcast_in_dim3A_535 = arith.constant 1 : i32
      %broadcast_in_dim3A_536 = vector.broadcast %broadcast_in_dim3A_535 : i32 to vector<16xi32>
      %gather3A_537 = tpu.vector_load_idx %arg9[%broadcast_in_dim3A_536, %iota3A, %broadcast_in_dim3A_529] : memref<8x32x128xf32, #tpu.memory_space<vmem>>[vector<16xi32>, vector<16xi32>, vector<16xi32>], vector<16xf32>,
      %add3A_538 = arith.constant 16 : i32
      %add3A_539 = vector.broadcast %add3A_538 : i32 to vector<16xi32>
      %add3A_540 = arith.addi %iota3A, %add3A_539 : vector<16xi32>
      %gather3A_541 = tpu.vector_load_idx %arg9[%broadcast_in_dim3A_536, %add3A_540, %broadcast_in_dim3A_529] : memref<8x32x128xf32, #tpu.memory_space<vmem>>[vector<16xi32>, vector<16xi32>, vector<16xi32>], vector<16xf32>,
      %gather3A_542 = tpu.vector_load_idx %arg10[%broadcast_in_dim3A_536, %iota3A, %broadcast_in_dim3A_534] : memref<8x32x128xf32, #tpu.memory_space<vmem>>[vector<16xi32>, vector<16xi32>, vector<16xi32>], vector<16xf32>,
      %add3A_543 = arith.constant 16 : i32
      %add3A_544 = vector.broadcast %add3A_543 : i32 to vector<16xi32>
      %add3A_545 = arith.addi %iota3A, %add3A_544 : vector<16xi32>
      %gather3A_546 = tpu.vector_load_idx %arg10[%broadcast_in_dim3A_536, %add3A_545, %broadcast_in_dim3A_534] : memref<8x32x128xf32, #tpu.memory_space<vmem>>[vector<16xi32>, vector<16xi32>, vector<16xi32>], vector<16xf32>,
      %lt3A_547 = arith.constant 63 : i32
      %lt3A_548 = arith.cmpi slt, %scan3A_375, %lt3A_547 : i32
      %convert_element_type3A_549 = arith.extui %lt3A_548 : i1 to i32
      %cond3A_550 = arith.constant 0 : i32
      %cond3A_551 = arith.cmpi ne, %convert_element_type3A_549, %cond3A_550 : i32
      scf.if %cond3A_551 {
        %slice3A_1329 = vector.extract_strided_slice %get3A_381 {offsets = [9], sizes = [1], strides = [1]} : vector<16xi32> to vector<1xi32>
        %squeeze3A_1330 = vector.extract %slice3A_1329[0] : i32 from vector<1xi32>
        %slice3A_1331 = vector.extract_strided_slice %get3A_383 {offsets = [9], sizes = [1], strides = [1]} : vector<16xi32> to vector<1xi32>
        %squeeze3A_1332 = vector.extract %slice3A_1331[0] : i32 from vector<1xi32>
        %shift_right_arithmetic3A_1333 = arith.constant 7 : i32
        %shift_right_arithmetic3A_1334 = arith.shrsi %squeeze3A_1330, %shift_right_arithmetic3A_1333 : i32
        %mul3A_1335 = arith.constant 128 : i32
        %mul3A_1336 = arith.muli %shift_right_arithmetic3A_1334, %mul3A_1335 : i32
        %multiple_of3A_1337 = tpu.assume_multiple %mul3A_1336, 128 : i32
        %shift_right_arithmetic3A_1338 = arith.constant 7 : i32
        %shift_right_arithmetic3A_1339 = arith.shrsi %squeeze3A_1332, %shift_right_arithmetic3A_1338 : i32
        %mul3A_1340 = arith.constant 128 : i32
        %mul3A_1341 = arith.muli %shift_right_arithmetic3A_1339, %mul3A_1340 : i32
        %multiple_of3A_1342 = tpu.assume_multiple %mul3A_1341, 128 : i32
        %dma_start3A_1343 = arith.constant 1 : i32
        %dma_start3A_1344 = arith.constant 1 : i32
        %dma_start3A_1345 = arith.constant 0 : i32
        %dma_start3A_1346 = arith.constant 0 : i32
        %dma_start3A_1347 = tpu.memref_slice %arg9[%dma_start3A_1343, %dma_start3A_1345, %dma_start3A_1346] : memref<8x32x128xf32, #tpu.memory_space<vmem>> -> memref<1x32x128xf32, #tpu.memory_space<vmem>>
        %dma_start3A_1348 = tpu.memref_squeeze %dma_start3A_1347 : memref<1x32x128xf32, #tpu.memory_space<vmem>> -> memref<32x128xf32, #tpu.memory_space<vmem>>
        %dma_start3A_1349 = arith.constant 0 : i32
        %dma_start3A_1350 = tpu.memref_slice %arg4[%dma_start3A_1349, %multiple_of3A_1337] : memref<32x1000000xf32, #tpu.memory_space<hbm>> -> memref<32x128xf32, #tpu.memory_space<hbm>>
        %dma_start3A_1351 = tpu.memref_slice %arg12[%dma_start3A_1344] : memref<8x!tpu.dma_semaphore, #tpu.memory_space<semaphore_mem>> -> memref<1x!tpu.dma_semaphore, #tpu.memory_space<semaphore_mem>>
        %dma_start3A_1352 = tpu.memref_squeeze %dma_start3A_1351 : memref<1x!tpu.dma_semaphore, #tpu.memory_space<semaphore_mem>> -> memref<!tpu.dma_semaphore, #tpu.memory_space<semaphore_mem>>
        %dma_start3A_1353 = arith.constant 0 : i32
        %dma_start3A_1354 = arith.constant 0 : i32
        %dma_start3A_1355 = tpu.memref_slice %arg9[%dma_start3A_1343, %dma_start3A_1353, %dma_start3A_1354] : memref<8x32x128xf32, #tpu.memory_space<vmem>> -> memref<1x32x128xf32, #tpu.memory_space<vmem>>
        %dma_start3A_1356 = tpu.memref_squeeze %dma_start3A_1355 : memref<1x32x128xf32, #tpu.memory_space<vmem>> -> memref<32x128xf32, #tpu.memory_space<vmem>>
        %dma_start3A_1357 = arith.constant 0 : i32
        %dma_start3A_1358 = tpu.memref_slice %arg4[%dma_start3A_1357, %multiple_of3A_1337] : memref<32x1000000xf32, #tpu.memory_space<hbm>> -> memref<32x128xf32, #tpu.memory_space<hbm>>
        tpu.enqueue_dma source(%dma_start3A_1358 : memref<32x128xf32, #tpu.memory_space<hbm>>) target(%dma_start3A_1356 : memref<32x128xf32, #tpu.memory_space<vmem>>) target_semaphore(%dma_start3A_1352 : memref<!tpu.dma_semaphore, #tpu.memory_space<semaphore_mem>>)
        %dma_start3A_1359 = arith.constant 1 : i32
        %dma_start3A_1360 = arith.constant 1 : i32
        %dma_start3A_1361 = arith.constant 0 : i32
        %dma_start3A_1362 = arith.constant 0 : i32
        %dma_start3A_1363 = tpu.memref_slice %arg10[%dma_start3A_1359, %dma_start3A_1361, %dma_start3A_1362] : memref<8x32x128xf32, #tpu.memory_space<vmem>> -> memref<1x32x128xf32, #tpu.memory_space<vmem>>
        %dma_start3A_1364 = tpu.memref_squeeze %dma_start3A_1363 : memref<1x32x128xf32, #tpu.memory_space<vmem>> -> memref<32x128xf32, #tpu.memory_space<vmem>>
        %dma_start3A_1365 = arith.constant 0 : i32
        %dma_start3A_1366 = tpu.memref_slice %arg5[%dma_start3A_1365, %multiple_of3A_1342] : memref<32x1000000xf32, #tpu.memory_space<hbm>> -> memref<32x128xf32, #tpu.memory_space<hbm>>
        %dma_start3A_1367 = tpu.memref_slice %arg12[%dma_start3A_1360] : memref<8x!tpu.dma_semaphore, #tpu.memory_space<semaphore_mem>> -> memref<1x!tpu.dma_semaphore, #tpu.memory_space<semaphore_mem>>
        %dma_start3A_1368 = tpu.memref_squeeze %dma_start3A_1367 : memref<1x!tpu.dma_semaphore, #tpu.memory_space<semaphore_mem>> -> memref<!tpu.dma_semaphore, #tpu.memory_space<semaphore_mem>>
        %dma_start3A_1369 = arith.constant 0 : i32
        %dma_start3A_1370 = arith.constant 0 : i32
        %dma_start3A_1371 = tpu.memref_slice %arg10[%dma_start3A_1359, %dma_start3A_1369, %dma_start3A_1370] : memref<8x32x128xf32, #tpu.memory_space<vmem>> -> memref<1x32x128xf32, #tpu.memory_space<vmem>>
        %dma_start3A_1372 = tpu.memref_squeeze %dma_start3A_1371 : memref<1x32x128xf32, #tpu.memory_space<vmem>> -> memref<32x128xf32, #tpu.memory_space<vmem>>
        %dma_start3A_1373 = arith.constant 0 : i32
        %dma_start3A_1374 = tpu.memref_slice %arg5[%dma_start3A_1373, %multiple_of3A_1342] : memref<32x1000000xf32, #tpu.memory_space<hbm>> -> memref<32x128xf32, #tpu.memory_space<hbm>>
        tpu.enqueue_dma source(%dma_start3A_1374 : memref<32x128xf32, #tpu.memory_space<hbm>>) target(%dma_start3A_1372 : memref<32x128xf32, #tpu.memory_space<vmem>>) target_semaphore(%dma_start3A_1368 : memref<!tpu.dma_semaphore, #tpu.memory_space<semaphore_mem>>)
      } else {
      }
      %mul3A_552 = arith.mulf %gather3A_537, %gather3A_542 : vector<16xf32>
      %mul3A_553 = arith.mulf %gather3A_541, %gather3A_546 : vector<16xf32>
      %add3A_554 = arith.addf %mul3A_552, %mul3A_553 : vector<16xf32>
      %xor3A_555 = arith.constant 8 : i32
      %xor3A_556 = vector.broadcast %xor3A_555 : i32 to vector<16xi32>
      %xor3A_557 = arith.xori %iota3A, %xor3A_556 : vector<16xi32>
      %broadcast_in_dim3A_558 = vector.shape_cast %xor3A_557 : vector<16xi32> to vector<16x1xi32>
      %gather3A_559 = vector.shape_cast %broadcast_in_dim3A_558 : vector<16x1xi32> to vector<16xi32>
      %gather3A_560 = tpu.dynamic_gather %add3A_554[%gather3A_559] in [0] : vector<16xf32>, vector<16xi32> -> vector<16xf32>
      %add3A_561 = arith.addf %add3A_554, %gather3A_560 : vector<16xf32>
      %xor3A_562 = arith.constant 4 : i32
      %xor3A_563 = vector.broadcast %xor3A_562 : i32 to vector<16xi32>
      %xor3A_564 = arith.xori %iota3A, %xor3A_563 : vector<16xi32>
      %broadcast_in_dim3A_565 = vector.shape_cast %xor3A_564 : vector<16xi32> to vector<16x1xi32>
      %gather3A_566 = vector.shape_cast %broadcast_in_dim3A_565 : vector<16x1xi32> to vector<16xi32>
      %gather3A_567 = tpu.dynamic_gather %add3A_561[%gather3A_566] in [0] : vector<16xf32>, vector<16xi32> -> vector<16xf32>
      %add3A_568 = arith.addf %add3A_561, %gather3A_567 : vector<16xf32>
      %xor3A_569 = arith.constant 2 : i32
      %xor3A_570 = vector.broadcast %xor3A_569 : i32 to vector<16xi32>
      %xor3A_571 = arith.xori %iota3A, %xor3A_570 : vector<16xi32>
      %broadcast_in_dim3A_572 = vector.shape_cast %xor3A_571 : vector<16xi32> to vector<16x1xi32>
      %gather3A_573 = vector.shape_cast %broadcast_in_dim3A_572 : vector<16x1xi32> to vector<16xi32>
      %gather3A_574 = tpu.dynamic_gather %add3A_568[%gather3A_573] in [0] : vector<16xf32>, vector<16xi32> -> vector<16xf32>
      %add3A_575 = arith.addf %add3A_568, %gather3A_574 : vector<16xf32>
      %xor3A_576 = arith.constant 1 : i32
      %xor3A_577 = vector.broadcast %xor3A_576 : i32 to vector<16xi32>
      %xor3A_578 = arith.xori %iota3A, %xor3A_577 : vector<16xi32>
      %broadcast_in_dim3A_579 = vector.shape_cast %xor3A_578 : vector<16xi32> to vector<16x1xi32>
      %gather3A_580 = vector.shape_cast %broadcast_in_dim3A_579 : vector<16x1xi32> to vector<16xi32>
      %gather3A_581 = tpu.dynamic_gather %add3A_575[%gather3A_580] in [0] : vector<16xf32>, vector<16xi32> -> vector<16xf32>
      %add3A_582 = arith.addf %add3A_575, %gather3A_581 : vector<16xf32>
      %jit3A_583 = arith.constant 2 : i32
      %eq3A_584 = arith.constant 0 : i32
      %eq3A_585 = arith.cmpi eq, %jit3A_583, %eq3A_584 : i32
      %jit3A_586 = arith.constant 1 : i32
      %select_n3A_587 = arith.select %eq3A_585, %jit3A_586, %jit3A_583 : i32
      %rem3A_588 = arith.remsi %scan3A_375, %select_n3A_587 : i32
      %ne3A_589 = arith.constant 0 : i32
      %ne3A_590 = arith.cmpi ne, %rem3A_588, %ne3A_589 : i32
      %lt3A_591 = arith.constant 0 : i32
      %lt3A_592 = arith.cmpi slt, %rem3A_588, %lt3A_591 : i32
      %lt3A_593 = arith.constant 0 : i32
      %lt3A_594 = arith.cmpi slt, %select_n3A_587, %lt3A_593 : i32
      %ne3A_595 = arith.xori %lt3A_592, %lt3A_594 : i1
      %and3A_596 = arith.andi %ne3A_595, %ne3A_590 : i1
      %add3A_597 = arith.addi %rem3A_588, %select_n3A_587 : i32
      %select_n3A_598 = arith.select %and3A_596, %add3A_597, %rem3A_588 : i32
      %mul3A_599 = arith.constant 8 : i32
      %mul3A_600 = arith.muli %select_n3A_598, %mul3A_599 : i32
      %add3A_601 = arith.constant 1 : i32
      %add3A_602 = arith.addi %mul3A_600, %add3A_601 : i32
      %eq3A_603 = vector.broadcast %add3A_602 : i32 to vector<16xi32>
      %eq3A_604 = arith.cmpi eq, %iota3A, %eq3A_603 : vector<16xi32>
      %select_n3A_605 = arith.select %eq3A_604, %add3A_582, %select_n3A_488 : vector<16xi1>, vector<16xf32>
      %dma_wait3A_606 = arith.constant 2 : i32
      %dma_wait3A_607 = arith.constant 2 : i32
      %dma_wait3A_608 = arith.constant 0 : i32
      %dma_wait3A_609 = arith.constant 0 : i32
      %dma_wait3A_610 = tpu.memref_slice %arg9[%dma_wait3A_606, %dma_wait3A_608, %dma_wait3A_609] : memref<8x32x128xf32, #tpu.memory_space<vmem>> -> memref<1x32x128xf32, #tpu.memory_space<vmem>>
      %dma_wait3A_611 = tpu.memref_squeeze %dma_wait3A_610 : memref<1x32x128xf32, #tpu.memory_space<vmem>> -> memref<32x128xf32, #tpu.memory_space<vmem>>
      %dma_wait3A_612 = arith.constant 0 : i32
      %dma_wait3A_613 = arith.constant 0 : i32
      %dma_wait3A_614 = tpu.memref_slice %arg4[%dma_wait3A_612, %dma_wait3A_613] : memref<32x1000000xf32, #tpu.memory_space<hbm>> -> memref<32x128xf32, #tpu.memory_space<hbm>>
      %dma_wait3A_615 = tpu.memref_slice %arg12[%dma_wait3A_607] : memref<8x!tpu.dma_semaphore, #tpu.memory_space<semaphore_mem>> -> memref<1x!tpu.dma_semaphore, #tpu.memory_space<semaphore_mem>>
      %dma_wait3A_616 = tpu.memref_squeeze %dma_wait3A_615 : memref<1x!tpu.dma_semaphore, #tpu.memory_space<semaphore_mem>> -> memref<!tpu.dma_semaphore, #tpu.memory_space<semaphore_mem>>
      %dma_wait3A_617 = arith.constant 0 : i32
      %dma_wait3A_618 = arith.constant 0 : i32
      %dma_wait3A_619 = tpu.memref_slice %arg9[%dma_wait3A_606, %dma_wait3A_617, %dma_wait3A_618] : memref<8x32x128xf32, #tpu.memory_space<vmem>> -> memref<1x32x128xf32, #tpu.memory_space<vmem>>
      %dma_wait3A_620 = tpu.memref_squeeze %dma_wait3A_619 : memref<1x32x128xf32, #tpu.memory_space<vmem>> -> memref<32x128xf32, #tpu.memory_space<vmem>>
      %dma_wait3A_621 = arith.constant 0 : i32
      %dma_wait3A_622 = arith.constant 0 : i32
      %dma_wait3A_623 = tpu.memref_slice %arg4[%dma_wait3A_621, %dma_wait3A_622] : memref<32x1000000xf32, #tpu.memory_space<hbm>> -> memref<32x128xf32, #tpu.memory_space<hbm>>
      tpu.wait_dma2 semaphore(%dma_wait3A_616 : memref<!tpu.dma_semaphore, #tpu.memory_space<semaphore_mem>>) src(%dma_wait3A_623 : memref<32x128xf32, #tpu.memory_space<hbm>>) dst(%dma_wait3A_620 : memref<32x128xf32, #tpu.memory_space<vmem>>)
      %dma_wait3A_624 = arith.constant 2 : i32
      %dma_wait3A_625 = arith.constant 2 : i32
      %dma_wait3A_626 = arith.constant 0 : i32
      %dma_wait3A_627 = arith.constant 0 : i32
      %dma_wait3A_628 = tpu.memref_slice %arg10[%dma_wait3A_624, %dma_wait3A_626, %dma_wait3A_627] : memref<8x32x128xf32, #tpu.memory_space<vmem>> -> memref<1x32x128xf32, #tpu.memory_space<vmem>>
      %dma_wait3A_629 = tpu.memref_squeeze %dma_wait3A_628 : memref<1x32x128xf32, #tpu.memory_space<vmem>> -> memref<32x128xf32, #tpu.memory_space<vmem>>
      %dma_wait3A_630 = arith.constant 0 : i32
      %dma_wait3A_631 = arith.constant 0 : i32
      %dma_wait3A_632 = tpu.memref_slice %arg5[%dma_wait3A_630, %dma_wait3A_631] : memref<32x1000000xf32, #tpu.memory_space<hbm>> -> memref<32x128xf32, #tpu.memory_space<hbm>>
      %dma_wait3A_633 = tpu.memref_slice %arg12[%dma_wait3A_625] : memref<8x!tpu.dma_semaphore, #tpu.memory_space<semaphore_mem>> -> memref<1x!tpu.dma_semaphore, #tpu.memory_space<semaphore_mem>>
      %dma_wait3A_634 = tpu.memref_squeeze %dma_wait3A_633 : memref<1x!tpu.dma_semaphore, #tpu.memory_space<semaphore_mem>> -> memref<!tpu.dma_semaphore, #tpu.memory_space<semaphore_mem>>
      %dma_wait3A_635 = arith.constant 0 : i32
      %dma_wait3A_636 = arith.constant 0 : i32
      %dma_wait3A_637 = tpu.memref_slice %arg10[%dma_wait3A_624, %dma_wait3A_635, %dma_wait3A_636] : memref<8x32x128xf32, #tpu.memory_space<vmem>> -> memref<1x32x128xf32, #tpu.memory_space<vmem>>
      %dma_wait3A_638 = tpu.memref_squeeze %dma_wait3A_637 : memref<1x32x128xf32, #tpu.memory_space<vmem>> -> memref<32x128xf32, #tpu.memory_space<vmem>>
      %dma_wait3A_639 = arith.constant 0 : i32
      %dma_wait3A_640 = arith.constant 0 : i32
      %dma_wait3A_641 = tpu.memref_slice %arg5[%dma_wait3A_639, %dma_wait3A_640] : memref<32x1000000xf32, #tpu.memory_space<hbm>> -> memref<32x128xf32, #tpu.memory_space<hbm>>
      tpu.wait_dma2 semaphore(%dma_wait3A_634 : memref<!tpu.dma_semaphore, #tpu.memory_space<semaphore_mem>>) src(%dma_wait3A_641 : memref<32x128xf32, #tpu.memory_space<hbm>>) dst(%dma_wait3A_638 : memref<32x128xf32, #tpu.memory_space<vmem>>)
      %slice3A_642 = vector.extract_strided_slice %get3A_381 {offsets = [2], sizes = [1], strides = [1]} : vector<16xi32> to vector<1xi32>
      %squeeze3A_643 = vector.extract %slice3A_642[0] : i32 from vector<1xi32>
      %and3A_644 = arith.constant 127 : i32
      %and3A_645 = arith.andi %squeeze3A_643, %and3A_644 : i32
      %broadcast_in_dim3A_646 = vector.broadcast %and3A_645 : i32 to vector<16xi32>
      %slice3A_647 = vector.extract_strided_slice %get3A_383 {offsets = [2], sizes = [1], strides = [1]} : vector<16xi32> to vector<1xi32>
      %squeeze3A_648 = vector.extract %slice3A_647[0] : i32 from vector<1xi32>
      %and3A_649 = arith.constant 127 : i32
      %and3A_650 = arith.andi %squeeze3A_648, %and3A_649 : i32
      %broadcast_in_dim3A_651 = vector.broadcast %and3A_650 : i32 to vector<16xi32>
      %broadcast_in_dim3A_652 = arith.constant 2 : i32
      %broadcast_in_dim3A_653 = vector.broadcast %broadcast_in_dim3A_652 : i32 to vector<16xi32>
      %gather3A_654 = tpu.vector_load_idx %arg9[%broadcast_in_dim3A_653, %iota3A, %broadcast_in_dim3A_646] : memref<8x32x128xf32, #tpu.memory_space<vmem>>[vector<16xi32>, vector<16xi32>, vector<16xi32>], vector<16xf32>,
      %add3A_655 = arith.constant 16 : i32
      %add3A_656 = vector.broadcast %add3A_655 : i32 to vector<16xi32>
      %add3A_657 = arith.addi %iota3A, %add3A_656 : vector<16xi32>
      %gather3A_658 = tpu.vector_load_idx %arg9[%broadcast_in_dim3A_653, %add3A_657, %broadcast_in_dim3A_646] : memref<8x32x128xf32, #tpu.memory_space<vmem>>[vector<16xi32>, vector<16xi32>, vector<16xi32>], vector<16xf32>,
      %gather3A_659 = tpu.vector_load_idx %arg10[%broadcast_in_dim3A_653, %iota3A, %broadcast_in_dim3A_651] : memref<8x32x128xf32, #tpu.memory_space<vmem>>[vector<16xi32>, vector<16xi32>, vector<16xi32>], vector<16xf32>,
      %add3A_660 = arith.constant 16 : i32
      %add3A_661 = vector.broadcast %add3A_660 : i32 to vector<16xi32>
      %add3A_662 = arith.addi %iota3A, %add3A_661 : vector<16xi32>
      %gather3A_663 = tpu.vector_load_idx %arg10[%broadcast_in_dim3A_653, %add3A_662, %broadcast_in_dim3A_651] : memref<8x32x128xf32, #tpu.memory_space<vmem>>[vector<16xi32>, vector<16xi32>, vector<16xi32>], vector<16xf32>,
      %lt3A_664 = arith.constant 63 : i32
      %lt3A_665 = arith.cmpi slt, %scan3A_375, %lt3A_664 : i32
      %convert_element_type3A_666 = arith.extui %lt3A_665 : i1 to i32
      %cond3A_667 = arith.constant 0 : i32
      %cond3A_668 = arith.cmpi ne, %convert_element_type3A_666, %cond3A_667 : i32
      scf.if %cond3A_668 {
        %slice3A_1329 = vector.extract_strided_slice %get3A_381 {offsets = [10], sizes = [1], strides = [1]} : vector<16xi32> to vector<1xi32>
        %squeeze3A_1330 = vector.extract %slice3A_1329[0] : i32 from vector<1xi32>
        %slice3A_1331 = vector.extract_strided_slice %get3A_383 {offsets = [10], sizes = [1], strides = [1]} : vector<16xi32> to vector<1xi32>
        %squeeze3A_1332 = vector.extract %slice3A_1331[0] : i32 from vector<1xi32>
        %shift_right_arithmetic3A_1333 = arith.constant 7 : i32
        %shift_right_arithmetic3A_1334 = arith.shrsi %squeeze3A_1330, %shift_right_arithmetic3A_1333 : i32
        %mul3A_1335 = arith.constant 128 : i32
        %mul3A_1336 = arith.muli %shift_right_arithmetic3A_1334, %mul3A_1335 : i32
        %multiple_of3A_1337 = tpu.assume_multiple %mul3A_1336, 128 : i32
        %shift_right_arithmetic3A_1338 = arith.constant 7 : i32
        %shift_right_arithmetic3A_1339 = arith.shrsi %squeeze3A_1332, %shift_right_arithmetic3A_1338 : i32
        %mul3A_1340 = arith.constant 128 : i32
        %mul3A_1341 = arith.muli %shift_right_arithmetic3A_1339, %mul3A_1340 : i32
        %multiple_of3A_1342 = tpu.assume_multiple %mul3A_1341, 128 : i32
        %dma_start3A_1343 = arith.constant 2 : i32
        %dma_start3A_1344 = arith.constant 2 : i32
        %dma_start3A_1345 = arith.constant 0 : i32
        %dma_start3A_1346 = arith.constant 0 : i32
        %dma_start3A_1347 = tpu.memref_slice %arg9[%dma_start3A_1343, %dma_start3A_1345, %dma_start3A_1346] : memref<8x32x128xf32, #tpu.memory_space<vmem>> -> memref<1x32x128xf32, #tpu.memory_space<vmem>>
        %dma_start3A_1348 = tpu.memref_squeeze %dma_start3A_1347 : memref<1x32x128xf32, #tpu.memory_space<vmem>> -> memref<32x128xf32, #tpu.memory_space<vmem>>
        %dma_start3A_1349 = arith.constant 0 : i32
        %dma_start3A_1350 = tpu.memref_slice %arg4[%dma_start3A_1349, %multiple_of3A_1337] : memref<32x1000000xf32, #tpu.memory_space<hbm>> -> memref<32x128xf32, #tpu.memory_space<hbm>>
        %dma_start3A_1351 = tpu.memref_slice %arg12[%dma_start3A_1344] : memref<8x!tpu.dma_semaphore, #tpu.memory_space<semaphore_mem>> -> memref<1x!tpu.dma_semaphore, #tpu.memory_space<semaphore_mem>>
        %dma_start3A_1352 = tpu.memref_squeeze %dma_start3A_1351 : memref<1x!tpu.dma_semaphore, #tpu.memory_space<semaphore_mem>> -> memref<!tpu.dma_semaphore, #tpu.memory_space<semaphore_mem>>
        %dma_start3A_1353 = arith.constant 0 : i32
        %dma_start3A_1354 = arith.constant 0 : i32
        %dma_start3A_1355 = tpu.memref_slice %arg9[%dma_start3A_1343, %dma_start3A_1353, %dma_start3A_1354] : memref<8x32x128xf32, #tpu.memory_space<vmem>> -> memref<1x32x128xf32, #tpu.memory_space<vmem>>
        %dma_start3A_1356 = tpu.memref_squeeze %dma_start3A_1355 : memref<1x32x128xf32, #tpu.memory_space<vmem>> -> memref<32x128xf32, #tpu.memory_space<vmem>>
        %dma_start3A_1357 = arith.constant 0 : i32
        %dma_start3A_1358 = tpu.memref_slice %arg4[%dma_start3A_1357, %multiple_of3A_1337] : memref<32x1000000xf32, #tpu.memory_space<hbm>> -> memref<32x128xf32, #tpu.memory_space<hbm>>
        tpu.enqueue_dma source(%dma_start3A_1358 : memref<32x128xf32, #tpu.memory_space<hbm>>) target(%dma_start3A_1356 : memref<32x128xf32, #tpu.memory_space<vmem>>) target_semaphore(%dma_start3A_1352 : memref<!tpu.dma_semaphore, #tpu.memory_space<semaphore_mem>>)
        %dma_start3A_1359 = arith.constant 2 : i32
        %dma_start3A_1360 = arith.constant 2 : i32
        %dma_start3A_1361 = arith.constant 0 : i32
        %dma_start3A_1362 = arith.constant 0 : i32
        %dma_start3A_1363 = tpu.memref_slice %arg10[%dma_start3A_1359, %dma_start3A_1361, %dma_start3A_1362] : memref<8x32x128xf32, #tpu.memory_space<vmem>> -> memref<1x32x128xf32, #tpu.memory_space<vmem>>
        %dma_start3A_1364 = tpu.memref_squeeze %dma_start3A_1363 : memref<1x32x128xf32, #tpu.memory_space<vmem>> -> memref<32x128xf32, #tpu.memory_space<vmem>>
        %dma_start3A_1365 = arith.constant 0 : i32
        %dma_start3A_1366 = tpu.memref_slice %arg5[%dma_start3A_1365, %multiple_of3A_1342] : memref<32x1000000xf32, #tpu.memory_space<hbm>> -> memref<32x128xf32, #tpu.memory_space<hbm>>
        %dma_start3A_1367 = tpu.memref_slice %arg12[%dma_start3A_1360] : memref<8x!tpu.dma_semaphore, #tpu.memory_space<semaphore_mem>> -> memref<1x!tpu.dma_semaphore, #tpu.memory_space<semaphore_mem>>
        %dma_start3A_1368 = tpu.memref_squeeze %dma_start3A_1367 : memref<1x!tpu.dma_semaphore, #tpu.memory_space<semaphore_mem>> -> memref<!tpu.dma_semaphore, #tpu.memory_space<semaphore_mem>>
        %dma_start3A_1369 = arith.constant 0 : i32
        %dma_start3A_1370 = arith.constant 0 : i32
        %dma_start3A_1371 = tpu.memref_slice %arg10[%dma_start3A_1359, %dma_start3A_1369, %dma_start3A_1370] : memref<8x32x128xf32, #tpu.memory_space<vmem>> -> memref<1x32x128xf32, #tpu.memory_space<vmem>>
        %dma_start3A_1372 = tpu.memref_squeeze %dma_start3A_1371 : memref<1x32x128xf32, #tpu.memory_space<vmem>> -> memref<32x128xf32, #tpu.memory_space<vmem>>
        %dma_start3A_1373 = arith.constant 0 : i32
        %dma_start3A_1374 = tpu.memref_slice %arg5[%dma_start3A_1373, %multiple_of3A_1342] : memref<32x1000000xf32, #tpu.memory_space<hbm>> -> memref<32x128xf32, #tpu.memory_space<hbm>>
        tpu.enqueue_dma source(%dma_start3A_1374 : memref<32x128xf32, #tpu.memory_space<hbm>>) target(%dma_start3A_1372 : memref<32x128xf32, #tpu.memory_space<vmem>>) target_semaphore(%dma_start3A_1368 : memref<!tpu.dma_semaphore, #tpu.memory_space<semaphore_mem>>)
      } else {
      }
      %mul3A_669 = arith.mulf %gather3A_654, %gather3A_659 : vector<16xf32>
      %mul3A_670 = arith.mulf %gather3A_658, %gather3A_663 : vector<16xf32>
      %add3A_671 = arith.addf %mul3A_669, %mul3A_670 : vector<16xf32>
      %xor3A_672 = arith.constant 8 : i32
      %xor3A_673 = vector.broadcast %xor3A_672 : i32 to vector<16xi32>
      %xor3A_674 = arith.xori %iota3A, %xor3A_673 : vector<16xi32>
      %broadcast_in_dim3A_675 = vector.shape_cast %xor3A_674 : vector<16xi32> to vector<16x1xi32>
      %gather3A_676 = vector.shape_cast %broadcast_in_dim3A_675 : vector<16x1xi32> to vector<16xi32>
      %gather3A_677 = tpu.dynamic_gather %add3A_671[%gather3A_676] in [0] : vector<16xf32>, vector<16xi32> -> vector<16xf32>
      %add3A_678 = arith.addf %add3A_671, %gather3A_677 : vector<16xf32>
      %xor3A_679 = arith.constant 4 : i32
      %xor3A_680 = vector.broadcast %xor3A_679 : i32 to vector<16xi32>
      %xor3A_681 = arith.xori %iota3A, %xor3A_680 : vector<16xi32>
      %broadcast_in_dim3A_682 = vector.shape_cast %xor3A_681 : vector<16xi32> to vector<16x1xi32>
      %gather3A_683 = vector.shape_cast %broadcast_in_dim3A_682 : vector<16x1xi32> to vector<16xi32>
      %gather3A_684 = tpu.dynamic_gather %add3A_678[%gather3A_683] in [0] : vector<16xf32>, vector<16xi32> -> vector<16xf32>
      %add3A_685 = arith.addf %add3A_678, %gather3A_684 : vector<16xf32>
      %xor3A_686 = arith.constant 2 : i32
      %xor3A_687 = vector.broadcast %xor3A_686 : i32 to vector<16xi32>
      %xor3A_688 = arith.xori %iota3A, %xor3A_687 : vector<16xi32>
      %broadcast_in_dim3A_689 = vector.shape_cast %xor3A_688 : vector<16xi32> to vector<16x1xi32>
      %gather3A_690 = vector.shape_cast %broadcast_in_dim3A_689 : vector<16x1xi32> to vector<16xi32>
      %gather3A_691 = tpu.dynamic_gather %add3A_685[%gather3A_690] in [0] : vector<16xf32>, vector<16xi32> -> vector<16xf32>
      %add3A_692 = arith.addf %add3A_685, %gather3A_691 : vector<16xf32>
      %xor3A_693 = arith.constant 1 : i32
      %xor3A_694 = vector.broadcast %xor3A_693 : i32 to vector<16xi32>
      %xor3A_695 = arith.xori %iota3A, %xor3A_694 : vector<16xi32>
      %broadcast_in_dim3A_696 = vector.shape_cast %xor3A_695 : vector<16xi32> to vector<16x1xi32>
      %gather3A_697 = vector.shape_cast %broadcast_in_dim3A_696 : vector<16x1xi32> to vector<16xi32>
      %gather3A_698 = tpu.dynamic_gather %add3A_692[%gather3A_697] in [0] : vector<16xf32>, vector<16xi32> -> vector<16xf32>
      %add3A_699 = arith.addf %add3A_692, %gather3A_698 : vector<16xf32>
      %jit3A_700 = arith.constant 2 : i32
      %eq3A_701 = arith.constant 0 : i32
      %eq3A_702 = arith.cmpi eq, %jit3A_700, %eq3A_701 : i32
      %jit3A_703 = arith.constant 1 : i32
      %select_n3A_704 = arith.select %eq3A_702, %jit3A_703, %jit3A_700 : i32
      %rem3A_705 = arith.remsi %scan3A_375, %select_n3A_704 : i32
      %ne3A_706 = arith.constant 0 : i32
      %ne3A_707 = arith.cmpi ne, %rem3A_705, %ne3A_706 : i32
      %lt3A_708 = arith.constant 0 : i32
      %lt3A_709 = arith.cmpi slt, %rem3A_705, %lt3A_708 : i32
      %lt3A_710 = arith.constant 0 : i32
      %lt3A_711 = arith.cmpi slt, %select_n3A_704, %lt3A_710 : i32
      %ne3A_712 = arith.xori %lt3A_709, %lt3A_711 : i1
      %and3A_713 = arith.andi %ne3A_712, %ne3A_707 : i1
      %add3A_714 = arith.addi %rem3A_705, %select_n3A_704 : i32
      %select_n3A_715 = arith.select %and3A_713, %add3A_714, %rem3A_705 : i32
      %mul3A_716 = arith.constant 8 : i32
      %mul3A_717 = arith.muli %select_n3A_715, %mul3A_716 : i32
      %add3A_718 = arith.constant 2 : i32
      %add3A_719 = arith.addi %mul3A_717, %add3A_718 : i32
      %eq3A_720 = vector.broadcast %add3A_719 : i32 to vector<16xi32>
      %eq3A_721 = arith.cmpi eq, %iota3A, %eq3A_720 : vector<16xi32>
      %select_n3A_722 = arith.select %eq3A_721, %add3A_699, %select_n3A_605 : vector<16xi1>, vector<16xf32>
      %dma_wait3A_723 = arith.constant 3 : i32
      %dma_wait3A_724 = arith.constant 3 : i32
      %dma_wait3A_725 = arith.constant 0 : i32
      %dma_wait3A_726 = arith.constant 0 : i32
      %dma_wait3A_727 = tpu.memref_slice %arg9[%dma_wait3A_723, %dma_wait3A_725, %dma_wait3A_726] : memref<8x32x128xf32, #tpu.memory_space<vmem>> -> memref<1x32x128xf32, #tpu.memory_space<vmem>>
      %dma_wait3A_728 = tpu.memref_squeeze %dma_wait3A_727 : memref<1x32x128xf32, #tpu.memory_space<vmem>> -> memref<32x128xf32, #tpu.memory_space<vmem>>
      %dma_wait3A_729 = arith.constant 0 : i32
      %dma_wait3A_730 = arith.constant 0 : i32
      %dma_wait3A_731 = tpu.memref_slice %arg4[%dma_wait3A_729, %dma_wait3A_730] : memref<32x1000000xf32, #tpu.memory_space<hbm>> -> memref<32x128xf32, #tpu.memory_space<hbm>>
      %dma_wait3A_732 = tpu.memref_slice %arg12[%dma_wait3A_724] : memref<8x!tpu.dma_semaphore, #tpu.memory_space<semaphore_mem>> -> memref<1x!tpu.dma_semaphore, #tpu.memory_space<semaphore_mem>>
      %dma_wait3A_733 = tpu.memref_squeeze %dma_wait3A_732 : memref<1x!tpu.dma_semaphore, #tpu.memory_space<semaphore_mem>> -> memref<!tpu.dma_semaphore, #tpu.memory_space<semaphore_mem>>
      %dma_wait3A_734 = arith.constant 0 : i32
      %dma_wait3A_735 = arith.constant 0 : i32
      %dma_wait3A_736 = tpu.memref_slice %arg9[%dma_wait3A_723, %dma_wait3A_734, %dma_wait3A_735] : memref<8x32x128xf32, #tpu.memory_space<vmem>> -> memref<1x32x128xf32, #tpu.memory_space<vmem>>
      %dma_wait3A_737 = tpu.memref_squeeze %dma_wait3A_736 : memref<1x32x128xf32, #tpu.memory_space<vmem>> -> memref<32x128xf32, #tpu.memory_space<vmem>>
      %dma_wait3A_738 = arith.constant 0 : i32
      %dma_wait3A_739 = arith.constant 0 : i32
      %dma_wait3A_740 = tpu.memref_slice %arg4[%dma_wait3A_738, %dma_wait3A_739] : memref<32x1000000xf32, #tpu.memory_space<hbm>> -> memref<32x128xf32, #tpu.memory_space<hbm>>
      tpu.wait_dma2 semaphore(%dma_wait3A_733 : memref<!tpu.dma_semaphore, #tpu.memory_space<semaphore_mem>>) src(%dma_wait3A_740 : memref<32x128xf32, #tpu.memory_space<hbm>>) dst(%dma_wait3A_737 : memref<32x128xf32, #tpu.memory_space<vmem>>)
      %dma_wait3A_741 = arith.constant 3 : i32
      %dma_wait3A_742 = arith.constant 3 : i32
      %dma_wait3A_743 = arith.constant 0 : i32
      %dma_wait3A_744 = arith.constant 0 : i32
      %dma_wait3A_745 = tpu.memref_slice %arg10[%dma_wait3A_741, %dma_wait3A_743, %dma_wait3A_744] : memref<8x32x128xf32, #tpu.memory_space<vmem>> -> memref<1x32x128xf32, #tpu.memory_space<vmem>>
      %dma_wait3A_746 = tpu.memref_squeeze %dma_wait3A_745 : memref<1x32x128xf32, #tpu.memory_space<vmem>> -> memref<32x128xf32, #tpu.memory_space<vmem>>
      %dma_wait3A_747 = arith.constant 0 : i32
      %dma_wait3A_748 = arith.constant 0 : i32
      %dma_wait3A_749 = tpu.memref_slice %arg5[%dma_wait3A_747, %dma_wait3A_748] : memref<32x1000000xf32, #tpu.memory_space<hbm>> -> memref<32x128xf32, #tpu.memory_space<hbm>>
      %dma_wait3A_750 = tpu.memref_slice %arg12[%dma_wait3A_742] : memref<8x!tpu.dma_semaphore, #tpu.memory_space<semaphore_mem>> -> memref<1x!tpu.dma_semaphore, #tpu.memory_space<semaphore_mem>>
      %dma_wait3A_751 = tpu.memref_squeeze %dma_wait3A_750 : memref<1x!tpu.dma_semaphore, #tpu.memory_space<semaphore_mem>> -> memref<!tpu.dma_semaphore, #tpu.memory_space<semaphore_mem>>
      %dma_wait3A_752 = arith.constant 0 : i32
      %dma_wait3A_753 = arith.constant 0 : i32
      %dma_wait3A_754 = tpu.memref_slice %arg10[%dma_wait3A_741, %dma_wait3A_752, %dma_wait3A_753] : memref<8x32x128xf32, #tpu.memory_space<vmem>> -> memref<1x32x128xf32, #tpu.memory_space<vmem>>
      %dma_wait3A_755 = tpu.memref_squeeze %dma_wait3A_754 : memref<1x32x128xf32, #tpu.memory_space<vmem>> -> memref<32x128xf32, #tpu.memory_space<vmem>>
      %dma_wait3A_756 = arith.constant 0 : i32
      %dma_wait3A_757 = arith.constant 0 : i32
      %dma_wait3A_758 = tpu.memref_slice %arg5[%dma_wait3A_756, %dma_wait3A_757] : memref<32x1000000xf32, #tpu.memory_space<hbm>> -> memref<32x128xf32, #tpu.memory_space<hbm>>
      tpu.wait_dma2 semaphore(%dma_wait3A_751 : memref<!tpu.dma_semaphore, #tpu.memory_space<semaphore_mem>>) src(%dma_wait3A_758 : memref<32x128xf32, #tpu.memory_space<hbm>>) dst(%dma_wait3A_755 : memref<32x128xf32, #tpu.memory_space<vmem>>)
      %slice3A_759 = vector.extract_strided_slice %get3A_381 {offsets = [3], sizes = [1], strides = [1]} : vector<16xi32> to vector<1xi32>
      %squeeze3A_760 = vector.extract %slice3A_759[0] : i32 from vector<1xi32>
      %and3A_761 = arith.constant 127 : i32
      %and3A_762 = arith.andi %squeeze3A_760, %and3A_761 : i32
      %broadcast_in_dim3A_763 = vector.broadcast %and3A_762 : i32 to vector<16xi32>
      %slice3A_764 = vector.extract_strided_slice %get3A_383 {offsets = [3], sizes = [1], strides = [1]} : vector<16xi32> to vector<1xi32>
      %squeeze3A_765 = vector.extract %slice3A_764[0] : i32 from vector<1xi32>
      %and3A_766 = arith.constant 127 : i32
      %and3A_767 = arith.andi %squeeze3A_765, %and3A_766 : i32
      %broadcast_in_dim3A_768 = vector.broadcast %and3A_767 : i32 to vector<16xi32>
      %broadcast_in_dim3A_769 = arith.constant 3 : i32
      %broadcast_in_dim3A_770 = vector.broadcast %broadcast_in_dim3A_769 : i32 to vector<16xi32>
      %gather3A_771 = tpu.vector_load_idx %arg9[%broadcast_in_dim3A_770, %iota3A, %broadcast_in_dim3A_763] : memref<8x32x128xf32, #tpu.memory_space<vmem>>[vector<16xi32>, vector<16xi32>, vector<16xi32>], vector<16xf32>,
      %add3A_772 = arith.constant 16 : i32
      %add3A_773 = vector.broadcast %add3A_772 : i32 to vector<16xi32>
      %add3A_774 = arith.addi %iota3A, %add3A_773 : vector<16xi32>
      %gather3A_775 = tpu.vector_load_idx %arg9[%broadcast_in_dim3A_770, %add3A_774, %broadcast_in_dim3A_763] : memref<8x32x128xf32, #tpu.memory_space<vmem>>[vector<16xi32>, vector<16xi32>, vector<16xi32>], vector<16xf32>,
      %gather3A_776 = tpu.vector_load_idx %arg10[%broadcast_in_dim3A_770, %iota3A, %broadcast_in_dim3A_768] : memref<8x32x128xf32, #tpu.memory_space<vmem>>[vector<16xi32>, vector<16xi32>, vector<16xi32>], vector<16xf32>,
      %add3A_777 = arith.constant 16 : i32
      %add3A_778 = vector.broadcast %add3A_777 : i32 to vector<16xi32>
      %add3A_779 = arith.addi %iota3A, %add3A_778 : vector<16xi32>
      %gather3A_780 = tpu.vector_load_idx %arg10[%broadcast_in_dim3A_770, %add3A_779, %broadcast_in_dim3A_768] : memref<8x32x128xf32, #tpu.memory_space<vmem>>[vector<16xi32>, vector<16xi32>, vector<16xi32>], vector<16xf32>,
      %lt3A_781 = arith.constant 63 : i32
      %lt3A_782 = arith.cmpi slt, %scan3A_375, %lt3A_781 : i32
      %convert_element_type3A_783 = arith.extui %lt3A_782 : i1 to i32
      %cond3A_784 = arith.constant 0 : i32
      %cond3A_785 = arith.cmpi ne, %convert_element_type3A_783, %cond3A_784 : i32
      scf.if %cond3A_785 {
        %slice3A_1329 = vector.extract_strided_slice %get3A_381 {offsets = [11], sizes = [1], strides = [1]} : vector<16xi32> to vector<1xi32>
        %squeeze3A_1330 = vector.extract %slice3A_1329[0] : i32 from vector<1xi32>
        %slice3A_1331 = vector.extract_strided_slice %get3A_383 {offsets = [11], sizes = [1], strides = [1]} : vector<16xi32> to vector<1xi32>
        %squeeze3A_1332 = vector.extract %slice3A_1331[0] : i32 from vector<1xi32>
        %shift_right_arithmetic3A_1333 = arith.constant 7 : i32
        %shift_right_arithmetic3A_1334 = arith.shrsi %squeeze3A_1330, %shift_right_arithmetic3A_1333 : i32
        %mul3A_1335 = arith.constant 128 : i32
        %mul3A_1336 = arith.muli %shift_right_arithmetic3A_1334, %mul3A_1335 : i32
        %multiple_of3A_1337 = tpu.assume_multiple %mul3A_1336, 128 : i32
        %shift_right_arithmetic3A_1338 = arith.constant 7 : i32
        %shift_right_arithmetic3A_1339 = arith.shrsi %squeeze3A_1332, %shift_right_arithmetic3A_1338 : i32
        %mul3A_1340 = arith.constant 128 : i32
        %mul3A_1341 = arith.muli %shift_right_arithmetic3A_1339, %mul3A_1340 : i32
        %multiple_of3A_1342 = tpu.assume_multiple %mul3A_1341, 128 : i32
        %dma_start3A_1343 = arith.constant 3 : i32
        %dma_start3A_1344 = arith.constant 3 : i32
        %dma_start3A_1345 = arith.constant 0 : i32
        %dma_start3A_1346 = arith.constant 0 : i32
        %dma_start3A_1347 = tpu.memref_slice %arg9[%dma_start3A_1343, %dma_start3A_1345, %dma_start3A_1346] : memref<8x32x128xf32, #tpu.memory_space<vmem>> -> memref<1x32x128xf32, #tpu.memory_space<vmem>>
        %dma_start3A_1348 = tpu.memref_squeeze %dma_start3A_1347 : memref<1x32x128xf32, #tpu.memory_space<vmem>> -> memref<32x128xf32, #tpu.memory_space<vmem>>
        %dma_start3A_1349 = arith.constant 0 : i32
        %dma_start3A_1350 = tpu.memref_slice %arg4[%dma_start3A_1349, %multiple_of3A_1337] : memref<32x1000000xf32, #tpu.memory_space<hbm>> -> memref<32x128xf32, #tpu.memory_space<hbm>>
        %dma_start3A_1351 = tpu.memref_slice %arg12[%dma_start3A_1344] : memref<8x!tpu.dma_semaphore, #tpu.memory_space<semaphore_mem>> -> memref<1x!tpu.dma_semaphore, #tpu.memory_space<semaphore_mem>>
        %dma_start3A_1352 = tpu.memref_squeeze %dma_start3A_1351 : memref<1x!tpu.dma_semaphore, #tpu.memory_space<semaphore_mem>> -> memref<!tpu.dma_semaphore, #tpu.memory_space<semaphore_mem>>
        %dma_start3A_1353 = arith.constant 0 : i32
        %dma_start3A_1354 = arith.constant 0 : i32
        %dma_start3A_1355 = tpu.memref_slice %arg9[%dma_start3A_1343, %dma_start3A_1353, %dma_start3A_1354] : memref<8x32x128xf32, #tpu.memory_space<vmem>> -> memref<1x32x128xf32, #tpu.memory_space<vmem>>
        %dma_start3A_1356 = tpu.memref_squeeze %dma_start3A_1355 : memref<1x32x128xf32, #tpu.memory_space<vmem>> -> memref<32x128xf32, #tpu.memory_space<vmem>>
        %dma_start3A_1357 = arith.constant 0 : i32
        %dma_start3A_1358 = tpu.memref_slice %arg4[%dma_start3A_1357, %multiple_of3A_1337] : memref<32x1000000xf32, #tpu.memory_space<hbm>> -> memref<32x128xf32, #tpu.memory_space<hbm>>
        tpu.enqueue_dma source(%dma_start3A_1358 : memref<32x128xf32, #tpu.memory_space<hbm>>) target(%dma_start3A_1356 : memref<32x128xf32, #tpu.memory_space<vmem>>) target_semaphore(%dma_start3A_1352 : memref<!tpu.dma_semaphore, #tpu.memory_space<semaphore_mem>>)
        %dma_start3A_1359 = arith.constant 3 : i32
        %dma_start3A_1360 = arith.constant 3 : i32
        %dma_start3A_1361 = arith.constant 0 : i32
        %dma_start3A_1362 = arith.constant 0 : i32
        %dma_start3A_1363 = tpu.memref_slice %arg10[%dma_start3A_1359, %dma_start3A_1361, %dma_start3A_1362] : memref<8x32x128xf32, #tpu.memory_space<vmem>> -> memref<1x32x128xf32, #tpu.memory_space<vmem>>
        %dma_start3A_1364 = tpu.memref_squeeze %dma_start3A_1363 : memref<1x32x128xf32, #tpu.memory_space<vmem>> -> memref<32x128xf32, #tpu.memory_space<vmem>>
        %dma_start3A_1365 = arith.constant 0 : i32
        %dma_start3A_1366 = tpu.memref_slice %arg5[%dma_start3A_1365, %multiple_of3A_1342] : memref<32x1000000xf32, #tpu.memory_space<hbm>> -> memref<32x128xf32, #tpu.memory_space<hbm>>
        %dma_start3A_1367 = tpu.memref_slice %arg12[%dma_start3A_1360] : memref<8x!tpu.dma_semaphore, #tpu.memory_space<semaphore_mem>> -> memref<1x!tpu.dma_semaphore, #tpu.memory_space<semaphore_mem>>
        %dma_start3A_1368 = tpu.memref_squeeze %dma_start3A_1367 : memref<1x!tpu.dma_semaphore, #tpu.memory_space<semaphore_mem>> -> memref<!tpu.dma_semaphore, #tpu.memory_space<semaphore_mem>>
        %dma_start3A_1369 = arith.constant 0 : i32
        %dma_start3A_1370 = arith.constant 0 : i32
        %dma_start3A_1371 = tpu.memref_slice %arg10[%dma_start3A_1359, %dma_start3A_1369, %dma_start3A_1370] : memref<8x32x128xf32, #tpu.memory_space<vmem>> -> memref<1x32x128xf32, #tpu.memory_space<vmem>>
        %dma_start3A_1372 = tpu.memref_squeeze %dma_start3A_1371 : memref<1x32x128xf32, #tpu.memory_space<vmem>> -> memref<32x128xf32, #tpu.memory_space<vmem>>
        %dma_start3A_1373 = arith.constant 0 : i32
        %dma_start3A_1374 = tpu.memref_slice %arg5[%dma_start3A_1373, %multiple_of3A_1342] : memref<32x1000000xf32, #tpu.memory_space<hbm>> -> memref<32x128xf32, #tpu.memory_space<hbm>>
        tpu.enqueue_dma source(%dma_start3A_1374 : memref<32x128xf32, #tpu.memory_space<hbm>>) target(%dma_start3A_1372 : memref<32x128xf32, #tpu.memory_space<vmem>>) target_semaphore(%dma_start3A_1368 : memref<!tpu.dma_semaphore, #tpu.memory_space<semaphore_mem>>)
      } else {
      }
      %mul3A_786 = arith.mulf %gather3A_771, %gather3A_776 : vector<16xf32>
      %mul3A_787 = arith.mulf %gather3A_775, %gather3A_780 : vector<16xf32>
      %add3A_788 = arith.addf %mul3A_786, %mul3A_787 : vector<16xf32>
      %xor3A_789 = arith.constant 8 : i32
      %xor3A_790 = vector.broadcast %xor3A_789 : i32 to vector<16xi32>
      %xor3A_791 = arith.xori %iota3A, %xor3A_790 : vector<16xi32>
      %broadcast_in_dim3A_792 = vector.shape_cast %xor3A_791 : vector<16xi32> to vector<16x1xi32>
      %gather3A_793 = vector.shape_cast %broadcast_in_dim3A_792 : vector<16x1xi32> to vector<16xi32>
      %gather3A_794 = tpu.dynamic_gather %add3A_788[%gather3A_793] in [0] : vector<16xf32>, vector<16xi32> -> vector<16xf32>
      %add3A_795 = arith.addf %add3A_788, %gather3A_794 : vector<16xf32>
      %xor3A_796 = arith.constant 4 : i32
      %xor3A_797 = vector.broadcast %xor3A_796 : i32 to vector<16xi32>
      %xor3A_798 = arith.xori %iota3A, %xor3A_797 : vector<16xi32>
      %broadcast_in_dim3A_799 = vector.shape_cast %xor3A_798 : vector<16xi32> to vector<16x1xi32>
      %gather3A_800 = vector.shape_cast %broadcast_in_dim3A_799 : vector<16x1xi32> to vector<16xi32>
      %gather3A_801 = tpu.dynamic_gather %add3A_795[%gather3A_800] in [0] : vector<16xf32>, vector<16xi32> -> vector<16xf32>
      %add3A_802 = arith.addf %add3A_795, %gather3A_801 : vector<16xf32>
      %xor3A_803 = arith.constant 2 : i32
      %xor3A_804 = vector.broadcast %xor3A_803 : i32 to vector<16xi32>
      %xor3A_805 = arith.xori %iota3A, %xor3A_804 : vector<16xi32>
      %broadcast_in_dim3A_806 = vector.shape_cast %xor3A_805 : vector<16xi32> to vector<16x1xi32>
      %gather3A_807 = vector.shape_cast %broadcast_in_dim3A_806 : vector<16x1xi32> to vector<16xi32>
      %gather3A_808 = tpu.dynamic_gather %add3A_802[%gather3A_807] in [0] : vector<16xf32>, vector<16xi32> -> vector<16xf32>
      %add3A_809 = arith.addf %add3A_802, %gather3A_808 : vector<16xf32>
      %xor3A_810 = arith.constant 1 : i32
      %xor3A_811 = vector.broadcast %xor3A_810 : i32 to vector<16xi32>
      %xor3A_812 = arith.xori %iota3A, %xor3A_811 : vector<16xi32>
      %broadcast_in_dim3A_813 = vector.shape_cast %xor3A_812 : vector<16xi32> to vector<16x1xi32>
      %gather3A_814 = vector.shape_cast %broadcast_in_dim3A_813 : vector<16x1xi32> to vector<16xi32>
      %gather3A_815 = tpu.dynamic_gather %add3A_809[%gather3A_814] in [0] : vector<16xf32>, vector<16xi32> -> vector<16xf32>
      %add3A_816 = arith.addf %add3A_809, %gather3A_815 : vector<16xf32>
      %jit3A_817 = arith.constant 2 : i32
      %eq3A_818 = arith.constant 0 : i32
      %eq3A_819 = arith.cmpi eq, %jit3A_817, %eq3A_818 : i32
      %jit3A_820 = arith.constant 1 : i32
      %select_n3A_821 = arith.select %eq3A_819, %jit3A_820, %jit3A_817 : i32
      %rem3A_822 = arith.remsi %scan3A_375, %select_n3A_821 : i32
      %ne3A_823 = arith.constant 0 : i32
      %ne3A_824 = arith.cmpi ne, %rem3A_822, %ne3A_823 : i32
      %lt3A_825 = arith.constant 0 : i32
      %lt3A_826 = arith.cmpi slt, %rem3A_822, %lt3A_825 : i32
      %lt3A_827 = arith.constant 0 : i32
      %lt3A_828 = arith.cmpi slt, %select_n3A_821, %lt3A_827 : i32
      %ne3A_829 = arith.xori %lt3A_826, %lt3A_828 : i1
      %and3A_830 = arith.andi %ne3A_829, %ne3A_824 : i1
      %add3A_831 = arith.addi %rem3A_822, %select_n3A_821 : i32
      %select_n3A_832 = arith.select %and3A_830, %add3A_831, %rem3A_822 : i32
      %mul3A_833 = arith.constant 8 : i32
      %mul3A_834 = arith.muli %select_n3A_832, %mul3A_833 : i32
      %add3A_835 = arith.constant 3 : i32
      %add3A_836 = arith.addi %mul3A_834, %add3A_835 : i32
      %eq3A_837 = vector.broadcast %add3A_836 : i32 to vector<16xi32>
      %eq3A_838 = arith.cmpi eq, %iota3A, %eq3A_837 : vector<16xi32>
      %select_n3A_839 = arith.select %eq3A_838, %add3A_816, %select_n3A_722 : vector<16xi1>, vector<16xf32>
      %dma_wait3A_840 = arith.constant 4 : i32
      %dma_wait3A_841 = arith.constant 4 : i32
      %dma_wait3A_842 = arith.constant 0 : i32
      %dma_wait3A_843 = arith.constant 0 : i32
      %dma_wait3A_844 = tpu.memref_slice %arg9[%dma_wait3A_840, %dma_wait3A_842, %dma_wait3A_843] : memref<8x32x128xf32, #tpu.memory_space<vmem>> -> memref<1x32x128xf32, #tpu.memory_space<vmem>>
      %dma_wait3A_845 = tpu.memref_squeeze %dma_wait3A_844 : memref<1x32x128xf32, #tpu.memory_space<vmem>> -> memref<32x128xf32, #tpu.memory_space<vmem>>
      %dma_wait3A_846 = arith.constant 0 : i32
      %dma_wait3A_847 = arith.constant 0 : i32
      %dma_wait3A_848 = tpu.memref_slice %arg4[%dma_wait3A_846, %dma_wait3A_847] : memref<32x1000000xf32, #tpu.memory_space<hbm>> -> memref<32x128xf32, #tpu.memory_space<hbm>>
      %dma_wait3A_849 = tpu.memref_slice %arg12[%dma_wait3A_841] : memref<8x!tpu.dma_semaphore, #tpu.memory_space<semaphore_mem>> -> memref<1x!tpu.dma_semaphore, #tpu.memory_space<semaphore_mem>>
      %dma_wait3A_850 = tpu.memref_squeeze %dma_wait3A_849 : memref<1x!tpu.dma_semaphore, #tpu.memory_space<semaphore_mem>> -> memref<!tpu.dma_semaphore, #tpu.memory_space<semaphore_mem>>
      %dma_wait3A_851 = arith.constant 0 : i32
      %dma_wait3A_852 = arith.constant 0 : i32
      %dma_wait3A_853 = tpu.memref_slice %arg9[%dma_wait3A_840, %dma_wait3A_851, %dma_wait3A_852] : memref<8x32x128xf32, #tpu.memory_space<vmem>> -> memref<1x32x128xf32, #tpu.memory_space<vmem>>
      %dma_wait3A_854 = tpu.memref_squeeze %dma_wait3A_853 : memref<1x32x128xf32, #tpu.memory_space<vmem>> -> memref<32x128xf32, #tpu.memory_space<vmem>>
      %dma_wait3A_855 = arith.constant 0 : i32
      %dma_wait3A_856 = arith.constant 0 : i32
      %dma_wait3A_857 = tpu.memref_slice %arg4[%dma_wait3A_855, %dma_wait3A_856] : memref<32x1000000xf32, #tpu.memory_space<hbm>> -> memref<32x128xf32, #tpu.memory_space<hbm>>
      tpu.wait_dma2 semaphore(%dma_wait3A_850 : memref<!tpu.dma_semaphore, #tpu.memory_space<semaphore_mem>>) src(%dma_wait3A_857 : memref<32x128xf32, #tpu.memory_space<hbm>>) dst(%dma_wait3A_854 : memref<32x128xf32, #tpu.memory_space<vmem>>)
      %dma_wait3A_858 = arith.constant 4 : i32
      %dma_wait3A_859 = arith.constant 4 : i32
      %dma_wait3A_860 = arith.constant 0 : i32
      %dma_wait3A_861 = arith.constant 0 : i32
      %dma_wait3A_862 = tpu.memref_slice %arg10[%dma_wait3A_858, %dma_wait3A_860, %dma_wait3A_861] : memref<8x32x128xf32, #tpu.memory_space<vmem>> -> memref<1x32x128xf32, #tpu.memory_space<vmem>>
      %dma_wait3A_863 = tpu.memref_squeeze %dma_wait3A_862 : memref<1x32x128xf32, #tpu.memory_space<vmem>> -> memref<32x128xf32, #tpu.memory_space<vmem>>
      %dma_wait3A_864 = arith.constant 0 : i32
      %dma_wait3A_865 = arith.constant 0 : i32
      %dma_wait3A_866 = tpu.memref_slice %arg5[%dma_wait3A_864, %dma_wait3A_865] : memref<32x1000000xf32, #tpu.memory_space<hbm>> -> memref<32x128xf32, #tpu.memory_space<hbm>>
      %dma_wait3A_867 = tpu.memref_slice %arg12[%dma_wait3A_859] : memref<8x!tpu.dma_semaphore, #tpu.memory_space<semaphore_mem>> -> memref<1x!tpu.dma_semaphore, #tpu.memory_space<semaphore_mem>>
      %dma_wait3A_868 = tpu.memref_squeeze %dma_wait3A_867 : memref<1x!tpu.dma_semaphore, #tpu.memory_space<semaphore_mem>> -> memref<!tpu.dma_semaphore, #tpu.memory_space<semaphore_mem>>
      %dma_wait3A_869 = arith.constant 0 : i32
      %dma_wait3A_870 = arith.constant 0 : i32
      %dma_wait3A_871 = tpu.memref_slice %arg10[%dma_wait3A_858, %dma_wait3A_869, %dma_wait3A_870] : memref<8x32x128xf32, #tpu.memory_space<vmem>> -> memref<1x32x128xf32, #tpu.memory_space<vmem>>
      %dma_wait3A_872 = tpu.memref_squeeze %dma_wait3A_871 : memref<1x32x128xf32, #tpu.memory_space<vmem>> -> memref<32x128xf32, #tpu.memory_space<vmem>>
      %dma_wait3A_873 = arith.constant 0 : i32
      %dma_wait3A_874 = arith.constant 0 : i32
      %dma_wait3A_875 = tpu.memref_slice %arg5[%dma_wait3A_873, %dma_wait3A_874] : memref<32x1000000xf32, #tpu.memory_space<hbm>> -> memref<32x128xf32, #tpu.memory_space<hbm>>
      tpu.wait_dma2 semaphore(%dma_wait3A_868 : memref<!tpu.dma_semaphore, #tpu.memory_space<semaphore_mem>>) src(%dma_wait3A_875 : memref<32x128xf32, #tpu.memory_space<hbm>>) dst(%dma_wait3A_872 : memref<32x128xf32, #tpu.memory_space<vmem>>)
      %slice3A_876 = vector.extract_strided_slice %get3A_381 {offsets = [4], sizes = [1], strides = [1]} : vector<16xi32> to vector<1xi32>
      %squeeze3A_877 = vector.extract %slice3A_876[0] : i32 from vector<1xi32>
      %and3A_878 = arith.constant 127 : i32
      %and3A_879 = arith.andi %squeeze3A_877, %and3A_878 : i32
      %broadcast_in_dim3A_880 = vector.broadcast %and3A_879 : i32 to vector<16xi32>
      %slice3A_881 = vector.extract_strided_slice %get3A_383 {offsets = [4], sizes = [1], strides = [1]} : vector<16xi32> to vector<1xi32>
      %squeeze3A_882 = vector.extract %slice3A_881[0] : i32 from vector<1xi32>
      %and3A_883 = arith.constant 127 : i32
      %and3A_884 = arith.andi %squeeze3A_882, %and3A_883 : i32
      %broadcast_in_dim3A_885 = vector.broadcast %and3A_884 : i32 to vector<16xi32>
      %broadcast_in_dim3A_886 = arith.constant 4 : i32
      %broadcast_in_dim3A_887 = vector.broadcast %broadcast_in_dim3A_886 : i32 to vector<16xi32>
      %gather3A_888 = tpu.vector_load_idx %arg9[%broadcast_in_dim3A_887, %iota3A, %broadcast_in_dim3A_880] : memref<8x32x128xf32, #tpu.memory_space<vmem>>[vector<16xi32>, vector<16xi32>, vector<16xi32>], vector<16xf32>,
      %add3A_889 = arith.constant 16 : i32
      %add3A_890 = vector.broadcast %add3A_889 : i32 to vector<16xi32>
      %add3A_891 = arith.addi %iota3A, %add3A_890 : vector<16xi32>
      %gather3A_892 = tpu.vector_load_idx %arg9[%broadcast_in_dim3A_887, %add3A_891, %broadcast_in_dim3A_880] : memref<8x32x128xf32, #tpu.memory_space<vmem>>[vector<16xi32>, vector<16xi32>, vector<16xi32>], vector<16xf32>,
      %gather3A_893 = tpu.vector_load_idx %arg10[%broadcast_in_dim3A_887, %iota3A, %broadcast_in_dim3A_885] : memref<8x32x128xf32, #tpu.memory_space<vmem>>[vector<16xi32>, vector<16xi32>, vector<16xi32>], vector<16xf32>,
      %add3A_894 = arith.constant 16 : i32
      %add3A_895 = vector.broadcast %add3A_894 : i32 to vector<16xi32>
      %add3A_896 = arith.addi %iota3A, %add3A_895 : vector<16xi32>
      %gather3A_897 = tpu.vector_load_idx %arg10[%broadcast_in_dim3A_887, %add3A_896, %broadcast_in_dim3A_885] : memref<8x32x128xf32, #tpu.memory_space<vmem>>[vector<16xi32>, vector<16xi32>, vector<16xi32>], vector<16xf32>,
      %lt3A_898 = arith.constant 63 : i32
      %lt3A_899 = arith.cmpi slt, %scan3A_375, %lt3A_898 : i32
      %convert_element_type3A_900 = arith.extui %lt3A_899 : i1 to i32
      %cond3A_901 = arith.constant 0 : i32
      %cond3A_902 = arith.cmpi ne, %convert_element_type3A_900, %cond3A_901 : i32
      scf.if %cond3A_902 {
        %slice3A_1329 = vector.extract_strided_slice %get3A_381 {offsets = [12], sizes = [1], strides = [1]} : vector<16xi32> to vector<1xi32>
        %squeeze3A_1330 = vector.extract %slice3A_1329[0] : i32 from vector<1xi32>
        %slice3A_1331 = vector.extract_strided_slice %get3A_383 {offsets = [12], sizes = [1], strides = [1]} : vector<16xi32> to vector<1xi32>
        %squeeze3A_1332 = vector.extract %slice3A_1331[0] : i32 from vector<1xi32>
        %shift_right_arithmetic3A_1333 = arith.constant 7 : i32
        %shift_right_arithmetic3A_1334 = arith.shrsi %squeeze3A_1330, %shift_right_arithmetic3A_1333 : i32
        %mul3A_1335 = arith.constant 128 : i32
        %mul3A_1336 = arith.muli %shift_right_arithmetic3A_1334, %mul3A_1335 : i32
        %multiple_of3A_1337 = tpu.assume_multiple %mul3A_1336, 128 : i32
        %shift_right_arithmetic3A_1338 = arith.constant 7 : i32
        %shift_right_arithmetic3A_1339 = arith.shrsi %squeeze3A_1332, %shift_right_arithmetic3A_1338 : i32
        %mul3A_1340 = arith.constant 128 : i32
        %mul3A_1341 = arith.muli %shift_right_arithmetic3A_1339, %mul3A_1340 : i32
        %multiple_of3A_1342 = tpu.assume_multiple %mul3A_1341, 128 : i32
        %dma_start3A_1343 = arith.constant 4 : i32
        %dma_start3A_1344 = arith.constant 4 : i32
        %dma_start3A_1345 = arith.constant 0 : i32
        %dma_start3A_1346 = arith.constant 0 : i32
        %dma_start3A_1347 = tpu.memref_slice %arg9[%dma_start3A_1343, %dma_start3A_1345, %dma_start3A_1346] : memref<8x32x128xf32, #tpu.memory_space<vmem>> -> memref<1x32x128xf32, #tpu.memory_space<vmem>>
        %dma_start3A_1348 = tpu.memref_squeeze %dma_start3A_1347 : memref<1x32x128xf32, #tpu.memory_space<vmem>> -> memref<32x128xf32, #tpu.memory_space<vmem>>
        %dma_start3A_1349 = arith.constant 0 : i32
        %dma_start3A_1350 = tpu.memref_slice %arg4[%dma_start3A_1349, %multiple_of3A_1337] : memref<32x1000000xf32, #tpu.memory_space<hbm>> -> memref<32x128xf32, #tpu.memory_space<hbm>>
        %dma_start3A_1351 = tpu.memref_slice %arg12[%dma_start3A_1344] : memref<8x!tpu.dma_semaphore, #tpu.memory_space<semaphore_mem>> -> memref<1x!tpu.dma_semaphore, #tpu.memory_space<semaphore_mem>>
        %dma_start3A_1352 = tpu.memref_squeeze %dma_start3A_1351 : memref<1x!tpu.dma_semaphore, #tpu.memory_space<semaphore_mem>> -> memref<!tpu.dma_semaphore, #tpu.memory_space<semaphore_mem>>
        %dma_start3A_1353 = arith.constant 0 : i32
        %dma_start3A_1354 = arith.constant 0 : i32
        %dma_start3A_1355 = tpu.memref_slice %arg9[%dma_start3A_1343, %dma_start3A_1353, %dma_start3A_1354] : memref<8x32x128xf32, #tpu.memory_space<vmem>> -> memref<1x32x128xf32, #tpu.memory_space<vmem>>
        %dma_start3A_1356 = tpu.memref_squeeze %dma_start3A_1355 : memref<1x32x128xf32, #tpu.memory_space<vmem>> -> memref<32x128xf32, #tpu.memory_space<vmem>>
        %dma_start3A_1357 = arith.constant 0 : i32
        %dma_start3A_1358 = tpu.memref_slice %arg4[%dma_start3A_1357, %multiple_of3A_1337] : memref<32x1000000xf32, #tpu.memory_space<hbm>> -> memref<32x128xf32, #tpu.memory_space<hbm>>
        tpu.enqueue_dma source(%dma_start3A_1358 : memref<32x128xf32, #tpu.memory_space<hbm>>) target(%dma_start3A_1356 : memref<32x128xf32, #tpu.memory_space<vmem>>) target_semaphore(%dma_start3A_1352 : memref<!tpu.dma_semaphore, #tpu.memory_space<semaphore_mem>>)
        %dma_start3A_1359 = arith.constant 4 : i32
        %dma_start3A_1360 = arith.constant 4 : i32
        %dma_start3A_1361 = arith.constant 0 : i32
        %dma_start3A_1362 = arith.constant 0 : i32
        %dma_start3A_1363 = tpu.memref_slice %arg10[%dma_start3A_1359, %dma_start3A_1361, %dma_start3A_1362] : memref<8x32x128xf32, #tpu.memory_space<vmem>> -> memref<1x32x128xf32, #tpu.memory_space<vmem>>
        %dma_start3A_1364 = tpu.memref_squeeze %dma_start3A_1363 : memref<1x32x128xf32, #tpu.memory_space<vmem>> -> memref<32x128xf32, #tpu.memory_space<vmem>>
        %dma_start3A_1365 = arith.constant 0 : i32
        %dma_start3A_1366 = tpu.memref_slice %arg5[%dma_start3A_1365, %multiple_of3A_1342] : memref<32x1000000xf32, #tpu.memory_space<hbm>> -> memref<32x128xf32, #tpu.memory_space<hbm>>
        %dma_start3A_1367 = tpu.memref_slice %arg12[%dma_start3A_1360] : memref<8x!tpu.dma_semaphore, #tpu.memory_space<semaphore_mem>> -> memref<1x!tpu.dma_semaphore, #tpu.memory_space<semaphore_mem>>
        %dma_start3A_1368 = tpu.memref_squeeze %dma_start3A_1367 : memref<1x!tpu.dma_semaphore, #tpu.memory_space<semaphore_mem>> -> memref<!tpu.dma_semaphore, #tpu.memory_space<semaphore_mem>>
        %dma_start3A_1369 = arith.constant 0 : i32
        %dma_start3A_1370 = arith.constant 0 : i32
        %dma_start3A_1371 = tpu.memref_slice %arg10[%dma_start3A_1359, %dma_start3A_1369, %dma_start3A_1370] : memref<8x32x128xf32, #tpu.memory_space<vmem>> -> memref<1x32x128xf32, #tpu.memory_space<vmem>>
        %dma_start3A_1372 = tpu.memref_squeeze %dma_start3A_1371 : memref<1x32x128xf32, #tpu.memory_space<vmem>> -> memref<32x128xf32, #tpu.memory_space<vmem>>
        %dma_start3A_1373 = arith.constant 0 : i32
        %dma_start3A_1374 = tpu.memref_slice %arg5[%dma_start3A_1373, %multiple_of3A_1342] : memref<32x1000000xf32, #tpu.memory_space<hbm>> -> memref<32x128xf32, #tpu.memory_space<hbm>>
        tpu.enqueue_dma source(%dma_start3A_1374 : memref<32x128xf32, #tpu.memory_space<hbm>>) target(%dma_start3A_1372 : memref<32x128xf32, #tpu.memory_space<vmem>>) target_semaphore(%dma_start3A_1368 : memref<!tpu.dma_semaphore, #tpu.memory_space<semaphore_mem>>)
      } else {
      }
      %mul3A_903 = arith.mulf %gather3A_888, %gather3A_893 : vector<16xf32>
      %mul3A_904 = arith.mulf %gather3A_892, %gather3A_897 : vector<16xf32>
      %add3A_905 = arith.addf %mul3A_903, %mul3A_904 : vector<16xf32>
      %xor3A_906 = arith.constant 8 : i32
      %xor3A_907 = vector.broadcast %xor3A_906 : i32 to vector<16xi32>
      %xor3A_908 = arith.xori %iota3A, %xor3A_907 : vector<16xi32>
      %broadcast_in_dim3A_909 = vector.shape_cast %xor3A_908 : vector<16xi32> to vector<16x1xi32>
      %gather3A_910 = vector.shape_cast %broadcast_in_dim3A_909 : vector<16x1xi32> to vector<16xi32>
      %gather3A_911 = tpu.dynamic_gather %add3A_905[%gather3A_910] in [0] : vector<16xf32>, vector<16xi32> -> vector<16xf32>
      %add3A_912 = arith.addf %add3A_905, %gather3A_911 : vector<16xf32>
      %xor3A_913 = arith.constant 4 : i32
      %xor3A_914 = vector.broadcast %xor3A_913 : i32 to vector<16xi32>
      %xor3A_915 = arith.xori %iota3A, %xor3A_914 : vector<16xi32>
      %broadcast_in_dim3A_916 = vector.shape_cast %xor3A_915 : vector<16xi32> to vector<16x1xi32>
      %gather3A_917 = vector.shape_cast %broadcast_in_dim3A_916 : vector<16x1xi32> to vector<16xi32>
      %gather3A_918 = tpu.dynamic_gather %add3A_912[%gather3A_917] in [0] : vector<16xf32>, vector<16xi32> -> vector<16xf32>
      %add3A_919 = arith.addf %add3A_912, %gather3A_918 : vector<16xf32>
      %xor3A_920 = arith.constant 2 : i32
      %xor3A_921 = vector.broadcast %xor3A_920 : i32 to vector<16xi32>
      %xor3A_922 = arith.xori %iota3A, %xor3A_921 : vector<16xi32>
      %broadcast_in_dim3A_923 = vector.shape_cast %xor3A_922 : vector<16xi32> to vector<16x1xi32>
      %gather3A_924 = vector.shape_cast %broadcast_in_dim3A_923 : vector<16x1xi32> to vector<16xi32>
      %gather3A_925 = tpu.dynamic_gather %add3A_919[%gather3A_924] in [0] : vector<16xf32>, vector<16xi32> -> vector<16xf32>
      %add3A_926 = arith.addf %add3A_919, %gather3A_925 : vector<16xf32>
      %xor3A_927 = arith.constant 1 : i32
      %xor3A_928 = vector.broadcast %xor3A_927 : i32 to vector<16xi32>
      %xor3A_929 = arith.xori %iota3A, %xor3A_928 : vector<16xi32>
      %broadcast_in_dim3A_930 = vector.shape_cast %xor3A_929 : vector<16xi32> to vector<16x1xi32>
      %gather3A_931 = vector.shape_cast %broadcast_in_dim3A_930 : vector<16x1xi32> to vector<16xi32>
      %gather3A_932 = tpu.dynamic_gather %add3A_926[%gather3A_931] in [0] : vector<16xf32>, vector<16xi32> -> vector<16xf32>
      %add3A_933 = arith.addf %add3A_926, %gather3A_932 : vector<16xf32>
      %jit3A_934 = arith.constant 2 : i32
      %eq3A_935 = arith.constant 0 : i32
      %eq3A_936 = arith.cmpi eq, %jit3A_934, %eq3A_935 : i32
      %jit3A_937 = arith.constant 1 : i32
      %select_n3A_938 = arith.select %eq3A_936, %jit3A_937, %jit3A_934 : i32
      %rem3A_939 = arith.remsi %scan3A_375, %select_n3A_938 : i32
      %ne3A_940 = arith.constant 0 : i32
      %ne3A_941 = arith.cmpi ne, %rem3A_939, %ne3A_940 : i32
      %lt3A_942 = arith.constant 0 : i32
      %lt3A_943 = arith.cmpi slt, %rem3A_939, %lt3A_942 : i32
      %lt3A_944 = arith.constant 0 : i32
      %lt3A_945 = arith.cmpi slt, %select_n3A_938, %lt3A_944 : i32
      %ne3A_946 = arith.xori %lt3A_943, %lt3A_945 : i1
      %and3A_947 = arith.andi %ne3A_946, %ne3A_941 : i1
      %add3A_948 = arith.addi %rem3A_939, %select_n3A_938 : i32
      %select_n3A_949 = arith.select %and3A_947, %add3A_948, %rem3A_939 : i32
      %mul3A_950 = arith.constant 8 : i32
      %mul3A_951 = arith.muli %select_n3A_949, %mul3A_950 : i32
      %add3A_952 = arith.constant 4 : i32
      %add3A_953 = arith.addi %mul3A_951, %add3A_952 : i32
      %eq3A_954 = vector.broadcast %add3A_953 : i32 to vector<16xi32>
      %eq3A_955 = arith.cmpi eq, %iota3A, %eq3A_954 : vector<16xi32>
      %select_n3A_956 = arith.select %eq3A_955, %add3A_933, %select_n3A_839 : vector<16xi1>, vector<16xf32>
      %dma_wait3A_957 = arith.constant 5 : i32
      %dma_wait3A_958 = arith.constant 5 : i32
      %dma_wait3A_959 = arith.constant 0 : i32
      %dma_wait3A_960 = arith.constant 0 : i32
      %dma_wait3A_961 = tpu.memref_slice %arg9[%dma_wait3A_957, %dma_wait3A_959, %dma_wait3A_960] : memref<8x32x128xf32, #tpu.memory_space<vmem>> -> memref<1x32x128xf32, #tpu.memory_space<vmem>>
      %dma_wait3A_962 = tpu.memref_squeeze %dma_wait3A_961 : memref<1x32x128xf32, #tpu.memory_space<vmem>> -> memref<32x128xf32, #tpu.memory_space<vmem>>
      %dma_wait3A_963 = arith.constant 0 : i32
      %dma_wait3A_964 = arith.constant 0 : i32
      %dma_wait3A_965 = tpu.memref_slice %arg4[%dma_wait3A_963, %dma_wait3A_964] : memref<32x1000000xf32, #tpu.memory_space<hbm>> -> memref<32x128xf32, #tpu.memory_space<hbm>>
      %dma_wait3A_966 = tpu.memref_slice %arg12[%dma_wait3A_958] : memref<8x!tpu.dma_semaphore, #tpu.memory_space<semaphore_mem>> -> memref<1x!tpu.dma_semaphore, #tpu.memory_space<semaphore_mem>>
      %dma_wait3A_967 = tpu.memref_squeeze %dma_wait3A_966 : memref<1x!tpu.dma_semaphore, #tpu.memory_space<semaphore_mem>> -> memref<!tpu.dma_semaphore, #tpu.memory_space<semaphore_mem>>
      %dma_wait3A_968 = arith.constant 0 : i32
      %dma_wait3A_969 = arith.constant 0 : i32
      %dma_wait3A_970 = tpu.memref_slice %arg9[%dma_wait3A_957, %dma_wait3A_968, %dma_wait3A_969] : memref<8x32x128xf32, #tpu.memory_space<vmem>> -> memref<1x32x128xf32, #tpu.memory_space<vmem>>
      %dma_wait3A_971 = tpu.memref_squeeze %dma_wait3A_970 : memref<1x32x128xf32, #tpu.memory_space<vmem>> -> memref<32x128xf32, #tpu.memory_space<vmem>>
      %dma_wait3A_972 = arith.constant 0 : i32
      %dma_wait3A_973 = arith.constant 0 : i32
      %dma_wait3A_974 = tpu.memref_slice %arg4[%dma_wait3A_972, %dma_wait3A_973] : memref<32x1000000xf32, #tpu.memory_space<hbm>> -> memref<32x128xf32, #tpu.memory_space<hbm>>
      tpu.wait_dma2 semaphore(%dma_wait3A_967 : memref<!tpu.dma_semaphore, #tpu.memory_space<semaphore_mem>>) src(%dma_wait3A_974 : memref<32x128xf32, #tpu.memory_space<hbm>>) dst(%dma_wait3A_971 : memref<32x128xf32, #tpu.memory_space<vmem>>)
      %dma_wait3A_975 = arith.constant 5 : i32
      %dma_wait3A_976 = arith.constant 5 : i32
      %dma_wait3A_977 = arith.constant 0 : i32
      %dma_wait3A_978 = arith.constant 0 : i32
      %dma_wait3A_979 = tpu.memref_slice %arg10[%dma_wait3A_975, %dma_wait3A_977, %dma_wait3A_978] : memref<8x32x128xf32, #tpu.memory_space<vmem>> -> memref<1x32x128xf32, #tpu.memory_space<vmem>>
      %dma_wait3A_980 = tpu.memref_squeeze %dma_wait3A_979 : memref<1x32x128xf32, #tpu.memory_space<vmem>> -> memref<32x128xf32, #tpu.memory_space<vmem>>
      %dma_wait3A_981 = arith.constant 0 : i32
      %dma_wait3A_982 = arith.constant 0 : i32
      %dma_wait3A_983 = tpu.memref_slice %arg5[%dma_wait3A_981, %dma_wait3A_982] : memref<32x1000000xf32, #tpu.memory_space<hbm>> -> memref<32x128xf32, #tpu.memory_space<hbm>>
      %dma_wait3A_984 = tpu.memref_slice %arg12[%dma_wait3A_976] : memref<8x!tpu.dma_semaphore, #tpu.memory_space<semaphore_mem>> -> memref<1x!tpu.dma_semaphore, #tpu.memory_space<semaphore_mem>>
      %dma_wait3A_985 = tpu.memref_squeeze %dma_wait3A_984 : memref<1x!tpu.dma_semaphore, #tpu.memory_space<semaphore_mem>> -> memref<!tpu.dma_semaphore, #tpu.memory_space<semaphore_mem>>
      %dma_wait3A_986 = arith.constant 0 : i32
      %dma_wait3A_987 = arith.constant 0 : i32
      %dma_wait3A_988 = tpu.memref_slice %arg10[%dma_wait3A_975, %dma_wait3A_986, %dma_wait3A_987] : memref<8x32x128xf32, #tpu.memory_space<vmem>> -> memref<1x32x128xf32, #tpu.memory_space<vmem>>
      %dma_wait3A_989 = tpu.memref_squeeze %dma_wait3A_988 : memref<1x32x128xf32, #tpu.memory_space<vmem>> -> memref<32x128xf32, #tpu.memory_space<vmem>>
      %dma_wait3A_990 = arith.constant 0 : i32
      %dma_wait3A_991 = arith.constant 0 : i32
      %dma_wait3A_992 = tpu.memref_slice %arg5[%dma_wait3A_990, %dma_wait3A_991] : memref<32x1000000xf32, #tpu.memory_space<hbm>> -> memref<32x128xf32, #tpu.memory_space<hbm>>
      tpu.wait_dma2 semaphore(%dma_wait3A_985 : memref<!tpu.dma_semaphore, #tpu.memory_space<semaphore_mem>>) src(%dma_wait3A_992 : memref<32x128xf32, #tpu.memory_space<hbm>>) dst(%dma_wait3A_989 : memref<32x128xf32, #tpu.memory_space<vmem>>)
      %slice3A_993 = vector.extract_strided_slice %get3A_381 {offsets = [5], sizes = [1], strides = [1]} : vector<16xi32> to vector<1xi32>
      %squeeze3A_994 = vector.extract %slice3A_993[0] : i32 from vector<1xi32>
      %and3A_995 = arith.constant 127 : i32
      %and3A_996 = arith.andi %squeeze3A_994, %and3A_995 : i32
      %broadcast_in_dim3A_997 = vector.broadcast %and3A_996 : i32 to vector<16xi32>
      %slice3A_998 = vector.extract_strided_slice %get3A_383 {offsets = [5], sizes = [1], strides = [1]} : vector<16xi32> to vector<1xi32>
      %squeeze3A_999 = vector.extract %slice3A_998[0] : i32 from vector<1xi32>
      %and3A_1000 = arith.constant 127 : i32
      %and3A_1001 = arith.andi %squeeze3A_999, %and3A_1000 : i32
      %broadcast_in_dim3A_1002 = vector.broadcast %and3A_1001 : i32 to vector<16xi32>
      %broadcast_in_dim3A_1003 = arith.constant 5 : i32
      %broadcast_in_dim3A_1004 = vector.broadcast %broadcast_in_dim3A_1003 : i32 to vector<16xi32>
      %gather3A_1005 = tpu.vector_load_idx %arg9[%broadcast_in_dim3A_1004, %iota3A, %broadcast_in_dim3A_997] : memref<8x32x128xf32, #tpu.memory_space<vmem>>[vector<16xi32>, vector<16xi32>, vector<16xi32>], vector<16xf32>,
      %add3A_1006 = arith.constant 16 : i32
      %add3A_1007 = vector.broadcast %add3A_1006 : i32 to vector<16xi32>
      %add3A_1008 = arith.addi %iota3A, %add3A_1007 : vector<16xi32>
      %gather3A_1009 = tpu.vector_load_idx %arg9[%broadcast_in_dim3A_1004, %add3A_1008, %broadcast_in_dim3A_997] : memref<8x32x128xf32, #tpu.memory_space<vmem>>[vector<16xi32>, vector<16xi32>, vector<16xi32>], vector<16xf32>,
      %gather3A_1010 = tpu.vector_load_idx %arg10[%broadcast_in_dim3A_1004, %iota3A, %broadcast_in_dim3A_1002] : memref<8x32x128xf32, #tpu.memory_space<vmem>>[vector<16xi32>, vector<16xi32>, vector<16xi32>], vector<16xf32>,
      %add3A_1011 = arith.constant 16 : i32
      %add3A_1012 = vector.broadcast %add3A_1011 : i32 to vector<16xi32>
      %add3A_1013 = arith.addi %iota3A, %add3A_1012 : vector<16xi32>
      %gather3A_1014 = tpu.vector_load_idx %arg10[%broadcast_in_dim3A_1004, %add3A_1013, %broadcast_in_dim3A_1002] : memref<8x32x128xf32, #tpu.memory_space<vmem>>[vector<16xi32>, vector<16xi32>, vector<16xi32>], vector<16xf32>,
      %lt3A_1015 = arith.constant 63 : i32
      %lt3A_1016 = arith.cmpi slt, %scan3A_375, %lt3A_1015 : i32
      %convert_element_type3A_1017 = arith.extui %lt3A_1016 : i1 to i32
      %cond3A_1018 = arith.constant 0 : i32
      %cond3A_1019 = arith.cmpi ne, %convert_element_type3A_1017, %cond3A_1018 : i32
      scf.if %cond3A_1019 {
        %slice3A_1329 = vector.extract_strided_slice %get3A_381 {offsets = [13], sizes = [1], strides = [1]} : vector<16xi32> to vector<1xi32>
        %squeeze3A_1330 = vector.extract %slice3A_1329[0] : i32 from vector<1xi32>
        %slice3A_1331 = vector.extract_strided_slice %get3A_383 {offsets = [13], sizes = [1], strides = [1]} : vector<16xi32> to vector<1xi32>
        %squeeze3A_1332 = vector.extract %slice3A_1331[0] : i32 from vector<1xi32>
        %shift_right_arithmetic3A_1333 = arith.constant 7 : i32
        %shift_right_arithmetic3A_1334 = arith.shrsi %squeeze3A_1330, %shift_right_arithmetic3A_1333 : i32
        %mul3A_1335 = arith.constant 128 : i32
        %mul3A_1336 = arith.muli %shift_right_arithmetic3A_1334, %mul3A_1335 : i32
        %multiple_of3A_1337 = tpu.assume_multiple %mul3A_1336, 128 : i32
        %shift_right_arithmetic3A_1338 = arith.constant 7 : i32
        %shift_right_arithmetic3A_1339 = arith.shrsi %squeeze3A_1332, %shift_right_arithmetic3A_1338 : i32
        %mul3A_1340 = arith.constant 128 : i32
        %mul3A_1341 = arith.muli %shift_right_arithmetic3A_1339, %mul3A_1340 : i32
        %multiple_of3A_1342 = tpu.assume_multiple %mul3A_1341, 128 : i32
        %dma_start3A_1343 = arith.constant 5 : i32
        %dma_start3A_1344 = arith.constant 5 : i32
        %dma_start3A_1345 = arith.constant 0 : i32
        %dma_start3A_1346 = arith.constant 0 : i32
        %dma_start3A_1347 = tpu.memref_slice %arg9[%dma_start3A_1343, %dma_start3A_1345, %dma_start3A_1346] : memref<8x32x128xf32, #tpu.memory_space<vmem>> -> memref<1x32x128xf32, #tpu.memory_space<vmem>>
        %dma_start3A_1348 = tpu.memref_squeeze %dma_start3A_1347 : memref<1x32x128xf32, #tpu.memory_space<vmem>> -> memref<32x128xf32, #tpu.memory_space<vmem>>
        %dma_start3A_1349 = arith.constant 0 : i32
        %dma_start3A_1350 = tpu.memref_slice %arg4[%dma_start3A_1349, %multiple_of3A_1337] : memref<32x1000000xf32, #tpu.memory_space<hbm>> -> memref<32x128xf32, #tpu.memory_space<hbm>>
        %dma_start3A_1351 = tpu.memref_slice %arg12[%dma_start3A_1344] : memref<8x!tpu.dma_semaphore, #tpu.memory_space<semaphore_mem>> -> memref<1x!tpu.dma_semaphore, #tpu.memory_space<semaphore_mem>>
        %dma_start3A_1352 = tpu.memref_squeeze %dma_start3A_1351 : memref<1x!tpu.dma_semaphore, #tpu.memory_space<semaphore_mem>> -> memref<!tpu.dma_semaphore, #tpu.memory_space<semaphore_mem>>
        %dma_start3A_1353 = arith.constant 0 : i32
        %dma_start3A_1354 = arith.constant 0 : i32
        %dma_start3A_1355 = tpu.memref_slice %arg9[%dma_start3A_1343, %dma_start3A_1353, %dma_start3A_1354] : memref<8x32x128xf32, #tpu.memory_space<vmem>> -> memref<1x32x128xf32, #tpu.memory_space<vmem>>
        %dma_start3A_1356 = tpu.memref_squeeze %dma_start3A_1355 : memref<1x32x128xf32, #tpu.memory_space<vmem>> -> memref<32x128xf32, #tpu.memory_space<vmem>>
        %dma_start3A_1357 = arith.constant 0 : i32
        %dma_start3A_1358 = tpu.memref_slice %arg4[%dma_start3A_1357, %multiple_of3A_1337] : memref<32x1000000xf32, #tpu.memory_space<hbm>> -> memref<32x128xf32, #tpu.memory_space<hbm>>
        tpu.enqueue_dma source(%dma_start3A_1358 : memref<32x128xf32, #tpu.memory_space<hbm>>) target(%dma_start3A_1356 : memref<32x128xf32, #tpu.memory_space<vmem>>) target_semaphore(%dma_start3A_1352 : memref<!tpu.dma_semaphore, #tpu.memory_space<semaphore_mem>>)
        %dma_start3A_1359 = arith.constant 5 : i32
        %dma_start3A_1360 = arith.constant 5 : i32
        %dma_start3A_1361 = arith.constant 0 : i32
        %dma_start3A_1362 = arith.constant 0 : i32
        %dma_start3A_1363 = tpu.memref_slice %arg10[%dma_start3A_1359, %dma_start3A_1361, %dma_start3A_1362] : memref<8x32x128xf32, #tpu.memory_space<vmem>> -> memref<1x32x128xf32, #tpu.memory_space<vmem>>
        %dma_start3A_1364 = tpu.memref_squeeze %dma_start3A_1363 : memref<1x32x128xf32, #tpu.memory_space<vmem>> -> memref<32x128xf32, #tpu.memory_space<vmem>>
        %dma_start3A_1365 = arith.constant 0 : i32
        %dma_start3A_1366 = tpu.memref_slice %arg5[%dma_start3A_1365, %multiple_of3A_1342] : memref<32x1000000xf32, #tpu.memory_space<hbm>> -> memref<32x128xf32, #tpu.memory_space<hbm>>
        %dma_start3A_1367 = tpu.memref_slice %arg12[%dma_start3A_1360] : memref<8x!tpu.dma_semaphore, #tpu.memory_space<semaphore_mem>> -> memref<1x!tpu.dma_semaphore, #tpu.memory_space<semaphore_mem>>
        %dma_start3A_1368 = tpu.memref_squeeze %dma_start3A_1367 : memref<1x!tpu.dma_semaphore, #tpu.memory_space<semaphore_mem>> -> memref<!tpu.dma_semaphore, #tpu.memory_space<semaphore_mem>>
        %dma_start3A_1369 = arith.constant 0 : i32
        %dma_start3A_1370 = arith.constant 0 : i32
        %dma_start3A_1371 = tpu.memref_slice %arg10[%dma_start3A_1359, %dma_start3A_1369, %dma_start3A_1370] : memref<8x32x128xf32, #tpu.memory_space<vmem>> -> memref<1x32x128xf32, #tpu.memory_space<vmem>>
        %dma_start3A_1372 = tpu.memref_squeeze %dma_start3A_1371 : memref<1x32x128xf32, #tpu.memory_space<vmem>> -> memref<32x128xf32, #tpu.memory_space<vmem>>
        %dma_start3A_1373 = arith.constant 0 : i32
        %dma_start3A_1374 = tpu.memref_slice %arg5[%dma_start3A_1373, %multiple_of3A_1342] : memref<32x1000000xf32, #tpu.memory_space<hbm>> -> memref<32x128xf32, #tpu.memory_space<hbm>>
        tpu.enqueue_dma source(%dma_start3A_1374 : memref<32x128xf32, #tpu.memory_space<hbm>>) target(%dma_start3A_1372 : memref<32x128xf32, #tpu.memory_space<vmem>>) target_semaphore(%dma_start3A_1368 : memref<!tpu.dma_semaphore, #tpu.memory_space<semaphore_mem>>)
      } else {
      }
      %mul3A_1020 = arith.mulf %gather3A_1005, %gather3A_1010 : vector<16xf32>
      %mul3A_1021 = arith.mulf %gather3A_1009, %gather3A_1014 : vector<16xf32>
      %add3A_1022 = arith.addf %mul3A_1020, %mul3A_1021 : vector<16xf32>
      %xor3A_1023 = arith.constant 8 : i32
      %xor3A_1024 = vector.broadcast %xor3A_1023 : i32 to vector<16xi32>
      %xor3A_1025 = arith.xori %iota3A, %xor3A_1024 : vector<16xi32>
      %broadcast_in_dim3A_1026 = vector.shape_cast %xor3A_1025 : vector<16xi32> to vector<16x1xi32>
      %gather3A_1027 = vector.shape_cast %broadcast_in_dim3A_1026 : vector<16x1xi32> to vector<16xi32>
      %gather3A_1028 = tpu.dynamic_gather %add3A_1022[%gather3A_1027] in [0] : vector<16xf32>, vector<16xi32> -> vector<16xf32>
      %add3A_1029 = arith.addf %add3A_1022, %gather3A_1028 : vector<16xf32>
      %xor3A_1030 = arith.constant 4 : i32
      %xor3A_1031 = vector.broadcast %xor3A_1030 : i32 to vector<16xi32>
      %xor3A_1032 = arith.xori %iota3A, %xor3A_1031 : vector<16xi32>
      %broadcast_in_dim3A_1033 = vector.shape_cast %xor3A_1032 : vector<16xi32> to vector<16x1xi32>
      %gather3A_1034 = vector.shape_cast %broadcast_in_dim3A_1033 : vector<16x1xi32> to vector<16xi32>
      %gather3A_1035 = tpu.dynamic_gather %add3A_1029[%gather3A_1034] in [0] : vector<16xf32>, vector<16xi32> -> vector<16xf32>
      %add3A_1036 = arith.addf %add3A_1029, %gather3A_1035 : vector<16xf32>
      %xor3A_1037 = arith.constant 2 : i32
      %xor3A_1038 = vector.broadcast %xor3A_1037 : i32 to vector<16xi32>
      %xor3A_1039 = arith.xori %iota3A, %xor3A_1038 : vector<16xi32>
      %broadcast_in_dim3A_1040 = vector.shape_cast %xor3A_1039 : vector<16xi32> to vector<16x1xi32>
      %gather3A_1041 = vector.shape_cast %broadcast_in_dim3A_1040 : vector<16x1xi32> to vector<16xi32>
      %gather3A_1042 = tpu.dynamic_gather %add3A_1036[%gather3A_1041] in [0] : vector<16xf32>, vector<16xi32> -> vector<16xf32>
      %add3A_1043 = arith.addf %add3A_1036, %gather3A_1042 : vector<16xf32>
      %xor3A_1044 = arith.constant 1 : i32
      %xor3A_1045 = vector.broadcast %xor3A_1044 : i32 to vector<16xi32>
      %xor3A_1046 = arith.xori %iota3A, %xor3A_1045 : vector<16xi32>
      %broadcast_in_dim3A_1047 = vector.shape_cast %xor3A_1046 : vector<16xi32> to vector<16x1xi32>
      %gather3A_1048 = vector.shape_cast %broadcast_in_dim3A_1047 : vector<16x1xi32> to vector<16xi32>
      %gather3A_1049 = tpu.dynamic_gather %add3A_1043[%gather3A_1048] in [0] : vector<16xf32>, vector<16xi32> -> vector<16xf32>
      %add3A_1050 = arith.addf %add3A_1043, %gather3A_1049 : vector<16xf32>
      %jit3A_1051 = arith.constant 2 : i32
      %eq3A_1052 = arith.constant 0 : i32
      %eq3A_1053 = arith.cmpi eq, %jit3A_1051, %eq3A_1052 : i32
      %jit3A_1054 = arith.constant 1 : i32
      %select_n3A_1055 = arith.select %eq3A_1053, %jit3A_1054, %jit3A_1051 : i32
      %rem3A_1056 = arith.remsi %scan3A_375, %select_n3A_1055 : i32
      %ne3A_1057 = arith.constant 0 : i32
      %ne3A_1058 = arith.cmpi ne, %rem3A_1056, %ne3A_1057 : i32
      %lt3A_1059 = arith.constant 0 : i32
      %lt3A_1060 = arith.cmpi slt, %rem3A_1056, %lt3A_1059 : i32
      %lt3A_1061 = arith.constant 0 : i32
      %lt3A_1062 = arith.cmpi slt, %select_n3A_1055, %lt3A_1061 : i32
      %ne3A_1063 = arith.xori %lt3A_1060, %lt3A_1062 : i1
      %and3A_1064 = arith.andi %ne3A_1063, %ne3A_1058 : i1
      %add3A_1065 = arith.addi %rem3A_1056, %select_n3A_1055 : i32
      %select_n3A_1066 = arith.select %and3A_1064, %add3A_1065, %rem3A_1056 : i32
      %mul3A_1067 = arith.constant 8 : i32
      %mul3A_1068 = arith.muli %select_n3A_1066, %mul3A_1067 : i32
      %add3A_1069 = arith.constant 5 : i32
      %add3A_1070 = arith.addi %mul3A_1068, %add3A_1069 : i32
      %eq3A_1071 = vector.broadcast %add3A_1070 : i32 to vector<16xi32>
      %eq3A_1072 = arith.cmpi eq, %iota3A, %eq3A_1071 : vector<16xi32>
      %select_n3A_1073 = arith.select %eq3A_1072, %add3A_1050, %select_n3A_956 : vector<16xi1>, vector<16xf32>
      %dma_wait3A_1074 = arith.constant 6 : i32
      %dma_wait3A_1075 = arith.constant 6 : i32
      %dma_wait3A_1076 = arith.constant 0 : i32
      %dma_wait3A_1077 = arith.constant 0 : i32
      %dma_wait3A_1078 = tpu.memref_slice %arg9[%dma_wait3A_1074, %dma_wait3A_1076, %dma_wait3A_1077] : memref<8x32x128xf32, #tpu.memory_space<vmem>> -> memref<1x32x128xf32, #tpu.memory_space<vmem>>
      %dma_wait3A_1079 = tpu.memref_squeeze %dma_wait3A_1078 : memref<1x32x128xf32, #tpu.memory_space<vmem>> -> memref<32x128xf32, #tpu.memory_space<vmem>>
      %dma_wait3A_1080 = arith.constant 0 : i32
      %dma_wait3A_1081 = arith.constant 0 : i32
      %dma_wait3A_1082 = tpu.memref_slice %arg4[%dma_wait3A_1080, %dma_wait3A_1081] : memref<32x1000000xf32, #tpu.memory_space<hbm>> -> memref<32x128xf32, #tpu.memory_space<hbm>>
      %dma_wait3A_1083 = tpu.memref_slice %arg12[%dma_wait3A_1075] : memref<8x!tpu.dma_semaphore, #tpu.memory_space<semaphore_mem>> -> memref<1x!tpu.dma_semaphore, #tpu.memory_space<semaphore_mem>>
      %dma_wait3A_1084 = tpu.memref_squeeze %dma_wait3A_1083 : memref<1x!tpu.dma_semaphore, #tpu.memory_space<semaphore_mem>> -> memref<!tpu.dma_semaphore, #tpu.memory_space<semaphore_mem>>
      %dma_wait3A_1085 = arith.constant 0 : i32
      %dma_wait3A_1086 = arith.constant 0 : i32
      %dma_wait3A_1087 = tpu.memref_slice %arg9[%dma_wait3A_1074, %dma_wait3A_1085, %dma_wait3A_1086] : memref<8x32x128xf32, #tpu.memory_space<vmem>> -> memref<1x32x128xf32, #tpu.memory_space<vmem>>
      %dma_wait3A_1088 = tpu.memref_squeeze %dma_wait3A_1087 : memref<1x32x128xf32, #tpu.memory_space<vmem>> -> memref<32x128xf32, #tpu.memory_space<vmem>>
      %dma_wait3A_1089 = arith.constant 0 : i32
      %dma_wait3A_1090 = arith.constant 0 : i32
      %dma_wait3A_1091 = tpu.memref_slice %arg4[%dma_wait3A_1089, %dma_wait3A_1090] : memref<32x1000000xf32, #tpu.memory_space<hbm>> -> memref<32x128xf32, #tpu.memory_space<hbm>>
      tpu.wait_dma2 semaphore(%dma_wait3A_1084 : memref<!tpu.dma_semaphore, #tpu.memory_space<semaphore_mem>>) src(%dma_wait3A_1091 : memref<32x128xf32, #tpu.memory_space<hbm>>) dst(%dma_wait3A_1088 : memref<32x128xf32, #tpu.memory_space<vmem>>)
      %dma_wait3A_1092 = arith.constant 6 : i32
      %dma_wait3A_1093 = arith.constant 6 : i32
      %dma_wait3A_1094 = arith.constant 0 : i32
      %dma_wait3A_1095 = arith.constant 0 : i32
      %dma_wait3A_1096 = tpu.memref_slice %arg10[%dma_wait3A_1092, %dma_wait3A_1094, %dma_wait3A_1095] : memref<8x32x128xf32, #tpu.memory_space<vmem>> -> memref<1x32x128xf32, #tpu.memory_space<vmem>>
      %dma_wait3A_1097 = tpu.memref_squeeze %dma_wait3A_1096 : memref<1x32x128xf32, #tpu.memory_space<vmem>> -> memref<32x128xf32, #tpu.memory_space<vmem>>
      %dma_wait3A_1098 = arith.constant 0 : i32
      %dma_wait3A_1099 = arith.constant 0 : i32
      %dma_wait3A_1100 = tpu.memref_slice %arg5[%dma_wait3A_1098, %dma_wait3A_1099] : memref<32x1000000xf32, #tpu.memory_space<hbm>> -> memref<32x128xf32, #tpu.memory_space<hbm>>
      %dma_wait3A_1101 = tpu.memref_slice %arg12[%dma_wait3A_1093] : memref<8x!tpu.dma_semaphore, #tpu.memory_space<semaphore_mem>> -> memref<1x!tpu.dma_semaphore, #tpu.memory_space<semaphore_mem>>
      %dma_wait3A_1102 = tpu.memref_squeeze %dma_wait3A_1101 : memref<1x!tpu.dma_semaphore, #tpu.memory_space<semaphore_mem>> -> memref<!tpu.dma_semaphore, #tpu.memory_space<semaphore_mem>>
      %dma_wait3A_1103 = arith.constant 0 : i32
      %dma_wait3A_1104 = arith.constant 0 : i32
      %dma_wait3A_1105 = tpu.memref_slice %arg10[%dma_wait3A_1092, %dma_wait3A_1103, %dma_wait3A_1104] : memref<8x32x128xf32, #tpu.memory_space<vmem>> -> memref<1x32x128xf32, #tpu.memory_space<vmem>>
      %dma_wait3A_1106 = tpu.memref_squeeze %dma_wait3A_1105 : memref<1x32x128xf32, #tpu.memory_space<vmem>> -> memref<32x128xf32, #tpu.memory_space<vmem>>
      %dma_wait3A_1107 = arith.constant 0 : i32
      %dma_wait3A_1108 = arith.constant 0 : i32
      %dma_wait3A_1109 = tpu.memref_slice %arg5[%dma_wait3A_1107, %dma_wait3A_1108] : memref<32x1000000xf32, #tpu.memory_space<hbm>> -> memref<32x128xf32, #tpu.memory_space<hbm>>
      tpu.wait_dma2 semaphore(%dma_wait3A_1102 : memref<!tpu.dma_semaphore, #tpu.memory_space<semaphore_mem>>) src(%dma_wait3A_1109 : memref<32x128xf32, #tpu.memory_space<hbm>>) dst(%dma_wait3A_1106 : memref<32x128xf32, #tpu.memory_space<vmem>>)
      %slice3A_1110 = vector.extract_strided_slice %get3A_381 {offsets = [6], sizes = [1], strides = [1]} : vector<16xi32> to vector<1xi32>
      %squeeze3A_1111 = vector.extract %slice3A_1110[0] : i32 from vector<1xi32>
      %and3A_1112 = arith.constant 127 : i32
      %and3A_1113 = arith.andi %squeeze3A_1111, %and3A_1112 : i32
      %broadcast_in_dim3A_1114 = vector.broadcast %and3A_1113 : i32 to vector<16xi32>
      %slice3A_1115 = vector.extract_strided_slice %get3A_383 {offsets = [6], sizes = [1], strides = [1]} : vector<16xi32> to vector<1xi32>
      %squeeze3A_1116 = vector.extract %slice3A_1115[0] : i32 from vector<1xi32>
      %and3A_1117 = arith.constant 127 : i32
      %and3A_1118 = arith.andi %squeeze3A_1116, %and3A_1117 : i32
      %broadcast_in_dim3A_1119 = vector.broadcast %and3A_1118 : i32 to vector<16xi32>
      %broadcast_in_dim3A_1120 = arith.constant 6 : i32
      %broadcast_in_dim3A_1121 = vector.broadcast %broadcast_in_dim3A_1120 : i32 to vector<16xi32>
      %gather3A_1122 = tpu.vector_load_idx %arg9[%broadcast_in_dim3A_1121, %iota3A, %broadcast_in_dim3A_1114] : memref<8x32x128xf32, #tpu.memory_space<vmem>>[vector<16xi32>, vector<16xi32>, vector<16xi32>], vector<16xf32>,
      %add3A_1123 = arith.constant 16 : i32
      %add3A_1124 = vector.broadcast %add3A_1123 : i32 to vector<16xi32>
      %add3A_1125 = arith.addi %iota3A, %add3A_1124 : vector<16xi32>
      %gather3A_1126 = tpu.vector_load_idx %arg9[%broadcast_in_dim3A_1121, %add3A_1125, %broadcast_in_dim3A_1114] : memref<8x32x128xf32, #tpu.memory_space<vmem>>[vector<16xi32>, vector<16xi32>, vector<16xi32>], vector<16xf32>,
      %gather3A_1127 = tpu.vector_load_idx %arg10[%broadcast_in_dim3A_1121, %iota3A, %broadcast_in_dim3A_1119] : memref<8x32x128xf32, #tpu.memory_space<vmem>>[vector<16xi32>, vector<16xi32>, vector<16xi32>], vector<16xf32>,
      %add3A_1128 = arith.constant 16 : i32
      %add3A_1129 = vector.broadcast %add3A_1128 : i32 to vector<16xi32>
      %add3A_1130 = arith.addi %iota3A, %add3A_1129 : vector<16xi32>
      %gather3A_1131 = tpu.vector_load_idx %arg10[%broadcast_in_dim3A_1121, %add3A_1130, %broadcast_in_dim3A_1119] : memref<8x32x128xf32, #tpu.memory_space<vmem>>[vector<16xi32>, vector<16xi32>, vector<16xi32>], vector<16xf32>,
      %lt3A_1132 = arith.constant 63 : i32
      %lt3A_1133 = arith.cmpi slt, %scan3A_375, %lt3A_1132 : i32
      %convert_element_type3A_1134 = arith.extui %lt3A_1133 : i1 to i32
      %cond3A_1135 = arith.constant 0 : i32
      %cond3A_1136 = arith.cmpi ne, %convert_element_type3A_1134, %cond3A_1135 : i32
      scf.if %cond3A_1136 {
        %slice3A_1329 = vector.extract_strided_slice %get3A_381 {offsets = [14], sizes = [1], strides = [1]} : vector<16xi32> to vector<1xi32>
        %squeeze3A_1330 = vector.extract %slice3A_1329[0] : i32 from vector<1xi32>
        %slice3A_1331 = vector.extract_strided_slice %get3A_383 {offsets = [14], sizes = [1], strides = [1]} : vector<16xi32> to vector<1xi32>
        %squeeze3A_1332 = vector.extract %slice3A_1331[0] : i32 from vector<1xi32>
        %shift_right_arithmetic3A_1333 = arith.constant 7 : i32
        %shift_right_arithmetic3A_1334 = arith.shrsi %squeeze3A_1330, %shift_right_arithmetic3A_1333 : i32
        %mul3A_1335 = arith.constant 128 : i32
        %mul3A_1336 = arith.muli %shift_right_arithmetic3A_1334, %mul3A_1335 : i32
        %multiple_of3A_1337 = tpu.assume_multiple %mul3A_1336, 128 : i32
        %shift_right_arithmetic3A_1338 = arith.constant 7 : i32
        %shift_right_arithmetic3A_1339 = arith.shrsi %squeeze3A_1332, %shift_right_arithmetic3A_1338 : i32
        %mul3A_1340 = arith.constant 128 : i32
        %mul3A_1341 = arith.muli %shift_right_arithmetic3A_1339, %mul3A_1340 : i32
        %multiple_of3A_1342 = tpu.assume_multiple %mul3A_1341, 128 : i32
        %dma_start3A_1343 = arith.constant 6 : i32
        %dma_start3A_1344 = arith.constant 6 : i32
        %dma_start3A_1345 = arith.constant 0 : i32
        %dma_start3A_1346 = arith.constant 0 : i32
        %dma_start3A_1347 = tpu.memref_slice %arg9[%dma_start3A_1343, %dma_start3A_1345, %dma_start3A_1346] : memref<8x32x128xf32, #tpu.memory_space<vmem>> -> memref<1x32x128xf32, #tpu.memory_space<vmem>>
        %dma_start3A_1348 = tpu.memref_squeeze %dma_start3A_1347 : memref<1x32x128xf32, #tpu.memory_space<vmem>> -> memref<32x128xf32, #tpu.memory_space<vmem>>
        %dma_start3A_1349 = arith.constant 0 : i32
        %dma_start3A_1350 = tpu.memref_slice %arg4[%dma_start3A_1349, %multiple_of3A_1337] : memref<32x1000000xf32, #tpu.memory_space<hbm>> -> memref<32x128xf32, #tpu.memory_space<hbm>>
        %dma_start3A_1351 = tpu.memref_slice %arg12[%dma_start3A_1344] : memref<8x!tpu.dma_semaphore, #tpu.memory_space<semaphore_mem>> -> memref<1x!tpu.dma_semaphore, #tpu.memory_space<semaphore_mem>>
        %dma_start3A_1352 = tpu.memref_squeeze %dma_start3A_1351 : memref<1x!tpu.dma_semaphore, #tpu.memory_space<semaphore_mem>> -> memref<!tpu.dma_semaphore, #tpu.memory_space<semaphore_mem>>
        %dma_start3A_1353 = arith.constant 0 : i32
        %dma_start3A_1354 = arith.constant 0 : i32
        %dma_start3A_1355 = tpu.memref_slice %arg9[%dma_start3A_1343, %dma_start3A_1353, %dma_start3A_1354] : memref<8x32x128xf32, #tpu.memory_space<vmem>> -> memref<1x32x128xf32, #tpu.memory_space<vmem>>
        %dma_start3A_1356 = tpu.memref_squeeze %dma_start3A_1355 : memref<1x32x128xf32, #tpu.memory_space<vmem>> -> memref<32x128xf32, #tpu.memory_space<vmem>>
        %dma_start3A_1357 = arith.constant 0 : i32
        %dma_start3A_1358 = tpu.memref_slice %arg4[%dma_start3A_1357, %multiple_of3A_1337] : memref<32x1000000xf32, #tpu.memory_space<hbm>> -> memref<32x128xf32, #tpu.memory_space<hbm>>
        tpu.enqueue_dma source(%dma_start3A_1358 : memref<32x128xf32, #tpu.memory_space<hbm>>) target(%dma_start3A_1356 : memref<32x128xf32, #tpu.memory_space<vmem>>) target_semaphore(%dma_start3A_1352 : memref<!tpu.dma_semaphore, #tpu.memory_space<semaphore_mem>>)
        %dma_start3A_1359 = arith.constant 6 : i32
        %dma_start3A_1360 = arith.constant 6 : i32
        %dma_start3A_1361 = arith.constant 0 : i32
        %dma_start3A_1362 = arith.constant 0 : i32
        %dma_start3A_1363 = tpu.memref_slice %arg10[%dma_start3A_1359, %dma_start3A_1361, %dma_start3A_1362] : memref<8x32x128xf32, #tpu.memory_space<vmem>> -> memref<1x32x128xf32, #tpu.memory_space<vmem>>
        %dma_start3A_1364 = tpu.memref_squeeze %dma_start3A_1363 : memref<1x32x128xf32, #tpu.memory_space<vmem>> -> memref<32x128xf32, #tpu.memory_space<vmem>>
        %dma_start3A_1365 = arith.constant 0 : i32
        %dma_start3A_1366 = tpu.memref_slice %arg5[%dma_start3A_1365, %multiple_of3A_1342] : memref<32x1000000xf32, #tpu.memory_space<hbm>> -> memref<32x128xf32, #tpu.memory_space<hbm>>
        %dma_start3A_1367 = tpu.memref_slice %arg12[%dma_start3A_1360] : memref<8x!tpu.dma_semaphore, #tpu.memory_space<semaphore_mem>> -> memref<1x!tpu.dma_semaphore, #tpu.memory_space<semaphore_mem>>
        %dma_start3A_1368 = tpu.memref_squeeze %dma_start3A_1367 : memref<1x!tpu.dma_semaphore, #tpu.memory_space<semaphore_mem>> -> memref<!tpu.dma_semaphore, #tpu.memory_space<semaphore_mem>>
        %dma_start3A_1369 = arith.constant 0 : i32
        %dma_start3A_1370 = arith.constant 0 : i32
        %dma_start3A_1371 = tpu.memref_slice %arg10[%dma_start3A_1359, %dma_start3A_1369, %dma_start3A_1370] : memref<8x32x128xf32, #tpu.memory_space<vmem>> -> memref<1x32x128xf32, #tpu.memory_space<vmem>>
        %dma_start3A_1372 = tpu.memref_squeeze %dma_start3A_1371 : memref<1x32x128xf32, #tpu.memory_space<vmem>> -> memref<32x128xf32, #tpu.memory_space<vmem>>
        %dma_start3A_1373 = arith.constant 0 : i32
        %dma_start3A_1374 = tpu.memref_slice %arg5[%dma_start3A_1373, %multiple_of3A_1342] : memref<32x1000000xf32, #tpu.memory_space<hbm>> -> memref<32x128xf32, #tpu.memory_space<hbm>>
        tpu.enqueue_dma source(%dma_start3A_1374 : memref<32x128xf32, #tpu.memory_space<hbm>>) target(%dma_start3A_1372 : memref<32x128xf32, #tpu.memory_space<vmem>>) target_semaphore(%dma_start3A_1368 : memref<!tpu.dma_semaphore, #tpu.memory_space<semaphore_mem>>)
      } else {
      }
      %mul3A_1137 = arith.mulf %gather3A_1122, %gather3A_1127 : vector<16xf32>
      %mul3A_1138 = arith.mulf %gather3A_1126, %gather3A_1131 : vector<16xf32>
      %add3A_1139 = arith.addf %mul3A_1137, %mul3A_1138 : vector<16xf32>
      %xor3A_1140 = arith.constant 8 : i32
      %xor3A_1141 = vector.broadcast %xor3A_1140 : i32 to vector<16xi32>
      %xor3A_1142 = arith.xori %iota3A, %xor3A_1141 : vector<16xi32>
      %broadcast_in_dim3A_1143 = vector.shape_cast %xor3A_1142 : vector<16xi32> to vector<16x1xi32>
      %gather3A_1144 = vector.shape_cast %broadcast_in_dim3A_1143 : vector<16x1xi32> to vector<16xi32>
      %gather3A_1145 = tpu.dynamic_gather %add3A_1139[%gather3A_1144] in [0] : vector<16xf32>, vector<16xi32> -> vector<16xf32>
      %add3A_1146 = arith.addf %add3A_1139, %gather3A_1145 : vector<16xf32>
      %xor3A_1147 = arith.constant 4 : i32
      %xor3A_1148 = vector.broadcast %xor3A_1147 : i32 to vector<16xi32>
      %xor3A_1149 = arith.xori %iota3A, %xor3A_1148 : vector<16xi32>
      %broadcast_in_dim3A_1150 = vector.shape_cast %xor3A_1149 : vector<16xi32> to vector<16x1xi32>
      %gather3A_1151 = vector.shape_cast %broadcast_in_dim3A_1150 : vector<16x1xi32> to vector<16xi32>
      %gather3A_1152 = tpu.dynamic_gather %add3A_1146[%gather3A_1151] in [0] : vector<16xf32>, vector<16xi32> -> vector<16xf32>
      %add3A_1153 = arith.addf %add3A_1146, %gather3A_1152 : vector<16xf32>
      %xor3A_1154 = arith.constant 2 : i32
      %xor3A_1155 = vector.broadcast %xor3A_1154 : i32 to vector<16xi32>
      %xor3A_1156 = arith.xori %iota3A, %xor3A_1155 : vector<16xi32>
      %broadcast_in_dim3A_1157 = vector.shape_cast %xor3A_1156 : vector<16xi32> to vector<16x1xi32>
      %gather3A_1158 = vector.shape_cast %broadcast_in_dim3A_1157 : vector<16x1xi32> to vector<16xi32>
      %gather3A_1159 = tpu.dynamic_gather %add3A_1153[%gather3A_1158] in [0] : vector<16xf32>, vector<16xi32> -> vector<16xf32>
      %add3A_1160 = arith.addf %add3A_1153, %gather3A_1159 : vector<16xf32>
      %xor3A_1161 = arith.constant 1 : i32
      %xor3A_1162 = vector.broadcast %xor3A_1161 : i32 to vector<16xi32>
      %xor3A_1163 = arith.xori %iota3A, %xor3A_1162 : vector<16xi32>
      %broadcast_in_dim3A_1164 = vector.shape_cast %xor3A_1163 : vector<16xi32> to vector<16x1xi32>
      %gather3A_1165 = vector.shape_cast %broadcast_in_dim3A_1164 : vector<16x1xi32> to vector<16xi32>
      %gather3A_1166 = tpu.dynamic_gather %add3A_1160[%gather3A_1165] in [0] : vector<16xf32>, vector<16xi32> -> vector<16xf32>
      %add3A_1167 = arith.addf %add3A_1160, %gather3A_1166 : vector<16xf32>
      %jit3A_1168 = arith.constant 2 : i32
      %eq3A_1169 = arith.constant 0 : i32
      %eq3A_1170 = arith.cmpi eq, %jit3A_1168, %eq3A_1169 : i32
      %jit3A_1171 = arith.constant 1 : i32
      %select_n3A_1172 = arith.select %eq3A_1170, %jit3A_1171, %jit3A_1168 : i32
      %rem3A_1173 = arith.remsi %scan3A_375, %select_n3A_1172 : i32
      %ne3A_1174 = arith.constant 0 : i32
      %ne3A_1175 = arith.cmpi ne, %rem3A_1173, %ne3A_1174 : i32
      %lt3A_1176 = arith.constant 0 : i32
      %lt3A_1177 = arith.cmpi slt, %rem3A_1173, %lt3A_1176 : i32
      %lt3A_1178 = arith.constant 0 : i32
      %lt3A_1179 = arith.cmpi slt, %select_n3A_1172, %lt3A_1178 : i32
      %ne3A_1180 = arith.xori %lt3A_1177, %lt3A_1179 : i1
      %and3A_1181 = arith.andi %ne3A_1180, %ne3A_1175 : i1
      %add3A_1182 = arith.addi %rem3A_1173, %select_n3A_1172 : i32
      %select_n3A_1183 = arith.select %and3A_1181, %add3A_1182, %rem3A_1173 : i32
      %mul3A_1184 = arith.constant 8 : i32
      %mul3A_1185 = arith.muli %select_n3A_1183, %mul3A_1184 : i32
      %add3A_1186 = arith.constant 6 : i32
      %add3A_1187 = arith.addi %mul3A_1185, %add3A_1186 : i32
      %eq3A_1188 = vector.broadcast %add3A_1187 : i32 to vector<16xi32>
      %eq3A_1189 = arith.cmpi eq, %iota3A, %eq3A_1188 : vector<16xi32>
      %select_n3A_1190 = arith.select %eq3A_1189, %add3A_1167, %select_n3A_1073 : vector<16xi1>, vector<16xf32>
      %dma_wait3A_1191 = arith.constant 7 : i32
      %dma_wait3A_1192 = arith.constant 7 : i32
      %dma_wait3A_1193 = arith.constant 0 : i32
      %dma_wait3A_1194 = arith.constant 0 : i32
      %dma_wait3A_1195 = tpu.memref_slice %arg9[%dma_wait3A_1191, %dma_wait3A_1193, %dma_wait3A_1194] : memref<8x32x128xf32, #tpu.memory_space<vmem>> -> memref<1x32x128xf32, #tpu.memory_space<vmem>>
      %dma_wait3A_1196 = tpu.memref_squeeze %dma_wait3A_1195 : memref<1x32x128xf32, #tpu.memory_space<vmem>> -> memref<32x128xf32, #tpu.memory_space<vmem>>
      %dma_wait3A_1197 = arith.constant 0 : i32
      %dma_wait3A_1198 = arith.constant 0 : i32
      %dma_wait3A_1199 = tpu.memref_slice %arg4[%dma_wait3A_1197, %dma_wait3A_1198] : memref<32x1000000xf32, #tpu.memory_space<hbm>> -> memref<32x128xf32, #tpu.memory_space<hbm>>
      %dma_wait3A_1200 = tpu.memref_slice %arg12[%dma_wait3A_1192] : memref<8x!tpu.dma_semaphore, #tpu.memory_space<semaphore_mem>> -> memref<1x!tpu.dma_semaphore, #tpu.memory_space<semaphore_mem>>
      %dma_wait3A_1201 = tpu.memref_squeeze %dma_wait3A_1200 : memref<1x!tpu.dma_semaphore, #tpu.memory_space<semaphore_mem>> -> memref<!tpu.dma_semaphore, #tpu.memory_space<semaphore_mem>>
      %dma_wait3A_1202 = arith.constant 0 : i32
      %dma_wait3A_1203 = arith.constant 0 : i32
      %dma_wait3A_1204 = tpu.memref_slice %arg9[%dma_wait3A_1191, %dma_wait3A_1202, %dma_wait3A_1203] : memref<8x32x128xf32, #tpu.memory_space<vmem>> -> memref<1x32x128xf32, #tpu.memory_space<vmem>>
      %dma_wait3A_1205 = tpu.memref_squeeze %dma_wait3A_1204 : memref<1x32x128xf32, #tpu.memory_space<vmem>> -> memref<32x128xf32, #tpu.memory_space<vmem>>
      %dma_wait3A_1206 = arith.constant 0 : i32
      %dma_wait3A_1207 = arith.constant 0 : i32
      %dma_wait3A_1208 = tpu.memref_slice %arg4[%dma_wait3A_1206, %dma_wait3A_1207] : memref<32x1000000xf32, #tpu.memory_space<hbm>> -> memref<32x128xf32, #tpu.memory_space<hbm>>
      tpu.wait_dma2 semaphore(%dma_wait3A_1201 : memref<!tpu.dma_semaphore, #tpu.memory_space<semaphore_mem>>) src(%dma_wait3A_1208 : memref<32x128xf32, #tpu.memory_space<hbm>>) dst(%dma_wait3A_1205 : memref<32x128xf32, #tpu.memory_space<vmem>>)
      %dma_wait3A_1209 = arith.constant 7 : i32
      %dma_wait3A_1210 = arith.constant 7 : i32
      %dma_wait3A_1211 = arith.constant 0 : i32
      %dma_wait3A_1212 = arith.constant 0 : i32
      %dma_wait3A_1213 = tpu.memref_slice %arg10[%dma_wait3A_1209, %dma_wait3A_1211, %dma_wait3A_1212] : memref<8x32x128xf32, #tpu.memory_space<vmem>> -> memref<1x32x128xf32, #tpu.memory_space<vmem>>
      %dma_wait3A_1214 = tpu.memref_squeeze %dma_wait3A_1213 : memref<1x32x128xf32, #tpu.memory_space<vmem>> -> memref<32x128xf32, #tpu.memory_space<vmem>>
      %dma_wait3A_1215 = arith.constant 0 : i32
      %dma_wait3A_1216 = arith.constant 0 : i32
      %dma_wait3A_1217 = tpu.memref_slice %arg5[%dma_wait3A_1215, %dma_wait3A_1216] : memref<32x1000000xf32, #tpu.memory_space<hbm>> -> memref<32x128xf32, #tpu.memory_space<hbm>>
      %dma_wait3A_1218 = tpu.memref_slice %arg12[%dma_wait3A_1210] : memref<8x!tpu.dma_semaphore, #tpu.memory_space<semaphore_mem>> -> memref<1x!tpu.dma_semaphore, #tpu.memory_space<semaphore_mem>>
      %dma_wait3A_1219 = tpu.memref_squeeze %dma_wait3A_1218 : memref<1x!tpu.dma_semaphore, #tpu.memory_space<semaphore_mem>> -> memref<!tpu.dma_semaphore, #tpu.memory_space<semaphore_mem>>
      %dma_wait3A_1220 = arith.constant 0 : i32
      %dma_wait3A_1221 = arith.constant 0 : i32
      %dma_wait3A_1222 = tpu.memref_slice %arg10[%dma_wait3A_1209, %dma_wait3A_1220, %dma_wait3A_1221] : memref<8x32x128xf32, #tpu.memory_space<vmem>> -> memref<1x32x128xf32, #tpu.memory_space<vmem>>
      %dma_wait3A_1223 = tpu.memref_squeeze %dma_wait3A_1222 : memref<1x32x128xf32, #tpu.memory_space<vmem>> -> memref<32x128xf32, #tpu.memory_space<vmem>>
      %dma_wait3A_1224 = arith.constant 0 : i32
      %dma_wait3A_1225 = arith.constant 0 : i32
      %dma_wait3A_1226 = tpu.memref_slice %arg5[%dma_wait3A_1224, %dma_wait3A_1225] : memref<32x1000000xf32, #tpu.memory_space<hbm>> -> memref<32x128xf32, #tpu.memory_space<hbm>>
      tpu.wait_dma2 semaphore(%dma_wait3A_1219 : memref<!tpu.dma_semaphore, #tpu.memory_space<semaphore_mem>>) src(%dma_wait3A_1226 : memref<32x128xf32, #tpu.memory_space<hbm>>) dst(%dma_wait3A_1223 : memref<32x128xf32, #tpu.memory_space<vmem>>)
      %slice3A_1227 = vector.extract_strided_slice %get3A_381 {offsets = [7], sizes = [1], strides = [1]} : vector<16xi32> to vector<1xi32>
      %squeeze3A_1228 = vector.extract %slice3A_1227[0] : i32 from vector<1xi32>
      %and3A_1229 = arith.constant 127 : i32
      %and3A_1230 = arith.andi %squeeze3A_1228, %and3A_1229 : i32
      %broadcast_in_dim3A_1231 = vector.broadcast %and3A_1230 : i32 to vector<16xi32>
      %slice3A_1232 = vector.extract_strided_slice %get3A_383 {offsets = [7], sizes = [1], strides = [1]} : vector<16xi32> to vector<1xi32>
      %squeeze3A_1233 = vector.extract %slice3A_1232[0] : i32 from vector<1xi32>
      %and3A_1234 = arith.constant 127 : i32
      %and3A_1235 = arith.andi %squeeze3A_1233, %and3A_1234 : i32
      %broadcast_in_dim3A_1236 = vector.broadcast %and3A_1235 : i32 to vector<16xi32>
      %broadcast_in_dim3A_1237 = arith.constant 7 : i32
      %broadcast_in_dim3A_1238 = vector.broadcast %broadcast_in_dim3A_1237 : i32 to vector<16xi32>
      %gather3A_1239 = tpu.vector_load_idx %arg9[%broadcast_in_dim3A_1238, %iota3A, %broadcast_in_dim3A_1231] : memref<8x32x128xf32, #tpu.memory_space<vmem>>[vector<16xi32>, vector<16xi32>, vector<16xi32>], vector<16xf32>,
      %add3A_1240 = arith.constant 16 : i32
      %add3A_1241 = vector.broadcast %add3A_1240 : i32 to vector<16xi32>
      %add3A_1242 = arith.addi %iota3A, %add3A_1241 : vector<16xi32>
      %gather3A_1243 = tpu.vector_load_idx %arg9[%broadcast_in_dim3A_1238, %add3A_1242, %broadcast_in_dim3A_1231] : memref<8x32x128xf32, #tpu.memory_space<vmem>>[vector<16xi32>, vector<16xi32>, vector<16xi32>], vector<16xf32>,
      %gather3A_1244 = tpu.vector_load_idx %arg10[%broadcast_in_dim3A_1238, %iota3A, %broadcast_in_dim3A_1236] : memref<8x32x128xf32, #tpu.memory_space<vmem>>[vector<16xi32>, vector<16xi32>, vector<16xi32>], vector<16xf32>,
      %add3A_1245 = arith.constant 16 : i32
      %add3A_1246 = vector.broadcast %add3A_1245 : i32 to vector<16xi32>
      %add3A_1247 = arith.addi %iota3A, %add3A_1246 : vector<16xi32>
      %gather3A_1248 = tpu.vector_load_idx %arg10[%broadcast_in_dim3A_1238, %add3A_1247, %broadcast_in_dim3A_1236] : memref<8x32x128xf32, #tpu.memory_space<vmem>>[vector<16xi32>, vector<16xi32>, vector<16xi32>], vector<16xf32>,
      %lt3A_1249 = arith.constant 63 : i32
      %lt3A_1250 = arith.cmpi slt, %scan3A_375, %lt3A_1249 : i32
      %convert_element_type3A_1251 = arith.extui %lt3A_1250 : i1 to i32
      %cond3A_1252 = arith.constant 0 : i32
      %cond3A_1253 = arith.cmpi ne, %convert_element_type3A_1251, %cond3A_1252 : i32
      scf.if %cond3A_1253 {
        %slice3A_1329 = vector.extract_strided_slice %get3A_381 {offsets = [15], sizes = [1], strides = [1]} : vector<16xi32> to vector<1xi32>
        %squeeze3A_1330 = vector.extract %slice3A_1329[0] : i32 from vector<1xi32>
        %slice3A_1331 = vector.extract_strided_slice %get3A_383 {offsets = [15], sizes = [1], strides = [1]} : vector<16xi32> to vector<1xi32>
        %squeeze3A_1332 = vector.extract %slice3A_1331[0] : i32 from vector<1xi32>
        %shift_right_arithmetic3A_1333 = arith.constant 7 : i32
        %shift_right_arithmetic3A_1334 = arith.shrsi %squeeze3A_1330, %shift_right_arithmetic3A_1333 : i32
        %mul3A_1335 = arith.constant 128 : i32
        %mul3A_1336 = arith.muli %shift_right_arithmetic3A_1334, %mul3A_1335 : i32
        %multiple_of3A_1337 = tpu.assume_multiple %mul3A_1336, 128 : i32
        %shift_right_arithmetic3A_1338 = arith.constant 7 : i32
        %shift_right_arithmetic3A_1339 = arith.shrsi %squeeze3A_1332, %shift_right_arithmetic3A_1338 : i32
        %mul3A_1340 = arith.constant 128 : i32
        %mul3A_1341 = arith.muli %shift_right_arithmetic3A_1339, %mul3A_1340 : i32
        %multiple_of3A_1342 = tpu.assume_multiple %mul3A_1341, 128 : i32
        %dma_start3A_1343 = arith.constant 7 : i32
        %dma_start3A_1344 = arith.constant 7 : i32
        %dma_start3A_1345 = arith.constant 0 : i32
        %dma_start3A_1346 = arith.constant 0 : i32
        %dma_start3A_1347 = tpu.memref_slice %arg9[%dma_start3A_1343, %dma_start3A_1345, %dma_start3A_1346] : memref<8x32x128xf32, #tpu.memory_space<vmem>> -> memref<1x32x128xf32, #tpu.memory_space<vmem>>
        %dma_start3A_1348 = tpu.memref_squeeze %dma_start3A_1347 : memref<1x32x128xf32, #tpu.memory_space<vmem>> -> memref<32x128xf32, #tpu.memory_space<vmem>>
        %dma_start3A_1349 = arith.constant 0 : i32
        %dma_start3A_1350 = tpu.memref_slice %arg4[%dma_start3A_1349, %multiple_of3A_1337] : memref<32x1000000xf32, #tpu.memory_space<hbm>> -> memref<32x128xf32, #tpu.memory_space<hbm>>
        %dma_start3A_1351 = tpu.memref_slice %arg12[%dma_start3A_1344] : memref<8x!tpu.dma_semaphore, #tpu.memory_space<semaphore_mem>> -> memref<1x!tpu.dma_semaphore, #tpu.memory_space<semaphore_mem>>
        %dma_start3A_1352 = tpu.memref_squeeze %dma_start3A_1351 : memref<1x!tpu.dma_semaphore, #tpu.memory_space<semaphore_mem>> -> memref<!tpu.dma_semaphore, #tpu.memory_space<semaphore_mem>>
        %dma_start3A_1353 = arith.constant 0 : i32
        %dma_start3A_1354 = arith.constant 0 : i32
        %dma_start3A_1355 = tpu.memref_slice %arg9[%dma_start3A_1343, %dma_start3A_1353, %dma_start3A_1354] : memref<8x32x128xf32, #tpu.memory_space<vmem>> -> memref<1x32x128xf32, #tpu.memory_space<vmem>>
        %dma_start3A_1356 = tpu.memref_squeeze %dma_start3A_1355 : memref<1x32x128xf32, #tpu.memory_space<vmem>> -> memref<32x128xf32, #tpu.memory_space<vmem>>
        %dma_start3A_1357 = arith.constant 0 : i32
        %dma_start3A_1358 = tpu.memref_slice %arg4[%dma_start3A_1357, %multiple_of3A_1337] : memref<32x1000000xf32, #tpu.memory_space<hbm>> -> memref<32x128xf32, #tpu.memory_space<hbm>>
        tpu.enqueue_dma source(%dma_start3A_1358 : memref<32x128xf32, #tpu.memory_space<hbm>>) target(%dma_start3A_1356 : memref<32x128xf32, #tpu.memory_space<vmem>>) target_semaphore(%dma_start3A_1352 : memref<!tpu.dma_semaphore, #tpu.memory_space<semaphore_mem>>)
        %dma_start3A_1359 = arith.constant 7 : i32
        %dma_start3A_1360 = arith.constant 7 : i32
        %dma_start3A_1361 = arith.constant 0 : i32
        %dma_start3A_1362 = arith.constant 0 : i32
        %dma_start3A_1363 = tpu.memref_slice %arg10[%dma_start3A_1359, %dma_start3A_1361, %dma_start3A_1362] : memref<8x32x128xf32, #tpu.memory_space<vmem>> -> memref<1x32x128xf32, #tpu.memory_space<vmem>>
        %dma_start3A_1364 = tpu.memref_squeeze %dma_start3A_1363 : memref<1x32x128xf32, #tpu.memory_space<vmem>> -> memref<32x128xf32, #tpu.memory_space<vmem>>
        %dma_start3A_1365 = arith.constant 0 : i32
        %dma_start3A_1366 = tpu.memref_slice %arg5[%dma_start3A_1365, %multiple_of3A_1342] : memref<32x1000000xf32, #tpu.memory_space<hbm>> -> memref<32x128xf32, #tpu.memory_space<hbm>>
        %dma_start3A_1367 = tpu.memref_slice %arg12[%dma_start3A_1360] : memref<8x!tpu.dma_semaphore, #tpu.memory_space<semaphore_mem>> -> memref<1x!tpu.dma_semaphore, #tpu.memory_space<semaphore_mem>>
        %dma_start3A_1368 = tpu.memref_squeeze %dma_start3A_1367 : memref<1x!tpu.dma_semaphore, #tpu.memory_space<semaphore_mem>> -> memref<!tpu.dma_semaphore, #tpu.memory_space<semaphore_mem>>
        %dma_start3A_1369 = arith.constant 0 : i32
        %dma_start3A_1370 = arith.constant 0 : i32
        %dma_start3A_1371 = tpu.memref_slice %arg10[%dma_start3A_1359, %dma_start3A_1369, %dma_start3A_1370] : memref<8x32x128xf32, #tpu.memory_space<vmem>> -> memref<1x32x128xf32, #tpu.memory_space<vmem>>
        %dma_start3A_1372 = tpu.memref_squeeze %dma_start3A_1371 : memref<1x32x128xf32, #tpu.memory_space<vmem>> -> memref<32x128xf32, #tpu.memory_space<vmem>>
        %dma_start3A_1373 = arith.constant 0 : i32
        %dma_start3A_1374 = tpu.memref_slice %arg5[%dma_start3A_1373, %multiple_of3A_1342] : memref<32x1000000xf32, #tpu.memory_space<hbm>> -> memref<32x128xf32, #tpu.memory_space<hbm>>
        tpu.enqueue_dma source(%dma_start3A_1374 : memref<32x128xf32, #tpu.memory_space<hbm>>) target(%dma_start3A_1372 : memref<32x128xf32, #tpu.memory_space<vmem>>) target_semaphore(%dma_start3A_1368 : memref<!tpu.dma_semaphore, #tpu.memory_space<semaphore_mem>>)
      } else {
      }
      %mul3A_1254 = arith.mulf %gather3A_1239, %gather3A_1244 : vector<16xf32>
      %mul3A_1255 = arith.mulf %gather3A_1243, %gather3A_1248 : vector<16xf32>
      %add3A_1256 = arith.addf %mul3A_1254, %mul3A_1255 : vector<16xf32>
      %xor3A_1257 = arith.constant 8 : i32
      %xor3A_1258 = vector.broadcast %xor3A_1257 : i32 to vector<16xi32>
      %xor3A_1259 = arith.xori %iota3A, %xor3A_1258 : vector<16xi32>
      %broadcast_in_dim3A_1260 = vector.shape_cast %xor3A_1259 : vector<16xi32> to vector<16x1xi32>
      %gather3A_1261 = vector.shape_cast %broadcast_in_dim3A_1260 : vector<16x1xi32> to vector<16xi32>
      %gather3A_1262 = tpu.dynamic_gather %add3A_1256[%gather3A_1261] in [0] : vector<16xf32>, vector<16xi32> -> vector<16xf32>
      %add3A_1263 = arith.addf %add3A_1256, %gather3A_1262 : vector<16xf32>
      %xor3A_1264 = arith.constant 4 : i32
      %xor3A_1265 = vector.broadcast %xor3A_1264 : i32 to vector<16xi32>
      %xor3A_1266 = arith.xori %iota3A, %xor3A_1265 : vector<16xi32>
      %broadcast_in_dim3A_1267 = vector.shape_cast %xor3A_1266 : vector<16xi32> to vector<16x1xi32>
      %gather3A_1268 = vector.shape_cast %broadcast_in_dim3A_1267 : vector<16x1xi32> to vector<16xi32>
      %gather3A_1269 = tpu.dynamic_gather %add3A_1263[%gather3A_1268] in [0] : vector<16xf32>, vector<16xi32> -> vector<16xf32>
      %add3A_1270 = arith.addf %add3A_1263, %gather3A_1269 : vector<16xf32>
      %xor3A_1271 = arith.constant 2 : i32
      %xor3A_1272 = vector.broadcast %xor3A_1271 : i32 to vector<16xi32>
      %xor3A_1273 = arith.xori %iota3A, %xor3A_1272 : vector<16xi32>
      %broadcast_in_dim3A_1274 = vector.shape_cast %xor3A_1273 : vector<16xi32> to vector<16x1xi32>
      %gather3A_1275 = vector.shape_cast %broadcast_in_dim3A_1274 : vector<16x1xi32> to vector<16xi32>
      %gather3A_1276 = tpu.dynamic_gather %add3A_1270[%gather3A_1275] in [0] : vector<16xf32>, vector<16xi32> -> vector<16xf32>
      %add3A_1277 = arith.addf %add3A_1270, %gather3A_1276 : vector<16xf32>
      %xor3A_1278 = arith.constant 1 : i32
      %xor3A_1279 = vector.broadcast %xor3A_1278 : i32 to vector<16xi32>
      %xor3A_1280 = arith.xori %iota3A, %xor3A_1279 : vector<16xi32>
      %broadcast_in_dim3A_1281 = vector.shape_cast %xor3A_1280 : vector<16xi32> to vector<16x1xi32>
      %gather3A_1282 = vector.shape_cast %broadcast_in_dim3A_1281 : vector<16x1xi32> to vector<16xi32>
      %gather3A_1283 = tpu.dynamic_gather %add3A_1277[%gather3A_1282] in [0] : vector<16xf32>, vector<16xi32> -> vector<16xf32>
      %add3A_1284 = arith.addf %add3A_1277, %gather3A_1283 : vector<16xf32>
      %jit3A_1285 = arith.constant 2 : i32
      %eq3A_1286 = arith.constant 0 : i32
      %eq3A_1287 = arith.cmpi eq, %jit3A_1285, %eq3A_1286 : i32
      %jit3A_1288 = arith.constant 1 : i32
      %select_n3A_1289 = arith.select %eq3A_1287, %jit3A_1288, %jit3A_1285 : i32
      %rem3A_1290 = arith.remsi %scan3A_375, %select_n3A_1289 : i32
      %ne3A_1291 = arith.constant 0 : i32
      %ne3A_1292 = arith.cmpi ne, %rem3A_1290, %ne3A_1291 : i32
      %lt3A_1293 = arith.constant 0 : i32
      %lt3A_1294 = arith.cmpi slt, %rem3A_1290, %lt3A_1293 : i32
      %lt3A_1295 = arith.constant 0 : i32
      %lt3A_1296 = arith.cmpi slt, %select_n3A_1289, %lt3A_1295 : i32
      %ne3A_1297 = arith.xori %lt3A_1294, %lt3A_1296 : i1
      %and3A_1298 = arith.andi %ne3A_1297, %ne3A_1292 : i1
      %add3A_1299 = arith.addi %rem3A_1290, %select_n3A_1289 : i32
      %select_n3A_1300 = arith.select %and3A_1298, %add3A_1299, %rem3A_1290 : i32
      %mul3A_1301 = arith.constant 8 : i32
      %mul3A_1302 = arith.muli %select_n3A_1300, %mul3A_1301 : i32
      %add3A_1303 = arith.constant 7 : i32
      %add3A_1304 = arith.addi %mul3A_1302, %add3A_1303 : i32
      %eq3A_1305 = vector.broadcast %add3A_1304 : i32 to vector<16xi32>
      %eq3A_1306 = arith.cmpi eq, %iota3A, %eq3A_1305 : vector<16xi32>
      %select_n3A_1307 = arith.select %eq3A_1306, %add3A_1284, %select_n3A_1190 : vector<16xi1>, vector<16xf32>
      %jit3A_1308 = arith.constant 2 : i32
      %eq3A_1309 = arith.constant 0 : i32
      %eq3A_1310 = arith.cmpi eq, %jit3A_1308, %eq3A_1309 : i32
      %jit3A_1311 = arith.constant 1 : i32
      %select_n3A_1312 = arith.select %eq3A_1310, %jit3A_1311, %jit3A_1308 : i32
      %rem3A_1313 = arith.remsi %scan3A_375, %select_n3A_1312 : i32
      %ne3A_1314 = arith.constant 0 : i32
      %ne3A_1315 = arith.cmpi ne, %rem3A_1313, %ne3A_1314 : i32
      %lt3A_1316 = arith.constant 0 : i32
      %lt3A_1317 = arith.cmpi slt, %rem3A_1313, %lt3A_1316 : i32
      %lt3A_1318 = arith.constant 0 : i32
      %lt3A_1319 = arith.cmpi slt, %select_n3A_1312, %lt3A_1318 : i32
      %ne3A_1320 = arith.xori %lt3A_1317, %lt3A_1319 : i1
      %and3A_1321 = arith.andi %ne3A_1320, %ne3A_1315 : i1
      %add3A_1322 = arith.addi %rem3A_1313, %select_n3A_1312 : i32
      %select_n3A_1323 = arith.select %and3A_1321, %add3A_1322, %rem3A_1313 : i32
      %eq3A_1324 = arith.constant 1 : i32
      %eq3A_1325 = arith.cmpi eq, %select_n3A_1323, %eq3A_1324 : i32
      %convert_element_type3A_1326 = arith.extui %eq3A_1325 : i1 to i32
      %cond3A_1327 = arith.constant 0 : i32
      %cond3A_1328 = arith.cmpi ne, %convert_element_type3A_1326, %cond3A_1327 : i32
      scf.if %cond3A_1328 {
        %jit3A_1329 = arith.constant 2 : i32
        %div3A = arith.divsi %scan3A_375, %jit3A_1329 : i32
        %sign3A = arith.constant 0 : i32
        %sign3A_1330 = arith.cmpi sgt, %scan3A_375, %sign3A : i32
        %sign3A_1331 = arith.extui %sign3A_1330 : i1 to i32
        %sign3A_1332 = arith.constant 0 : i32
        %sign3A_1333 = arith.cmpi slt, %scan3A_375, %sign3A_1332 : i32
        %sign3A_1334 = arith.extui %sign3A_1333 : i1 to i32
        %sign3A_1335 = arith.subi %sign3A_1331, %sign3A_1334 : i32
        %sign3A_1336 = arith.constant 0 : i32
        %sign3A_1337 = arith.cmpi sgt, %jit3A_1329, %sign3A_1336 : i32
        %sign3A_1338 = arith.extui %sign3A_1337 : i1 to i32
        %sign3A_1339 = arith.constant 0 : i32
        %sign3A_1340 = arith.cmpi slt, %jit3A_1329, %sign3A_1339 : i32
        %sign3A_1341 = arith.extui %sign3A_1340 : i1 to i32
        %sign3A_1342 = arith.subi %sign3A_1338, %sign3A_1341 : i32
        %ne3A_1343 = arith.cmpi ne, %sign3A_1335, %sign3A_1342 : i32
        %rem3A_1344 = arith.remsi %scan3A_375, %jit3A_1329 : i32
        %ne3A_1345 = arith.constant 0 : i32
        %ne3A_1346 = arith.cmpi ne, %rem3A_1344, %ne3A_1345 : i32
        %and3A_1347 = arith.andi %ne3A_1343, %ne3A_1346 : i1
        %sub3A = arith.constant 1 : i32
        %sub3A_1348 = arith.subi %div3A, %sub3A : i32
        %select_n3A_1349 = arith.select %and3A_1347, %sub3A_1348, %div3A : i32
        %mul3A_1350 = arith.constant 16 : i32
        %mul3A_1351 = arith.muli %select_n3A_1349, %mul3A_1350 : i32
        %multiple_of3A_1352 = tpu.assume_multiple %mul3A_1351, 16 : i32
        %swap3A = arith.index_cast %multiple_of3A_1352 : i32 to index
        %swap3A_1353 = tpu.vector_load %arg11[%swap3A] {strides = array<i32>} : memref<512xf32, #tpu.memory_space<vmem>>, vector<16xf32>,
        tpu.vector_store %arg11[%swap3A], %select_n3A_1307 {strides = array<i32>} : memref<512xf32, #tpu.memory_space<vmem>>, vector<16xf32>,
      } else {
      }
      scf.yield %select_n3A_1307 : vector<16xf32>
    }
    %scan3A_374 = arith.constant 64 : i32
    "tpu.region"() ({
      %run_scoped3A = tpu.sem_alloc : memref<!tpu.dma_semaphore, #tpu.memory_space<semaphore_mem>>
      %dma_start3A_375 = tpu.memref_slice %arg6[%mul3A_2] : memref<16384xf32, #tpu.memory_space<hbm>> -> memref<512xf32, #tpu.memory_space<hbm>>
      %dma_start3A_376 = tpu.memref_slice %arg6[%mul3A_2] : memref<16384xf32, #tpu.memory_space<hbm>> -> memref<512xf32, #tpu.memory_space<hbm>>
      tpu.enqueue_dma source(%arg11 : memref<512xf32, #tpu.memory_space<vmem>>) target(%dma_start3A_376 : memref<512xf32, #tpu.memory_space<hbm>>) target_semaphore(%run_scoped3A : memref<!tpu.dma_semaphore, #tpu.memory_space<semaphore_mem>>)
      %dma_wait3A = tpu.memref_slice %arg6[%mul3A_2] : memref<16384xf32, #tpu.memory_space<hbm>> -> memref<512xf32, #tpu.memory_space<hbm>>
      %dma_wait3A_377 = tpu.memref_slice %arg6[%mul3A_2] : memref<16384xf32, #tpu.memory_space<hbm>> -> memref<512xf32, #tpu.memory_space<hbm>>
      tpu.wait_dma2 semaphore(%run_scoped3A : memref<!tpu.dma_semaphore, #tpu.memory_space<semaphore_mem>>) src(%arg11 : memref<512xf32, #tpu.memory_space<vmem>>) dst(%dma_wait3A_377 : memref<512xf32, #tpu.memory_space<hbm>>)
      tpu.yield
    }) : () -> ()
    return
  }
}

</mosaic_0001>

<sc_bundles>
// kernel: kernel.3.cloned.1.call-start
scs
__scs_entry_jumppad:
0x0: {  	(pc) =	sbr.rel $0x88, $3  }
0x1: {  	(tag) =	ssettag $0x0;
	lr =	simm.s32 $0x1  }
0x2: {  	[smem:$0x3F9D] =	sst lr;
	_ =	strace $0xD0000000  }
0x3: {  	_ = 	snop  }
0x4: {  	_ = 	snop  }
0x5: {  	_ = 	snop  }
0x6: {  	_ = 	snop  }
0x7: {  	_ = 	snop  }
__scs_overlays_trampoline_lowered:
0x8: {  	[smem:$0x3FAC] =	sst s0  }
0x9: {  	[smem:$0x3FAD] =	sst s1  }
0xa: {  	[smem:$0x3FAE] =	sst s2  }
0xb: {  	[smem:$0x3FAF] =	sst s3  }
0xc: {  	[smem:$0x3FB0] =	sst s4  }
0xd: {  	[smem:$0x3FB1] =	sst s5  }
0xe: {  	[smem:$0x3FB2] =	sst s6  }
0xf: {  	[smem:$0x3FB3] =	sst s7  }
0x10: {  	[smem:$0x3FB4] =	sst s8  }
0x11: {  	[smem:$0x3FB5] =	sst s9;
	s0 =	simm.s32 @!p0 $0x0  }
0x12: {  	s1 =	sld [smem:$0x3F9B];
	s0 =	simm.s32 @p0 $0x1  }
0x13: {  	[smem:$0x3FB6] =	sst s0;
	s0 =	simm.s32 @!p1 $0x0  }
0x14: {  	s2 =	sld [smem:$0x3F9A];
	s0 =	simm.s32 @p1 $0x1  }
0x15: {  	[smem:$0x3FB7] =	sst s0;
	s0 =	simm.s32 @!p2 $0x0  }
0x16: {  	s3 =	sld [smem:$0x3FDB];
	s0 =	simm.s32 @p2 $0x1  }
0x17: {  	s4 =	simm.s32 $0x1BF5;
	[smem:$0x3FB9] =	sst s0  }
0x18: {  	s0 =	sld [smem:$0x3F9C];
	_ =	swait.ge [sflag:s4], $0x0  }
0x19: {  	s7 =	sld [smem:$0x3F9D]  }
0x1a: {  	s8 =	sadd.s32 $0xFFFFE003, lr  }
0x1b: {  	s9 =	sadd.s32 $0xFFFFFEF7, lr;
	s5 =	simm.s32 $0xFFFFFFFF;
	p2 =	slt.u32 s8, $0xFFFFF086  }
0x1c: {  	p1 =	slt.u32 s9, $0xF7A;
	s5 =	simm.s32 @!p2 $0x0  }
0x1d: {  	s5 =	simm.s32 @p1 $0x1;
	p0 =	seq.s32 s7, s2  }
0x1e: {  	s7 =	smul.u32 @!p0 $0xF7A, s2;
	p2 =	seq.s32 @!p0 s5, $0x0  }
0x1f: {  	s9 =	smul.u32 $0xF7A, s1;
	s8 =	simm.s32 @!p0 $0x1BF5;
	p2 =	por !p2, p0  }
0x20: {  	[sflag:s8] =	ssyncset.s32 @!p0 $0xFFFFF086;
	s6 =	sadd.s32 @!p0 s3, s7;
	s7 =	simm.s32 @!p0 $0x108  }
0x21: {  	s3 =	sadd.s32 s3, s9;
	s6 =	sadd.s32 @!p0 $0x88, s6;
	s7 =	simm.s32 @p2 $0x1082  }
0x22: {  	[simem:s7], [sflag:s8] =	dma.local @!p0 [hbm:s6], $0xF7A  }
0x23: {  	s9 =	sor.u32 $0xD0000000, s2;
	s6 =	simm.s32 $0x108;
	_ =	swait.ge @!p0 [sflag:s8], $0x0  }
0x24: {  	s3 =	sadd.s32 $0x88, s3;
	s6 =	simm.s32 @!p1 $0x1082;
	[sflag:s4] =	ssyncset.s32 $0xFFFFF086  }
0x25: {  	[simem:s6], [sflag:s4] =	dma.local [hbm:s3], $0xF7A  }
0x26: {  	[smem:$0x3F9D] =	sst s1;
	(tag) =	ssettag s2;
	_ =	strace s9  }
0x27: {  	s1 =	sld [smem:$0x3FAD]  }
0x28: {  	s2 =	sld [smem:$0x3FAE]  }
0x29: {  	s4 =	sld [smem:$0x3FB0]  }
0x2a: {  	p0 =	seq.s32 s5, $0x0;
	s5 =	sld [smem:$0x3FB1]  }
0x2b: {  	s6 =	sld [smem:$0x3FB2]  }
0x2c: {  	s7 =	sld [smem:$0x3FB3]  }
0x2d: {  	s3 =	simm.s32 $0x108;
	s8 =	sld [smem:$0x3FB4]  }
0x2e: {  	s3 =	simm.s32 @!p0 $0x1082;
	s9 =	sld [smem:$0x3FB5]  }
0x2f: {  	lr =	sadd.s32 s0, s3;
	s0 =	sld [smem:$0x3FAC]  }
0x30: {  	s3 =	sld [smem:$0x3FAF]  }
0x31: {  	[smem:$0x3FB8] =	sst s10  }
0x32: {  	s10 =	sld [smem:$0x3FB6];
	_ =	sdelay $0x3  }
0x33: {  	p0 =	seq.s32 s10, $0x1;
	s10 =	sld [smem:$0x3FB8];
	_ =	sdelay $0x3  }
0x34: {  	[smem:$0x3FB8] =	sst s10  }
0x35: {  	s10 =	sld [smem:$0x3FB7];
	_ =	sdelay $0x3  }
0x36: {  	p1 =	seq.s32 s10, $0x1;
	s10 =	sld [smem:$0x3FB8];
	_ =	sdelay $0x3  }
0x37: {  	[smem:$0x3FB8] =	sst s10  }
0x38: {  	s10 =	sld [smem:$0x3FB9]  }
0x39: {  	_ = 	snop;
	(pc) =	sbr.ind lr, $3  }
0x3a: {  	_ = 	snop  }
0x3b: {  	_ = 	snop  }
0x3c: {  	p2 =	seq.s32 s10, $0x1;
	s10 =	sld [smem:$0x3FB8]  }
0x3d: {  	_ =	shalt  }
0x3e: {  	_ =	shalt  }
0x3f: {  	_ =	shalt  }
0x40: {  	_ =	shalt  }
0x41: {  	_ =	shalt  }
0x42: {  	_ =	shalt  }
0x43: {  	_ =	shalt  }
0x44: {  	_ =	shalt  }
0x45: {  	_ =	shalt  }
0x46: {  	_ =	shalt  }
0x47: {  	_ =	shalt  }
0x48: {  	_ =	shalt  }
0x49: {  	_ =	shalt  }
0x4a: {  	_ =	shalt  }
0x4b: {  	_ =	shalt  }
0x4c: {  	_ =	shalt  }
0x4d: {  	_ =	shalt  }
0x4e: {  	_ =	shalt  }
0x4f: {  	_ =	shalt  }
0x50: {  	_ =	shalt  }
0x51: {  	_ =	shalt  }
0x52: {  	_ =	shalt  }
0x53: {  	_ =	shalt  }
0x54: {  	_ =	shalt  }
0x55: {  	_ =	shalt  }
0x56: {  	_ =	shalt  }
0x57: {  	_ =	shalt  }
0x58: {  	_ =	shalt  }
0x59: {  	_ =	shalt  }
0x5a: {  	_ =	shalt  }
0x5b: {  	_ =	shalt  }
0x5c: {  	_ =	shalt  }
0x5d: {  	_ =	shalt  }
0x5e: {  	_ =	shalt  }
0x5f: {  	_ =	shalt  }
0x60: {  	_ =	shalt  }
0x61: {  	_ =	shalt  }
0x62: {  	_ =	shalt  }
0x63: {  	_ =	shalt  }
0x64: {  	_ =	shalt  }
0x65: {  	_ =	shalt  }
0x66: {  	_ =	shalt  }
0x67: {  	_ =	shalt  }
0x68: {  	_ =	shalt  }
0x69: {  	_ =	shalt  }
0x6a: {  	_ =	shalt  }
0x6b: {  	_ =	shalt  }
0x6c: {  	_ =	shalt  }
0x6d: {  	_ =	shalt  }
0x6e: {  	_ =	shalt  }
0x6f: {  	_ =	shalt  }
0x70: {  	_ =	shalt  }
0x71: {  	_ =	shalt  }
0x72: {  	_ =	shalt  }
0x73: {  	_ =	shalt  }
0x74: {  	_ =	shalt  }
0x75: {  	_ =	shalt  }
0x76: {  	_ =	shalt  }
0x77: {  	_ =	shalt  }
0x78: {  	_ =	shalt  }
0x79: {  	_ =	shalt  }
0x7a: {  	_ =	shalt  }
0x7b: {  	_ =	shalt  }
0x7c: {  	_ =	shalt  }
0x7d: {  	_ =	shalt  }
0x7e: {  	_ =	shalt  }
0x7f: {  	_ =	shalt  }
0x80: {  	_ =	shalt  }
0x81: {  	_ =	shalt  }
0x82: {  	_ =	shalt  }
0x83: {  	_ =	shalt  }
0x84: {  	_ =	shalt  }
0x85: {  	_ =	shalt  }
0x86: {  	_ =	shalt  }
0x87: {  	_ =	shalt  }
.Lfunc_end0:
.L_simem_size_0:
called_computation_lowered:
.L_overlay_start_0:
0x88: {  	s2 =	sld [smem:$0x3FD9]  }
0x89: {  	s3 =	sld [smem:$0x3FFE];
	_ =	sdelay $0x1  }
0x8a: {  	s1 =	srdreg.scid  }
0x8b: {  	s0 =	sand.u32 $0x1, s1  }
0x8c: {  	s18 =	sshll.u32 s0, $0xA;
	s2 =	sadd.s32 s3, s2  }
0x8d: {  	s2 =	sadd.s32 s2, s18  }
0x8e: {  	[smem:$0x3FC4] =	sst s2  }
0x8f: {  	_ = 	snop  }
0x90: {  	s2 =	sld [smem:$0x3FC9]  }
0x91: {  	s19 =	sld [smem:$0x3FC8]  }
0x92: {  	s4 =	sld [smem:$0x3FC7]  }
0x93: {  	s5 =	sld [smem:$0x3FC6]  }
0x94: {  	s6 =	sld [smem:$0x3FD0];
	(tm) =	ssettm $0x1  }
0x95: {  	s7 =	sld [smem:$0x3FFB];
	_ =	sdelay $0x3  }
0x96: {  	_ =	strace s7  }
0x97: {  	s7 =	sld [smem:$0x3FFC];
	_ =	sdelay $0x3  }
0x98: {  	_ =	strace s7  }
0x99: {  	s7 =	sld [smem:$0x3FFD];
	_ =	sdelay $0x3  }
0x9a: {  	_ =	strace s7  }
0x9b: {  	_ =	strace $0x8FFFFFFF  }
0x9c: {  	s20 =	sld [smem:$0x3FDB];
	_ =	sdelay $0x1  }
0x9d: {  	s8 =	simm.s32 $_scs_section_size  }
0x9e: {  	s9 =	simm.s32 $_size__tile_overlayer_lowered;
	s10 =	simm.s32 $_tile_overlayer_lowered  }
0x9f: {  	s23 =	simm.s32 $0x1BFF;
	s22 =	sshll.u32 s10, $0x1;
	s7 =	sadd.s32 s8, s20  }
0xa0: {  	s11 =	simm.s32 $0x0;
	s21 =	sshll.u32 s9, $0x1;
	s9 =	sadd.s32 s22, s7  }
0xa1: {  	[timem:s11], [sflag:s23] =	dma.local [hbm:s9], s21  }
0xa2: {  	_ =	swait.ge [sflag:s23], s21  }
0xa3: {  	s8 =	ssub.s32 $0x0, s21;
	[sflag:s23] =	ssyncset.done $0x0  }
0xa4: {  	[sflag:s23] =	ssyncadd.s32 s8;
	_ =	sdelay $0x1  }
0xa5: {  	s24 =	simm.s32 $0x1B8B  }
0xa6: {  	_ =	swait.ge [sflag:s24], $0x1  }
0xa7: {  	[sflag:s24] =	ssyncset.done $0x0  }
0xa8: {  	s25 =	simm.s32 $0x1B8E;
	[sflag:s24] =	ssyncadd.s32 $0xFFFFFFFF  }
0xa9: {  	s26 =	simm.s32 $execute0_lowered;
	[smem:$0x3FD2] =	sst s25  }
0xaa: {  	s8 =	sshll.u32 s26, $0x1;
	_ =	strace $0x80000046;
	[dreg:$0x1] =	wrdreg $0xFFFFFFFF  }
0xab: {  	s28 =	simm.s32 $_size_execute0_lowered;
	s7 =	sadd.s32 s7, s8;
	[dreg:$0x0] =	wrdreg $0x0  }
0xac: {  	s8 =	sshll.u32 s28, $0x1;
	[dreg:$0x2] =	wrdreg s7  }
0xad: {  	[dreg:$0x3] =	wrdreg s8  }
0xae: {  	[dreg:$0x4] =	wrdreg $0xC0  }
0xaf: {  	_ =	task [dreg:s11], $0x5FFFF  }
0xb0: {  	[dreg:$0x1] =	wrdreg $0xFFFFFFFF  }
0xb1: {  	[dreg:$0x0] =	wrdreg $0x60  }
0xb2: {  	[dreg:$0x2] =	wrdreg s2  }
0xb3: {  	[dreg:$0x3] =	wrdreg s19  }
0xb4: {  	[dreg:$0x4] =	wrdreg s4  }
0xb5: {  	[dreg:$0x5] =	wrdreg s5  }
0xb6: {  	[dreg:$0x6] =	wrdreg s6  }
0xb7: {  	[dreg:$0x7] =	wrdreg $0x9  }
0xb8: {  	_ =	task.clear_ibuf [dreg:s11], $0x8FFFF;
	_ =	strace $0x90000046  }
0xb9: {  	s29 =	simm.s32 $0x9;
	_ =	strace $0x80000048  }
0xba: {  	_ =	swait.ge [sflag:s29], $0x1  }
0xbb: {  	[sflag:s29] =	ssyncadd.s32 $0xFFFFFFFF  }
0xbc: {  	_ =	strace $0x90000048  }
0xbd: {  	_ =	sfence  }
0xbe: {  	s30 =	sld [smem:$0x0];
	_ =	sdelay $0x2  }
0xbf: {  	s31 =	sshll.u32 s1, $0xD;
	s1 =	sshrl.u32 s1, $0x2  }
0xc0: {  	s3 =	sand.u32 $0x4000, s31;
	s1 =	sadd.s32 s1, s30  }
0xc1: {  	s0 =	sor.u32 s3, s0;
	s1 =	sshll.u32 s1, $0x11  }
0xc2: {  	s0 =	sor.u32 s1, s0  }
0xc3: {  	s0 =	sadd.s32 $0x8F2B, s0  }
0xc4: {  	[sflag:s0] =	ssyncadd.remote.s32 $0x1  }
0xc5: {  	_ =	sfence.sel $0xFFFF  }
0xc6: {  	[dreg:$0x0] =	wrdreg $0xFFFFFFFF;
	(pc) =	sbr.abs _section_cstart, $3  }
0xc7: {  	[dreg:$0x1] =	wrdreg $0xFFFFFFFF  }
0xc8: {  	_ =	task.clear_ibuf [dreg:s11], $0x2FFFF;
	_ =	strace $0x9FFFFFFF  }
0xc9: {  	(tm) =	ssettm $0x7FFFFFFF  }
tec
execute0_lowered:
.L_overlay_start_1:
0x0: {  	(tag) =	ssettag $0x1  }
0x1: {  	v0 =	vimm.s32 $0xFEDCBA98  }
0x2: {  	s0 =	rddreg [dreg:$0x0];
	v2 =	vimm.s32 $0x76543210;
	v4 =	vimm.s32 $0xBA98FEDC;
	v5 =	vimm.s32 $0x32107654  }
0x3: {  	s3 =	rddreg [dreg:$0x1];
	v6 =	vimm.s32 $0xDCFE98BA;
	v7 =	vimm.s32 $0x54761032;
	v8 =	vimm.s32 $0xEFCDAB89  }
0x4: {  	s2 =	rddreg [dreg:$0x2];
	v9 =	vimm.s32 $0x67452301;
	v1 =	vunpack.c.l.s4.s8 v0;
	v0 =	vlaneseq.u32  }
0x5: {  	s16 =	rddreg [dreg:$0x3];
	v2 =	vunpack.c.l.s4.s8 v2;
	v4 =	vunpack.c.l.s4.s8 v4;
	v5 =	vunpack.c.l.s4.s8 v5  }
0x6: {  	s4 =	rddreg [dreg:$0x4];
	v6 =	vunpack.c.l.s4.s8 v6;
	v7 =	vunpack.c.l.s4.s8 v7;
	v8 =	vunpack.c.l.s4.s8 v8  }
0x7: {  	s5 =	srdreg.scid;
	s15 =	simm.s32 $0x0;
	s7 =	stileid.u32;
	v9 =	vunpack.c.l.s4.s8 v9;
	v3 =	vunpack.c.0.s8.s32 v1;
	v1 =	vmul.u32 $0x80, v0  }
0x8: {  	s13 =	simm.s32 $0x500;
	s14 =	simm.s32 $0x8500;
	s29 =	simm.s32 $0x1;
	v4 =	vunpack.c.0.s8.s32 v4;
	v5 =	vunpack.c.0.s8.s32 v5;
	v6 =	vunpack.c.0.s8.s32 v6  }
0x9: {  	s30 =	simm.s32 $0x2;
	s17 =	simm.s32 $0x4;
	s5 =	sand.u32 $0x1, s5;
	v7 =	vunpack.c.0.s8.s32 v7;
	v8 =	vunpack.c.0.s8.s32 v8;
	v9 =	vunpack.c.0.s8.s32 v9  }
0xa: {  	s7 =	sshll.u32 s7, $0x7;
	s6 =	ssub.s32 $0x2, s5;
	s5 =	sshll.u32 s5, $0x6;
	v2 =	vunpack.c.0.s8.s32 v2;
	v3 =	vand.u32 $0xF, v3;
	v4 =	vcombine.low v5, v4  }
0xb: {  	s1 =	simm.s32 $0x5;
	[smem:$0x7FF] =	sst s15;
	s5 =	sor.u32 s5, s7;
	v5 =	vcombine.low v7, v6;
	v6 =	vcombine.low v9, v8;
	v7 =	vor.u32 $0x1000, v1  }
0xc: {  	s31 =	simm.s32 $0x6;
	_ =	strace $0x80000047;
	s0 =	sadd.s32 s0, s5;
	v8 =	vor.u32 $0x1800, v1;
	v9 =	vor.u32 $0x2000, v1;
	v10 =	vor.u32 $0x2800, v1  }
0xd: {  	s8 =	sshrl.u32 s6, $0x1;
	s25 =	sadd.s32 s3, s5;
	[dreg:$0x6] =	wrdreg s0;
	v11 =	vor.u32 $0x3000, v1;
	v12 =	vor.u32 $0x3800, v1;
	v13 =	vor.u32 $0x4000, v1  }
0xe: {  	s6 =	ssub.s32 s6, s8;
	s26 =	sadd.s32 s4, s5;
	[dreg:$0x7] =	wrdreg s25;
	v14 =	vor.u32 $0x4800, v1;
	v15 =	vor.u32 $0x5000, v1;
	v16 =	vor.u32 $0x5800, v1  }
0xf: {  	s3 =	simm.s32 $0x9;
	[dreg:$0x8] =	wrdreg s26;
	s28 =	smax.u32 s6, $0x1;
	v17 =	vor.u32 $0x6000, v1;
	v18 =	vor.u32 $0x6800, v1;
	v19 =	vor.u32 $0x7000, v1  }
0x10: {  	s4 =	simm.s32 $0x0;
	s26 =	simm.s32 $0x3;
	v20 =	vor.u32 $0x7800, v1;
	[dreg:$0x9] =	wrdreg s28;
	v2 =	vcombine.low v3, v2;
	v3 =	vor.u32 $0x800, v1  }
.LBB2_1:
0x11: {  	[dreg:$0xa] =	wrdreg s4  }
0x12: {  	s0 =	rddreg [dreg:$0x6]  }
0x13: {  	[tilespmem:s15], [sflag:$0x9] =	stream.linear.gather [hbm4b:s0+s15], $0x200, $0x38;
	[tilespmem:$0x10700] =	vst v63  }
0x14: {  	_ =	swait.ge [sflag:s3], $0x200  }
0x15: {  	[sflag:s3] =	ssyncset.done $0x0  }
0x16: {  	s24 =	simm.s32 $0x280;
	s23 =	rddreg [dreg:$0x7];
	[sflag:s3] =	ssyncadd.s32 $0xFFFFFE00  }
0x17: {  	[tilespmem:s24], [sflag:$0x9] =	stream.linear.gather [hbm4b:s23+s15], $0x200, $0x38;
	[tilespmem:$0x10700] =	vst v63  }
0x18: {  	_ =	swait.ge [sflag:s3], $0x200  }
0x19: {  	[sflag:s3] =	ssyncset.done $0x0  }
0x1a: {  	[sflag:s3] =	ssyncadd.s32 $0xFFFFFE00  }
0x1b: {  	v21 =	vld [tilespmem:$0x0];
	_ =	sdelay $0x1  }
0x1c: {  	v22 =	vld [tilespmem:$0x280];
	_ =	sdelay $0x2  }
0x1d: {  	(v2sf) =	vpush v21, $0x0;
	_ =	sdelay $0x1  }
0x1e: {  	(v2sf) =	vpush v22, $0x0;
	_ =	sdelay $0x2  }
0x1f: {  	(v2sf) =	vpush v21, $0x1;
	_ =	sdelay $0x2  }
0x20: {  	(v2sf) =	vpush v22, $0x1;
	_ =	sdelay $0x2  }
0x21: {  	(v2sf) =	vpush v21, $0x2;
	_ =	sdelay $0x2  }
0x22: {  	(v2sf) =	vpush v22, $0x2  }
0x23: {  	s25 =	spop (v2sf)  }
0x24: {  	s4 =	simm.s32 $0x7A1400;
	s0 =	sand.u32 $0xFFFFF80, s25  }
0x25: {  	s3 =	simm.s32 $0x400;
	(v2sf) =	vpush v21, $0x3;
	s28 =	spop (v2sf);
	s0 =	sadd.s32 s2, s0  }
0x26: {  	[tilespmem:s13], [sflag:$0x1] =	stream.strided.gather [hbm4b:s0+s3], $0x1000, s4, s3, $0x38;
	[tilespmem:$0x10700] =	vst v63  }
0x27: {  	s0 =	sand.u32 $0xFFFFF80, s28  }
0x28: {  	(v2sf) =	vpush v22, $0x3;
	s5 =	spop (v2sf);
	s0 =	sadd.s32 s16, s0  }
0x29: {  	[tilespmem:s14], [sflag:$0x1] =	stream.strided.gather [hbm4b:s0+s3], $0x1000, s4, s3, $0x38;
	[tilespmem:$0x10700] =	vst v63  }
0x2a: {  	s0 =	sand.u32 $0xFFFFF80, s5  }
0x2b: {  	(v2sf) =	vpush v21, $0x4;
	s6 =	spop (v2sf);
	s5 =	simm.s32 $0x1500;
	s0 =	sadd.s32 s2, s0  }
0x2c: {  	[tilespmem:s5], [sflag:$0x2] =	stream.strided.gather [hbm4b:s0+s3], $0x1000, s4, s3, $0x38;
	[tilespmem:$0x10700] =	vst v63  }
0x2d: {  	s0 =	sand.u32 $0xFFFFF80, s6  }
0x2e: {  	s7 =	simm.s32 $0x9500;
	(v2sf) =	vpush v22, $0x4;
	s8 =	spop (v2sf);
	s0 =	sadd.s32 s16, s0  }
0x2f: {  	[tilespmem:s7], [sflag:$0x2] =	stream.strided.gather [hbm4b:s0+s3], $0x1000, s4, s3, $0x38;
	[tilespmem:$0x10700] =	vst v63  }
0x30: {  	s0 =	sand.u32 $0xFFFFF80, s8  }
0x31: {  	s9 =	simm.s32 $0x2500;
	(v2sf) =	vpush v21, $0x5;
	s10 =	spop (v2sf);
	s0 =	sadd.s32 s2, s0  }
0x32: {  	[tilespmem:s9], [sflag:$0x3] =	stream.strided.gather [hbm4b:s0+s3], $0x1000, s4, s3, $0x38;
	[tilespmem:$0x10700] =	vst v63  }
0x33: {  	s0 =	sand.u32 $0xFFFFF80, s10  }
0x34: {  	s11 =	simm.s32 $0xA500;
	(v2sf) =	vpush v22, $0x5;
	s12 =	spop (v2sf);
	s0 =	sadd.s32 s16, s0  }
0x35: {  	[tilespmem:s11], [sflag:$0x3] =	stream.strided.gather [hbm4b:s0+s3], $0x1000, s4, s3, $0x38;
	[tilespmem:$0x10700] =	vst v63  }
0x36: {  	s0 =	sand.u32 $0xFFFFF80, s12  }
0x37: {  	s18 =	simm.s32 $0x3500;
	(v2sf) =	vpush v21, $0x6;
	s19 =	spop (v2sf);
	s0 =	sadd.s32 s2, s0  }
0x38: {  	[tilespmem:s18], [sflag:$0x4] =	stream.strided.gather [hbm4b:s0+s3], $0x1000, s4, s3, $0x38;
	[tilespmem:$0x10700] =	vst v63  }
0x39: {  	s0 =	sand.u32 $0xFFFFF80, s19  }
0x3a: {  	s20 =	simm.s32 $0xB500;
	(v2sf) =	vpush v22, $0x6;
	s21 =	spop (v2sf);
	s0 =	sadd.s32 s16, s0  }
0x3b: {  	[tilespmem:s20], [sflag:$0x4] =	stream.strided.gather [hbm4b:s0+s3], $0x1000, s4, s3, $0x38;
	[tilespmem:$0x10700] =	vst v63  }
0x3c: {  	s0 =	sand.u32 $0xFFFFF80, s21  }
0x3d: {  	s22 =	simm.s32 $0x4500;
	(v2sf) =	vpush v21, $0x7;
	s23 =	spop (v2sf);
	s0 =	sadd.s32 s2, s0  }
0x3e: {  	[tilespmem:s22], [sflag:$0x5] =	stream.strided.gather [hbm4b:s0+s3], $0x1000, s4, s3, $0x38;
	[tilespmem:$0x10700] =	vst v63  }
0x3f: {  	s0 =	sand.u32 $0xFFFFF80, s23  }
0x40: {  	s24 =	simm.s32 $0xC500;
	(v2sf) =	vpush v22, $0x7;
	s25 =	spop (v2sf);
	s0 =	sadd.s32 s16, s0  }
0x41: {  	[tilespmem:s24], [sflag:$0x5] =	stream.strided.gather [hbm4b:s0+s3], $0x1000, s4, s3, $0x38;
	[tilespmem:$0x10700] =	vst v63  }
0x42: {  	s0 =	sand.u32 $0xFFFFF80, s25  }
0x43: {  	s28 =	simm.s32 $0x5500;
	s6 =	spop (v2sf);
	s0 =	sadd.s32 s2, s0  }
0x44: {  	[tilespmem:s28], [sflag:$0x6] =	stream.strided.gather [hbm4b:s0+s3], $0x1000, s4, s3, $0x38;
	[tilespmem:$0x10700] =	vst v63  }
0x45: {  	s0 =	sand.u32 $0xFFFFF80, s6  }
0x46: {  	s7 =	simm.s32 $0xD500;
	s8 =	spop (v2sf);
	s0 =	sadd.s32 s16, s0  }
0x47: {  	[tilespmem:s7], [sflag:$0x6] =	stream.strided.gather [hbm4b:s0+s3], $0x1000, s4, s3, $0x38;
	[tilespmem:$0x10700] =	vst v63  }
0x48: {  	s0 =	sand.u32 $0xFFFFF80, s8  }
0x49: {  	s9 =	simm.s32 $0x6500;
	s10 =	spop (v2sf);
	s0 =	sadd.s32 s2, s0  }
0x4a: {  	[tilespmem:s9], [sflag:$0x7] =	stream.strided.gather [hbm4b:s0+s3], $0x1000, s4, s3, $0x38;
	[tilespmem:$0x10700] =	vst v63  }
0x4b: {  	s0 =	sand.u32 $0xFFFFF80, s10  }
0x4c: {  	s11 =	simm.s32 $0xE500;
	s12 =	spop (v2sf);
	s0 =	sadd.s32 s16, s0  }
0x4d: {  	[tilespmem:s11], [sflag:$0x7] =	stream.strided.gather [hbm4b:s0+s3], $0x1000, s4, s3, $0x38;
	[tilespmem:$0x10700] =	vst v63  }
0x4e: {  	s0 =	sand.u32 $0xFFFFF80, s12  }
0x4f: {  	s18 =	simm.s32 $0x7500;
	s19 =	spop (v2sf);
	s0 =	sadd.s32 s2, s0  }
0x50: {  	[tilespmem:s18], [sflag:$0x8] =	stream.strided.gather [hbm4b:s0+s3], $0x1000, s4, s3, $0x38;
	[tilespmem:$0x10700] =	vst v63  }
0x51: {  	s0 =	sand.u32 $0xFFFFF80, s19  }
0x52: {  	s20 =	simm.s32 $0xF500;
	s21 =	simm.s32 $0x0;
	s0 =	sadd.s32 s16, s0  }
0x53: {  	[tilespmem:s20], [sflag:$0x8] =	stream.strided.gather [hbm4b:s0+s3], $0x1000, s4, s3, $0x38;
	[tilespmem:$0x10700] =	vst v63  }
0x54: {  	v29 =	vld [tilespmem:s21+$0x0]  }
0x55: {  	v30 =	vld [tilespmem:s21+$0x280];
	_ =	sdelay $0x2  }
0x56: {  	_ =	swait.ge [sflag:s29], $0x1000  }
0x57: {  	(v2sf) =	vpush v29, $0x0  }
0x58: {  	p0 =	por $0x0, $0x0;
	(v2sf) =	vpush v30, $0x0  }
0x59: {  	(v2sf) =	vpush @!p0 v29, $0x8  }
0x5a: {  	(v2sf) =	vpush @!p0 v30, $0x8;
	_ =	sdelay $0x2  }
0x5b: {  	(v2sf) =	vpush v30, $0x1  }
0x5c: {  	(v2sf) =	vpush v29, $0x1  }
0x5d: {  	(v2sf) =	vpush @!p0 v29, $0x9  }
0x5e: {  	(v2sf) =	vpush @!p0 v30, $0x9;
	_ =	sdelay $0x1  }
0x5f: {  	(v2sf) =	vpush v29, $0x2  }
0x60: {  	(v2sf) =	vpush v30, $0x2  }
0x61: {  	(v2sf) =	vpush @!p0 v29, $0xA  }
0x62: {  	(v2sf) =	vpush @!p0 v30, $0xA  }
0x63: {  	s22 =	spop (v2sf);
	(v2sf) =	vpush v29, $0x3  }
0x64: {  	s23 =	spop (v2sf);
	(v2sf) =	vpush v30, $0x3;
	s0 =	sand.u32 $0x7F, s22  }
0x65: {  	[sflag:s29] =	ssyncset.done $0x0;
	s4 =	spop @!p0 (v2sf);
	(v2sf) =	vpush @!p0 v29, $0xB;
	v21 =	vor.u32 s0, v1  }
0x66: {  	[sflag:s29] =	ssyncadd.s32 $0xFFFFF000;
	s3 =	sand.u32 $0x7F, s23;
	v22 =	vor.u32 s0, v3;
	s5 =	spop @!p0 (v2sf);
	(v2sf) =	vpush @!p0 v30, $0xB  }
0x67: {  	v23 =	vor.u32 s3, v1;
	_ =	swait.ge [sflag:s29], $0x1000  }
0x68: {  	v24 =	vor.u32 s3, v3;
	[sflag:s29] =	ssyncset.done $0x0  }
0x69: {  	s6 =	spop (v2sf);
	[sflag:s29] =	ssyncadd.s32 $0xFFFFF000  }
0x6a: {  	s20 =	simm.s32 @!p0 $0x7A1400;
	s7 =	spop (v2sf);
	v21 =	vld.idx.msk [tilespmem:v21+s13+$0x0], $0xffff  }
0x6b: {  	s21 =	simm.s32 @!p0 $0x400;
	s0 =	sand.u32 @!p0 $0xFFFFF80, s4;
	s8 =	spop @!p0 (v2sf);
	v22 =	vld.idx.msk [tilespmem:v22+s13+$0x0], $0xffff  }
0x6c: {  	s3 =	simm.s32 @!p0 $0x500;
	s0 =	sadd.s32 @!p0 s2, s0;
	s9 =	spop @!p0 (v2sf);
	v23 =	vld.idx.msk [tilespmem:v23+s14+$0x0], $0xffff  }
0x6d: {  	(v2sf) =	vpush v29, $0x4;
	v24 =	vld.idx.msk [tilespmem:v24+s14+$0x0], $0xffff;
	[tilespmem:s3], [sflag:$0x1] =	stream.strided.gather @!p0 [hbm4b:s0+s21], $0x1000, s20, s21, $0x38  }
0x6e: {  	s5 =	sand.u32 @!p0 $0xFFFFF80, s5;
	s10 =	spop (v2sf)  }
0x6f: {  	s5 =	sadd.s32 @!p0 s16, s5;
	(v2sf) =	vpush v30, $0x4;
	s3 =	simm.s32 @!p0 $0x8500;
	s19 =	spop (v2sf)  }
0x70: {  	(v2sf) =	vpush @!p0 v29, $0xC;
	[tilespmem:s3], [sflag:$0x1] =	stream.strided.gather @!p0 [hbm4b:s5+s21], $0x1000, s20, s21, $0x38;
	[tilespmem:$0x10700] =	vst v63  }
0x71: {  	(v2sf) =	vpush @!p0 v30, $0xC;
	s4 =	spop @!p0 (v2sf)  }
0x72: {  	(v2sf) =	vpush v29, $0x5;
	s0 =	spop @!p0 (v2sf)  }
0x73: {  	_ =	swait.ge [sflag:s30], $0x1000  }
0x74: {  	s24 =	sand.u32 $0x7F, s6;
	(v2sf) =	vpush v30, $0x5  }
0x75: {  	v25 =	vor.u32 s24, v8;
	[sflag:s30] =	ssyncset.done $0x0;
	s3 =	spop (v2sf);
	(v2sf) =	vpush @!p0 v29, $0xD  }
0x76: {  	s25 =	sand.u32 $0x7F, s7;
	v26 =	vor.u32 s24, v7;
	[sflag:s30] =	ssyncadd.s32 $0xFFFFF000;
	s28 =	spop (v2sf);
	(v2sf) =	vpush @!p0 v30, $0xD  }
0x77: {  	v27 =	vor.u32 s25, v7;
	_ =	swait.ge [sflag:s30], $0x1000  }
0x78: {  	v31 =	vor.u32 s25, v8;
	[sflag:s30] =	ssyncset.done $0x0  }
0x79: {  	[sflag:s30] =	ssyncadd.s32 $0xFFFFF000  }
0x7a: {  	s25 =	spop @!p0 (v2sf);
	v25 =	vld.idx.msk [tilespmem:v25+s14+$0x0], $0xffff  }
0x7b: {  	s6 =	sand.u32 @!p0 $0xFFFFF80, s8;
	(v2sf) =	vpush v30, $0x6;
	s18 =	spop @!p0 (v2sf);
	v26 =	vld.idx.msk [tilespmem:v26+s14+$0x0], $0xffff  }
0x7c: {  	s8 =	simm.s32 @!p0 $0x1500;
	s6 =	sadd.s32 @!p0 s2, s6;
	(v2sf) =	vpush v29, $0x6;
	s23 =	spop (v2sf);
	v28 =	vld.idx.msk [tilespmem:v27+s13+$0x0], $0xffff  }
0x7d: {  	(v2sf) =	vpush @!p0 v29, $0xE;
	v27 =	vld.idx.msk [tilespmem:v31+s13+$0x0], $0xffff;
	[tilespmem:s8], [sflag:$0x2] =	stream.strided.gather @!p0 [hbm4b:s6+s21], $0x1000, s20, s21, $0x38  }
0x7e: {  	s7 =	sand.u32 @!p0 $0xFFFFF80, s9;
	s24 =	spop (v2sf);
	(v2sf) =	vpush @!p0 v30, $0xE  }
0x7f: {  	s6 =	sadd.s32 @!p0 s16, s7;
	s7 =	simm.s32 @!p0 $0x9500;
	s11 =	spop @!p0 (v2sf);
	(v2sf) =	vpush v29, $0x7  }
0x80: {  	[tilespmem:s7], [sflag:$0x2] =	stream.strided.gather @!p0 [hbm4b:s6+s21], $0x1000, s20, s21, $0x38;
	(v2sf) =	vpush v30, $0x7;
	[tilespmem:$0x10700] =	vst v63  }
0x81: {  	_ =	swait.ge [sflag:s26], $0x1000  }
0x82: {  	s9 =	sand.u32 $0x7F, s10;
	s12 =	spop @!p0 (v2sf)  }
0x83: {  	s10 =	sand.u32 $0x7F, s19;
	(v2sf) =	vpush @!p0 v29, $0xF;
	[sflag:s26] =	ssyncset.done $0x0;
	v29 =	vor.u32 s9, v10;
	s19 =	spop (v2sf)  }
0x84: {  	v31 =	vor.u32 s10, v10;
	[sflag:s26] =	ssyncadd.s32 $0xFFFFF000;
	(v2sf) =	vpush @!p0 v30, $0xF;
	s22 =	spop (v2sf)  }
0x85: {  	v30 =	vor.u32 s9, v9;
	_ =	swait.ge [sflag:s26], $0x1000  }
0x86: {  	v32 =	vor.u32 s10, v9;
	[sflag:s26] =	ssyncset.done $0x0  }
0x87: {  	[sflag:s26] =	ssyncadd.s32 $0xFFFFF000  }
0x88: {  	s10 =	spop @!p0 (v2sf);
	v29 =	vld.idx.msk [tilespmem:v29+s13+$0x0], $0xffff  }
0x89: {  	s4 =	sand.u32 @!p0 $0xFFFFF80, s4;
	s7 =	spop @!p0 (v2sf);
	v31 =	vld.idx.msk [tilespmem:v31+s14+$0x0], $0xffff  }
0x8a: {  	s4 =	sadd.s32 @!p0 s2, s4;
	s26 =	simm.s32 @!p0 $0x2500;
	s8 =	spop (v2sf);
	v30 =	vld.idx.msk [tilespmem:v30+s13+$0x0], $0xffff  }
0x8b: {  	v32 =	vld.idx.msk [tilespmem:v32+s14+$0x0], $0xffff;
	[tilespmem:s26], [sflag:$0x3] =	stream.strided.gather @!p0 [hbm4b:s4+s21], $0x1000, s20, s21, $0x38  }
0x8c: {  	s0 =	sand.u32 @!p0 $0xFFFFF80, s0;
	s9 =	spop (v2sf)  }
0x8d: {  	s4 =	sadd.s32 @!p0 s16, s0;
	s26 =	simm.s32 @!p0 $0xA500;
	s6 =	spop @!p0 (v2sf)  }
0x8e: {  	[tilespmem:s26], [sflag:$0x3] =	stream.strided.gather @!p0 [hbm4b:s4+s21], $0x1000, s20, s21, $0x38;
	[tilespmem:$0x10700] =	vst v63  }
0x8f: {  	s0 =	spop @!p0 (v2sf)  }
0x90: {  	_ =	swait.ge [sflag:s17], $0x1000  }
0x91: {  	s26 =	sand.u32 $0x7F, s3;
	s3 =	spop (v2sf)  }
0x92: {  	s28 =	sand.u32 $0x7F, s28;
	v33 =	vor.u32 s26, v12;
	[sflag:s17] =	ssyncset.done $0x0;
	s4 =	spop (v2sf)  }
0x93: {  	v34 =	vor.u32 s28, v12;
	[sflag:s17] =	ssyncadd.s32 $0xFFFFF000;
	s5 =	spop @!p0 (v2sf)  }
0x94: {  	v35 =	vor.u32 s26, v11;
	_ =	swait.ge [sflag:s17], $0x1000  }
0x95: {  	v36 =	vor.u32 s28, v11;
	[sflag:s17] =	ssyncset.done $0x0  }
0x96: {  	[sflag:s17] =	ssyncadd.s32 $0xFFFFF000  }
0x97: {  	v33 =	vld.idx.msk [tilespmem:v33+s13+$0x0], $0xffff  }
0x98: {  	s25 =	sand.u32 @!p0 $0xFFFFF80, s25;
	v34 =	vld.idx.msk [tilespmem:v34+s14+$0x0], $0xffff  }
0x99: {  	s25 =	sadd.s32 @!p0 s2, s25;
	s18 =	sand.u32 @!p0 $0xFFFFF80, s18;
	s26 =	simm.s32 @!p0 $0x3500;
	v35 =	vld.idx.msk [tilespmem:v35+s13+$0x0], $0xffff  }
0x9a: {  	v36 =	vld.idx.msk [tilespmem:v36+s14+$0x0], $0xffff;
	[tilespmem:s26], [sflag:$0x4] =	stream.strided.gather @!p0 [hbm4b:s25+s21], $0x1000, s20, s21, $0x38  }
0x9b: {  	s18 =	sadd.s32 @!p0 s16, s18;
	s25 =	simm.s32 @!p0 $0xB500  }
0x9c: {  	[tilespmem:s25], [sflag:$0x4] =	stream.strided.gather @!p0 [hbm4b:s18+s21], $0x1000, s20, s21, $0x38;
	[tilespmem:$0x10700] =	vst v63  }
0x9d: {  	s18 =	spop @!p0 (v2sf)  }
0x9e: {  	s23 =	sand.u32 $0x7F, s23;
	_ =	swait.ge [sflag:s1], $0x1000  }
0x9f: {  	s24 =	sand.u32 $0x7F, s24;
	v37 =	vor.u32 s23, v14;
	[sflag:s1] =	ssyncset.done $0x0  }
0xa0: {  	v38 =	vor.u32 s24, v14;
	[sflag:s1] =	ssyncadd.s32 $0xFFFFF000  }
0xa1: {  	v39 =	vor.u32 s23, v13;
	_ =	swait.ge [sflag:s1], $0x1000  }
0xa2: {  	v40 =	vor.u32 s24, v13;
	[sflag:s1] =	ssyncset.done $0x0  }
0xa3: {  	[sflag:s1] =	ssyncadd.s32 $0xFFFFF000  }
0xa4: {  	v37 =	vld.idx.msk [tilespmem:v37+s13+$0x0], $0xffff  }
0xa5: {  	s11 =	sand.u32 @!p0 $0xFFFFF80, s11;
	v38 =	vld.idx.msk [tilespmem:v38+s14+$0x0], $0xffff  }
0xa6: {  	s23 =	simm.s32 @!p0 $0x4500;
	s11 =	sadd.s32 @!p0 s2, s11;
	v39 =	vld.idx.msk [tilespmem:v39+s13+$0x0], $0xffff  }
0xa7: {  	v40 =	vld.idx.msk [tilespmem:v40+s14+$0x0], $0xffff;
	[tilespmem:s23], [sflag:$0x5] =	stream.strided.gather @!p0 [hbm4b:s11+s21], $0x1000, s20, s21, $0x38  }
0xa8: {  	s11 =	sand.u32 @!p0 $0xFFFFF80, s12  }
0xa9: {  	s12 =	simm.s32 @!p0 $0xC500;
	s11 =	sadd.s32 @!p0 s16, s11  }
0xaa: {  	[tilespmem:s12], [sflag:$0x5] =	stream.strided.gather @!p0 [hbm4b:s11+s21], $0x1000, s20, s21, $0x38;
	[tilespmem:$0x10700] =	vst v63  }
0xab: {  	s26 =	sand.u32 $0x7F, s19;
	_ =	swait.ge [sflag:s31], $0x1000  }
0xac: {  	v21 =	vmul.f32 v23, v21;
	v22 =	vmul.f32 v24, v22;
	s28 =	sand.u32 $0x7F, s22;
	v41 =	vor.u32 s26, v16;
	[sflag:s31] =	ssyncset.done $0x0  }
0xad: {  	v42 =	vor.u32 s28, v16;
	[sflag:s31] =	ssyncadd.s32 $0xFFFFF000  }
0xae: {  	v21 =	vadd.f32 v22, v21;
	v43 =	vor.u32 s26, v15;
	_ =	swait.ge [sflag:s31], $0x1000  }
0xaf: {  	v44 =	vor.u32 s28, v15;
	[sflag:s31] =	ssyncset.done $0x0  }
0xb0: {  	v22 =	vperm.xlane v21, v2;
	[sflag:s31] =	ssyncadd.s32 $0xFFFFF000  }
0xb1: {  	v24 =	vmul.f32 v26, v28;
	v25 =	vmul.f32 v25, v27;
	v41 =	vld.idx.msk [tilespmem:v41+s13+$0x0], $0xffff  }
0xb2: {  	s10 =	sand.u32 @!p0 $0xFFFFF80, s10;
	v28 =	vmul.f32 v31, v29;
	v29 =	vmul.f32 v32, v30;
	v42 =	vld.idx.msk [tilespmem:v42+s14+$0x0], $0xffff  }
0xb3: {  	v23 =	vadd.f32 v22, v21;
	s10 =	sadd.s32 @!p0 s2, s10;
	s11 =	sand.u32 @!p0 $0xFFFFF80, s7;
	s7 =	simm.s32 @!p0 $0x5500;
	v43 =	vld.idx.msk [tilespmem:v43+s13+$0x0], $0xffff  }
0xb4: {  	v45 =	vadd.f32 v25, v24;
	v28 =	vadd.f32 v28, v29;
	v44 =	vld.idx.msk [tilespmem:v44+s14+$0x0], $0xffff;
	[tilespmem:s7], [sflag:$0x6] =	stream.strided.gather @!p0 [hbm4b:s10+s21], $0x1000, s20, s21, $0x38  }
0xb5: {  	v26 =	vperm.xlane v23, v4;
	s17 =	simm.s32 $0x7;
	s10 =	sadd.s32 @!p0 s16, s11;
	s11 =	simm.s32 @!p0 $0xD500  }
0xb6: {  	v55 =	vperm.xlane v45, v2;
	v59 =	vperm.xlane v28, v2;
	[tilespmem:s11], [sflag:$0x6] =	stream.strided.gather @!p0 [hbm4b:s10+s21], $0x1000, s20, s21, $0x38;
	[tilespmem:$0x10700] =	vst v63  }
0xb7: {  	v51 =	vadd.f32 v26, v23;
	s8 =	sand.u32 $0x7F, s8;
	v29 =	vmul.f32 v34, v33;
	v52 =	vmul.f32 v36, v35;
	_ =	swait.ge [sflag:s17], $0x1000  }
0xb8: {  	v26 =	vimm.f32 $0.0e+00;
	s9 =	sand.u32 $0x7F, s9;
	v27 =	vor.u32 s8, v18;
	v33 =	vadd.f32 v55, v45;
	[sflag:s17] =	ssyncset.done $0x0  }
0xb9: {  	v30 =	vor.u32 s9, v17;
	v28 =	vadd.f32 v59, v28;
	v29 =	vadd.f32 v29, v52;
	[sflag:s17] =	ssyncadd.s32 $0xFFFFF000  }
0xba: {  	v54 =	vperm.xlane v51, v5;
	v31 =	vor.u32 s9, v18;
	v48 =	vperm.xlane v33, v4;
	_ =	swait.ge [sflag:s17], $0x1000  }
0xbb: {  	v25 =	vor.u32 s8, v17;
	v49 =	vperm.xlane v28, v4;
	v60 =	vperm.xlane v29, v2;
	[sflag:s17] =	ssyncset.done $0x0  }
0xbc: {  	s24 =	simm.s32 $0x8;
	v33 =	vadd.f32 v48, v33;
	v53 =	vmul.f32 v38, v37;
	v56 =	vmul.f32 v40, v39;
	[sflag:s17] =	ssyncadd.s32 $0xFFFFF000  }
0xbd: {  	s22 =	sand.u32 $0x1, s15;
	s6 =	sand.u32 @!p0 $0xFFFFF80, s6;
	s3 =	sand.u32 $0x7F, s3;
	v29 =	vadd.f32 v60, v29;
	v57 =	vmul.f32 v42, v41;
	v58 =	vmul.f32 v44, v43;
	v27 =	vld.idx.msk [tilespmem:v27+s14+$0x0], $0xffff  }
0xbe: {  	s8 =	simm.s32 @!p0 $0x6500;
	s6 =	sadd.s32 @!p0 s2, s6;
	s0 =	sand.u32 @!p0 $0xFFFFF80, s0;
	v46 =	vor.u32 s3, v19;
	v28 =	vadd.f32 v49, v28;
	v34 =	vadd.f32 v53, v56;
	v37 =	vld.idx.msk [tilespmem:v30+s13+$0x0], $0xffff  }
0xbf: {  	s0 =	sadd.s32 @!p0 s16, s0;
	s25 =	sand.u32 $0x7F, s4;
	v55 =	vperm.xlane v33, v5;
	v50 =	vperm.xlane v29, v4;
	s31 =	sshll.u32 s22, $0x3;
	v32 =	vadd.f32 v57, v58;
	v31 =	vld.idx.msk [tilespmem:v31+s13+$0x0], $0xffff  }
0xc0: {  	v45 =	vor.u32 s3, v20;
	v56 =	vperm.xlane v28, v5;
	v62 =	vperm.xlane v34, v2;
	v61 =	vld.idx.msk [tilespmem:v25+s14+$0x0], $0xffff;
	[tilespmem:s8], [sflag:$0x7] =	stream.strided.gather @!p0 [hbm4b:s6+s21], $0x1000, s20, s21, $0x38  }
0xc1: {  	s3 =	simm.s32 @!p0 $0xE500;
	v33 =	vadd.f32 v55, v33;
	v29 =	vadd.f32 v50, v29;
	s12 =	sor.u32 $0x1, s31;
	s15 =	sor.u32 $0x2, s31;
	v63 =	vperm.xlane v32, v2  }
0xc2: {  	v53 =	vor.u32 s25, v19;
	v28 =	vadd.f32 v56, v28;
	v34 =	vadd.f32 v62, v34;
	[tilespmem:s3], [sflag:$0x7] =	stream.strided.gather @!p0 [hbm4b:s0+s21], $0x1000, s20, s21, $0x38;
	[tilespmem:$0x10700] =	vst v63  }
0xc3: {  	s19 =	sor.u32 $0x3, s31;
	v22 =	vmov s12;
	v21 =	vmov s15;
	v32 =	vadd.f32 v63, v32;
	_ =	swait.ge [sflag:s24], $0x1000  }
0xc4: {  	s23 =	sor.u32 $0x4, s31;
	v24 =	vmov s19;
	v30 =	vadd.f32 v54, v51;
	v51 =	vperm.xlane v34, v4;
	[sflag:s24] =	ssyncset.done $0x0  }
0xc5: {  	v23 =	vmov s23;
	v57 =	vperm.xlane v29, v5;
	v52 =	vperm.xlane v32, v4;
	[sflag:s24] =	ssyncadd.s32 $0xFFFFF000  }
0xc6: {  	v25 =	vmov s31;
	v54 =	vor.u32 s25, v20;
	v34 =	vadd.f32 v51, v34;
	_ =	swait.ge [sflag:s24], $0x1000  }
0xc7: {  	v31 =	vmul.f32 v27, v31;
	v36 =	vmul.f32 v61, v37;
	v32 =	vadd.f32 v52, v32;
	[sflag:s24] =	ssyncset.done $0x0  }
0xc8: {  	v35 =	vadd.f32 v57, v29;
	v47 =	vperm.xlane v30, v6;
	v58 =	vperm.xlane v34, v5;
	[sflag:s24] =	ssyncadd.s32 $0xFFFFF000  }
0xc9: {  	s26 =	sor.u32 $0x5, s31;
	v29 =	vperm.xlane v28, v6;
	v36 =	vadd.f32 v31, v36;
	v59 =	vperm.xlane v32, v5;
	v37 =	vld.idx.msk [tilespmem:v45+s13+$0x0], $0xffff  }
0xca: {  	v30 =	vadd.f32 v47, v30;
	v27 =	vmov s26;
	v34 =	vadd.f32 v58, v34;
	v38 =	vld.idx.msk [tilespmem:v46+s13+$0x0], $0xffff  }
0xcb: {  	s0 =	sand.u32 @!p0 $0xFFFFF80, s5;
	v31 =	vperm.xlane v33, v6;
	v40 =	vld.idx.msk [tilespmem:v54+s14+$0x0], $0xffff;
	v61 =	vperm.xlane v36, v2;
	v60 =	vadd.f32 v59, v32  }
0xcc: {  	s28 =	sor.u32 $0x6, s31;
	s3 =	simm.s32 @!p0 $0x7500;
	s0 =	sadd.s32 @!p0 s2, s0;
	v62 =	vperm.xlane v34, v6;
	v41 =	vld.idx.msk [tilespmem:v53+s14+$0x0], $0xffff;
	v32 =	vadd.f32 v29, v28;
	v28 =	vperm.xlane v35, v6  }
0xcd: {  	v31 =	vadd.f32 v31, v33;
	[tilespmem:s3], [sflag:$0x8] =	stream.strided.gather @!p0 [hbm4b:s0+s21], $0x1000, s20, s21, $0x38;
	v36 =	vadd.f32 v61, v36;
	v63 =	vperm.xlane v60, v6;
	[tilespmem:$0x10700] =	vst v63  }
0xce: {  	s23 =	simm.s32 $0x0;
	s31 =	sor.u32 $0x7, s31;
	s0 =	sand.u32 @!p0 $0xFFFFF80, s18;
	v29 =	vmov s28;
	v34 =	vadd.f32 v62, v34;
	v33 =	vadd.f32 v28, v35  }
0xcf: {  	s25 =	simm.s32 $0x0;
	s24 =	simm.s32 $0x20;
	s26 =	sadd.s32 @!p0 s16, s0;
	v28 =	vmov s31;
	v39 =	vperm.xlane v36, v4;
	v35 =	vadd.f32 v63, v60  }
.LBB2_2:
0xd0: {  	s25 =	sadd.s32 $0x1, s25;
	s0 =	smov.u32 s24;
	s24 =	sadd.s32 $0x20, s24  }
0xd1: {  	s3 =	sand.u32 $0x1, s25;
	p1 =	sne.s32 s24, $0x800  }
0xd2: {  	s4 =	sshll.u32 s3, $0x3;
	v37 =	vmul.f32 v40, v37  }
0xd3: {  	v40 =	vmov s4;
	s5 =	sor.u32 $0x1, s4;
	s6 =	sor.u32 $0x2, s4;
	s7 =	sor.u32 $0x3, s4;
	v38 =	vmul.f32 v41, v38  }
0xd4: {  	v41 =	vmov s5;
	v42 =	vmov s6;
	v43 =	vmov s7;
	s5 =	sor.u32 $0x4, s4;
	s6 =	sor.u32 $0x5, s4;
	s7 =	sor.u32 $0x6, s4  }
0xd5: {  	s4 =	sor.u32 $0x7, s4;
	v44 =	vmov s5;
	v45 =	vmov s6;
	v37 =	vadd.f32 v37, v38  }
0xd6: {  	v38 =	vmov s7;
	v46 =	vmov s4  }
0xd7: {  	v47 =	vperm.xlane v37, v2;
	_ =	sdelay $0x1  }
0xd8: {  	v37 =	vadd.f32 v47, v37;
	_ =	sdelay $0x1  }
0xd9: {  	v36 =	vadd.f32 v39, v36;
	v39 =	vperm.xlane v37, v4;
	_ =	sdelay $0x1  }
0xda: {  	v47 =	vperm.xlane v36, v5;
	v37 =	vadd.f32 v39, v37  }
0xdb: {  	vm0 =	veq.s32 v25, v0;
	vm1 =	veq.s32 v22, v0;
	v25 =	vmovc v40;
	v22 =	vmov v41  }
0xdc: {  	v26 =	vsel vm0, v30, v26;
	v30 =	vadd.f32 v47, v36;
	v36 =	vperm.xlane v37, v5  }
0xdd: {  	vm0 =	veq.s32 v21, v0;
	v26 =	vsel vm1, v31, v26;
	vm1 =	veq.s32 v24, v0;
	v21 =	vmovc v42  }
0xde: {  	v26 =	vsel vm0, v32, v26;
	v24 =	vmovc v43;
	v31 =	vperm.xlane v30, v6;
	v32 =	vadd.f32 v36, v37  }
0xdf: {  	vm0 =	veq.s32 v23, v0;
	v26 =	vsel vm1, v33, v26;
	vm1 =	veq.s32 v27, v0;
	v23 =	vmovc v44  }
0xe0: {  	v26 =	vsel vm0, v34, v26;
	v27 =	vmovc v45;
	v30 =	vadd.f32 v31, v30;
	v31 =	vperm.xlane v32, v6  }
0xe1: {  	p2 =	seq.s32 s22, $0x0;
	s22 =	smov.u32 s3;
	vm0 =	veq.s32 v29, v0;
	v26 =	vsel vm1, v35, v26;
	v29 =	vmov v38  }
0xe2: {  	s3 =	simm.s32 @!p0 $0xF500;
	s4 =	sand.u32 @!p2 $0x7C0, s23;
	s23 =	smov.u32 s0;
	v26 =	vsel vm0, v30, v26;
	vm0 =	veq.s32 v28, v0;
	v28 =	vmovc v46;
	v30 =	vadd.f32 v31, v32  }
0xe3: {  	s0 =	sshrl.u32 @!p2 s4, $0x2  }
0xe4: {  	[tilespmem:s3], [sflag:$0x8] =	stream.strided.gather @!p0 [hbm4b:s26+s21], $0x1000, s20, s21, $0x38;
	v26 =	vsel vm0, v30, v26;
	[tilespmem:$0x10700] =	vst v63  }
0xe5: {  	s3 =	sshra.s32 s23, $0x2;
	[tilespmem:s0+$0x10500] =	vst @!p2 v26  }
0xe6: {  	v31 =	vld [tilespmem:s3+$0x0]  }
0xe7: {  	v30 =	vld [tilespmem:s3+$0x280]  }
0xe8: {  	_ =	swait.ge [sflag:s29], $0x1000  }
0xe9: {  	[sflag:s29] =	ssyncset.done $0x0  }
0xea: {  	[sflag:s29] =	ssyncadd.s32 $0xFFFFF000  }
0xeb: {  	(v2sf) =	vpush v31, $0x0  }
0xec: {  	p0 =	seq.s32 s23, $0x7E0;
	(v2sf) =	vpush v30, $0x0  }
0xed: {  	(v2sf) =	vpush @!p0 v31, $0x8  }
0xee: {  	(v2sf) =	vpush @!p0 v30, $0x8  }
0xef: {  	(v2sf) =	vpush v30, $0x1  }
0xf0: {  	(v2sf) =	vpush v31, $0x1  }
0xf1: {  	(v2sf) =	vpush @!p0 v31, $0x9  }
0xf2: {  	(v2sf) =	vpush @!p0 v30, $0x9  }
0xf3: {  	(v2sf) =	vpush v31, $0x2  }
0xf4: {  	(v2sf) =	vpush v30, $0x2  }
0xf5: {  	(v2sf) =	vpush @!p0 v31, $0xA;
	_ =	sdelay $0x1  }
0xf6: {  	(v2sf) =	vpush @!p0 v30, $0xA;
	_ =	sdelay $0x2  }
0xf7: {  	s0 =	spop (v2sf);
	(v2sf) =	vpush v31, $0x3  }
0xf8: {  	s0 =	sand.u32 $0x7F, s0;
	s3 =	spop (v2sf);
	(v2sf) =	vpush v30, $0x3  }
0xf9: {  	s3 =	sand.u32 $0x7F, s3;
	v32 =	vor.u32 s0, v1;
	v33 =	vor.u32 s0, v3;
	s0 =	spop @!p0 (v2sf);
	(v2sf) =	vpush @!p0 v31, $0xB  }
0xfa: {  	v34 =	vor.u32 s3, v1;
	v35 =	vor.u32 s3, v3;
	s0 =	sand.u32 @!p0 $0xFFFFF80, s0;
	s3 =	simm.s32 @!p0 $0x500;
	s4 =	spop @!p0 (v2sf);
	(v2sf) =	vpush @!p0 v30, $0xB  }
0xfb: {  	_ =	swait.ge [sflag:s29], $0x1000  }
0xfc: {  	s5 =	sand.u32 @!p0 $0xFFFFF80, s4;
	s4 =	spop (v2sf)  }
0xfd: {  	[sflag:s29] =	ssyncset.done $0x0;
	s10 =	sand.u32 $0x7F, s4;
	s4 =	spop (v2sf);
	(v2sf) =	vpush v31, $0x4  }
0xfe: {  	[sflag:s29] =	ssyncadd.s32 $0xFFFFF000;
	s11 =	sand.u32 $0x7F, s4;
	s4 =	spop @!p0 (v2sf);
	(v2sf) =	vpush v30, $0x4  }
0xff: {  	s20 =	simm.s32 @!p0 $0x7A1400;
	v32 =	vld.idx.msk [tilespmem:v32+s13+$0x0], $0xffff;
	s9 =	sand.u32 @!p0 $0xFFFFF80, s4;
	s4 =	spop @!p0 (v2sf);
	(v2sf) =	vpush @!p0 v31, $0xC  }
0x100: {  	s6 =	simm.s32 @!p0 $0x8500;
	v33 =	vld.idx.msk [tilespmem:v33+s13+$0x0], $0xffff;
	s8 =	sand.u32 @!p0 $0xFFFFF80, s4;
	s4 =	spop (v2sf)  }
0x101: {  	s21 =	simm.s32 @!p0 $0x400;
	v34 =	vld.idx.msk [tilespmem:v34+s14+$0x0], $0xffff;
	s7 =	sand.u32 $0x7F, s4;
	s4 =	spop (v2sf)  }
0x102: {  	s0 =	sadd.s32 @!p0 s2, s0;
	v35 =	vld.idx.msk [tilespmem:v35+s14+$0x0], $0xffff;
	s4 =	sand.u32 $0x7F, s4;
	s12 =	spop @!p0 (v2sf)  }
0x103: {  	[tilespmem:s3], [sflag:$0x1] =	stream.strided.gather @!p0 [hbm4b:s0+s21], $0x1000, s20, s21, $0x38;
	[tilespmem:$0x10700] =	vst v63  }
0x104: {  	s0 =	sadd.s32 @!p0 s16, s5;
	s3 =	sand.u32 @!p0 $0xFFFFF80, s12;
	s12 =	spop @!p0 (v2sf);
	(v2sf) =	vpush @!p0 v30, $0xC  }
0x105: {  	[tilespmem:s6], [sflag:$0x1] =	stream.strided.gather @!p0 [hbm4b:s0+s21], $0x1000, s20, s21, $0x38;
	(v2sf) =	vpush v31, $0x5;
	[tilespmem:$0x10700] =	vst v63  }
0x106: {  	_ =	swait.ge [sflag:s30], $0x1000  }
0x107: {  	s5 =	sadd.s32 @!p0 s2, s3;
	s0 =	sand.u32 @!p0 $0xFFFFF80, s12;
	(v2sf) =	vpush v30, $0x5  }
0x108: {  	v32 =	vmul.f32 v34, v32;
	v34 =	vor.u32 s10, v8;
	s6 =	sadd.s32 @!p0 s16, s0;
	[sflag:s30] =	ssyncset.done $0x0;
	s0 =	spop (v2sf);
	(v2sf) =	vpush @!p0 v31, $0xD  }
0x109: {  	v33 =	vmul.f32 v35, v33;
	v35 =	vor.u32 s10, v7;
	[sflag:s30] =	ssyncadd.s32 $0xFFFFF000;
	s26 =	sand.u32 $0x7F, s0;
	s0 =	spop (v2sf);
	(v2sf) =	vpush @!p0 v30, $0xD  }
0x10a: {  	_ =	swait.ge [sflag:s30], $0x1000  }
0x10b: {  	v36 =	vor.u32 s11, v7;
	s28 =	sand.u32 $0x7F, s0;
	s0 =	spop @!p0 (v2sf)  }
0x10c: {  	v32 =	vadd.f32 v33, v32;
	v33 =	vor.u32 s11, v8;
	[sflag:s30] =	ssyncset.done $0x0;
	s0 =	sand.u32 @!p0 $0xFFFFF80, s0;
	s3 =	spop @!p0 (v2sf);
	(v2sf) =	vpush v30, $0x6  }
0x10d: {  	[sflag:s30] =	ssyncadd.s32 $0xFFFFF000;
	s0 =	sadd.s32 @!p0 s2, s0;
	s3 =	sand.u32 @!p0 $0xFFFFF80, s3;
	(v2sf) =	vpush v31, $0x6  }
0x10e: {  	v37 =	vperm.xlane v32, v2;
	v34 =	vld.idx.msk [tilespmem:v34+s14+$0x0], $0xffff;
	s3 =	sadd.s32 @!p0 s16, s3;
	s10 =	spop (v2sf);
	(v2sf) =	vpush @!p0 v31, $0xE  }
0x10f: {  	v35 =	vld.idx.msk [tilespmem:v35+s14+$0x0], $0xffff;
	s11 =	sand.u32 $0x7F, s10;
	s10 =	spop (v2sf);
	(v2sf) =	vpush @!p0 v30, $0xE  }
0x110: {  	v32 =	vadd.f32 v37, v32;
	v36 =	vld.idx.msk [tilespmem:v36+s13+$0x0], $0xffff;
	s30 =	sand.u32 $0x7F, s10;
	s10 =	spop @!p0 (v2sf)  }
0x111: {  	s9 =	sadd.s32 @!p0 s2, s9;
	s12 =	simm.s32 @!p0 $0x1500;
	v33 =	vld.idx.msk [tilespmem:v33+s13+$0x0], $0xffff;
	s10 =	sand.u32 @!p0 $0xFFFFF80, s10  }
0x112: {  	v37 =	vperm.xlane v32, v4;
	[tilespmem:s12], [sflag:$0x2] =	stream.strided.gather @!p0 [hbm4b:s9+s21], $0x1000, s20, s21, $0x38;
	[tilespmem:$0x10700] =	vst v63  }
0x113: {  	s8 =	sadd.s32 @!p0 s16, s8;
	s9 =	simm.s32 @!p0 $0x9500;
	s19 =	sadd.s32 @!p0 s2, s10;
	(v2sf) =	vpush v31, $0x7  }
0x114: {  	[tilespmem:s9], [sflag:$0x2] =	stream.strided.gather @!p0 [hbm4b:s8+s21], $0x1000, s20, s21, $0x38;
	[tilespmem:$0x10700] =	vst v63  }
0x115: {  	v32 =	vadd.f32 v37, v32;
	(v2sf) =	vpush v30, $0x7;
	s9 =	simm.s32 $0x3  }
0x116: {  	_ =	swait.ge [sflag:s9], $0x1000  }
0x117: {  	s17 =	simm.s32 $0x6;
	s8 =	spop @!p0 (v2sf);
	(v2sf) =	vpush @!p0 v31, $0xF  }
0x118: {  	v35 =	vmul.f32 v35, v36;
	v36 =	vor.u32 s7, v10;
	v31 =	vperm.xlane v32, v5;
	[sflag:s9] =	ssyncset.done $0x0;
	s8 =	sand.u32 @!p0 $0xFFFFF80, s8;
	s31 =	spop (v2sf)  }
0x119: {  	v33 =	vmul.f32 v34, v33;
	v34 =	vor.u32 s4, v10;
	[sflag:s9] =	ssyncadd.s32 $0xFFFFF000;
	s10 =	sadd.s32 @!p0 s16, s8;
	s8 =	spop (v2sf);
	(v2sf) =	vpush @!p0 v30, $0xF  }
0x11a: {  	_ =	swait.ge [sflag:s9], $0x1000  }
0x11b: {  	v30 =	vadd.f32 v31, v32;
	v31 =	vor.u32 s7, v9;
	s12 =	sand.u32 $0x7F, s8;
	s7 =	spop @!p0 (v2sf)  }
0x11c: {  	v32 =	vadd.f32 v33, v35;
	v33 =	vor.u32 s4, v9;
	[sflag:s9] =	ssyncset.done $0x0;
	s4 =	sand.u32 @!p0 $0xFFFFF80, s7;
	s7 =	spop @!p0 (v2sf)  }
0x11d: {  	v35 =	vperm.xlane v30, v6;
	[sflag:s9] =	ssyncadd.s32 $0xFFFFF000;
	s4 =	sadd.s32 @!p0 s2, s4;
	s7 =	sand.u32 @!p0 $0xFFFFF80, s7  }
0x11e: {  	v37 =	vperm.xlane v32, v2;
	v36 =	vld.idx.msk [tilespmem:v36+s13+$0x0], $0xffff;
	s8 =	sadd.s32 @!p0 s16, s7;
	s9 =	spop (v2sf)  }
0x11f: {  	v30 =	vadd.f32 v35, v30;
	v34 =	vld.idx.msk [tilespmem:v34+s14+$0x0], $0xffff;
	s7 =	spop (v2sf)  }
0x120: {  	s1 =	simm.s32 $0x4;
	v32 =	vadd.f32 v37, v32;
	v31 =	vld.idx.msk [tilespmem:v31+s13+$0x0], $0xffff;
	s7 =	sand.u32 $0x7F, s7;
	s18 =	spop @!p0 (v2sf)  }
0x121: {  	s29 =	simm.s32 @!p0 $0x2500;
	v33 =	vld.idx.msk [tilespmem:v33+s14+$0x0], $0xffff;
	s18 =	sand.u32 @!p0 $0xFFFFF80, s18;
	s15 =	spop @!p0 (v2sf)  }
0x122: {  	v35 =	vperm.xlane v32, v4;
	[tilespmem:s29], [sflag:$0x3] =	stream.strided.gather @!p0 [hbm4b:s5+s21], $0x1000, s20, s21, $0x38;
	[tilespmem:$0x10700] =	vst v63  }
0x123: {  	s29 =	simm.s32 @!p0 $0xA500;
	s5 =	sadd.s32 @!p0 s2, s18;
	s15 =	sand.u32 @!p0 $0xFFFFF80, s15  }
0x124: {  	v32 =	vadd.f32 v35, v32;
	[tilespmem:s29], [sflag:$0x3] =	stream.strided.gather @!p0 [hbm4b:s6+s21], $0x1000, s20, s21, $0x38;
	[tilespmem:$0x10700] =	vst v63  }
0x125: {  	_ =	swait.ge [sflag:s1], $0x1000  }
0x126: {  	v34 =	vmul.f32 v34, v36;
	s6 =	sadd.s32 @!p0 s16, s15;
	s15 =	spop (v2sf)  }
0x127: {  	v35 =	vperm.xlane v32, v5;
	v36 =	vor.u32 s26, v12;
	[sflag:s1] =	ssyncset.done $0x0;
	s29 =	sand.u32 $0x7F, s15;
	s15 =	spop (v2sf)  }
0x128: {  	v31 =	vmul.f32 v33, v31;
	v33 =	vor.u32 s28, v12;
	[sflag:s1] =	ssyncadd.s32 $0xFFFFF000;
	s18 =	sand.u32 $0x7F, s15;
	s15 =	spop @!p0 (v2sf)  }
0x129: {  	v32 =	vadd.f32 v35, v32;
	v35 =	vor.u32 s26, v11;
	_ =	swait.ge [sflag:s1], $0x1000;
	s15 =	sand.u32 @!p0 $0xFFFFF80, s15  }
0x12a: {  	v37 =	vor.u32 s28, v11;
	v34 =	vadd.f32 v34, v31;
	[sflag:s1] =	ssyncset.done $0x0;
	s28 =	sadd.s32 @!p0 s2, s15;
	s15 =	spop @!p0 (v2sf)  }
0x12b: {  	v31 =	vperm.xlane v32, v6;
	[sflag:s1] =	ssyncadd.s32 $0xFFFFF000;
	s15 =	sand.u32 @!p0 $0xFFFFF80, s15  }
0x12c: {  	v38 =	vperm.xlane v34, v2;
	v36 =	vld.idx.msk [tilespmem:v36+s13+$0x0], $0xffff;
	s26 =	sadd.s32 @!p0 s16, s15  }
0x12d: {  	v31 =	vadd.f32 v31, v32;
	v32 =	vld.idx.msk [tilespmem:v33+s14+$0x0], $0xffff  }
0x12e: {  	v33 =	vadd.f32 v38, v34;
	v34 =	vld.idx.msk [tilespmem:v35+s13+$0x0], $0xffff  }
0x12f: {  	s15 =	simm.s32 @!p0 $0x3500;
	v35 =	vld.idx.msk [tilespmem:v37+s14+$0x0], $0xffff  }
0x130: {  	v37 =	vperm.xlane v33, v4;
	[tilespmem:s15], [sflag:$0x4] =	stream.strided.gather @!p0 [hbm4b:s0+s21], $0x1000, s20, s21, $0x38;
	[tilespmem:$0x10700] =	vst v63  }
0x131: {  	s0 =	simm.s32 @!p0 $0xB500  }
0x132: {  	[tilespmem:s0], [sflag:$0x4] =	stream.strided.gather @!p0 [hbm4b:s3+s21], $0x1000, s20, s21, $0x38;
	[tilespmem:$0x10700] =	vst v63  }
0x133: {  	v33 =	vadd.f32 v37, v33;
	s0 =	simm.s32 $0x5  }
0x134: {  	v32 =	vmul.f32 v32, v36;
	_ =	swait.ge [sflag:s0], $0x1000  }
0x135: {  	v37 =	vor.u32 s11, v14;
	v36 =	vperm.xlane v33, v5;
	[sflag:s0] =	ssyncset.done $0x0  }
0x136: {  	v34 =	vmul.f32 v35, v34;
	v35 =	vor.u32 s30, v14;
	[sflag:s0] =	ssyncadd.s32 $0xFFFFF000  }
0x137: {  	v33 =	vadd.f32 v36, v33;
	v36 =	vor.u32 s11, v13;
	_ =	swait.ge [sflag:s0], $0x1000  }
0x138: {  	v38 =	vor.u32 s30, v13;
	s30 =	simm.s32 $0x2;
	v34 =	vadd.f32 v32, v34;
	[sflag:s0] =	ssyncset.done $0x0  }
0x139: {  	v32 =	vperm.xlane v33, v6;
	[sflag:s0] =	ssyncadd.s32 $0xFFFFF000  }
0x13a: {  	v39 =	vperm.xlane v34, v2;
	v37 =	vld.idx.msk [tilespmem:v37+s13+$0x0], $0xffff  }
0x13b: {  	v32 =	vadd.f32 v32, v33;
	v33 =	vld.idx.msk [tilespmem:v35+s14+$0x0], $0xffff  }
0x13c: {  	v34 =	vadd.f32 v39, v34;
	v35 =	vld.idx.msk [tilespmem:v36+s13+$0x0], $0xffff  }
0x13d: {  	s0 =	simm.s32 @!p0 $0x4500;
	v36 =	vld.idx.msk [tilespmem:v38+s14+$0x0], $0xffff  }
0x13e: {  	v38 =	vperm.xlane v34, v4;
	[tilespmem:s0], [sflag:$0x5] =	stream.strided.gather @!p0 [hbm4b:s19+s21], $0x1000, s20, s21, $0x38;
	[tilespmem:$0x10700] =	vst v63  }
0x13f: {  	s0 =	simm.s32 @!p0 $0xC500  }
0x140: {  	v34 =	vadd.f32 v38, v34;
	[tilespmem:s0], [sflag:$0x5] =	stream.strided.gather @!p0 [hbm4b:s10+s21], $0x1000, s20, s21, $0x38;
	[tilespmem:$0x10700] =	vst v63  }
0x141: {  	v33 =	vmul.f32 v33, v37;
	s0 =	sand.u32 $0x7F, s31;
	s31 =	simm.s32 $0x6;
	_ =	swait.ge [sflag:s17], $0x1000  }
0x142: {  	v37 =	vperm.xlane v34, v5;
	v38 =	vor.u32 s0, v16;
	[sflag:s31] =	ssyncset.done $0x0  }
0x143: {  	v35 =	vmul.f32 v36, v35;
	v36 =	vor.u32 s12, v16;
	[sflag:s31] =	ssyncadd.s32 $0xFFFFF000  }
0x144: {  	v34 =	vadd.f32 v37, v34;
	v37 =	vor.u32 s0, v15;
	_ =	swait.ge [sflag:s31], $0x1000  }
0x145: {  	v39 =	vor.u32 s12, v15;
	v35 =	vadd.f32 v33, v35;
	[sflag:s31] =	ssyncset.done $0x0  }
0x146: {  	v33 =	vperm.xlane v34, v6;
	[sflag:s31] =	ssyncadd.s32 $0xFFFFF000  }
0x147: {  	v40 =	vperm.xlane v35, v2;
	v38 =	vld.idx.msk [tilespmem:v38+s13+$0x0], $0xffff  }
0x148: {  	v33 =	vadd.f32 v33, v34;
	v34 =	vld.idx.msk [tilespmem:v36+s14+$0x0], $0xffff  }
0x149: {  	v35 =	vadd.f32 v40, v35;
	v36 =	vld.idx.msk [tilespmem:v37+s13+$0x0], $0xffff  }
0x14a: {  	s0 =	simm.s32 @!p0 $0x5500;
	v37 =	vld.idx.msk [tilespmem:v39+s14+$0x0], $0xffff  }
0x14b: {  	v39 =	vperm.xlane v35, v4;
	[tilespmem:s0], [sflag:$0x6] =	stream.strided.gather @!p0 [hbm4b:s4+s21], $0x1000, s20, s21, $0x38;
	[tilespmem:$0x10700] =	vst v63  }
0x14c: {  	s3 =	simm.s32 $0x7;
	s0 =	simm.s32 @!p0 $0xD500  }
0x14d: {  	v35 =	vadd.f32 v39, v35;
	[tilespmem:s0], [sflag:$0x6] =	stream.strided.gather @!p0 [hbm4b:s8+s21], $0x1000, s20, s21, $0x38;
	[tilespmem:$0x10700] =	vst v63  }
0x14e: {  	v34 =	vmul.f32 v34, v38;
	s0 =	sand.u32 $0x7F, s9;
	_ =	swait.ge [sflag:s3], $0x1000  }
0x14f: {  	v38 =	vperm.xlane v35, v5;
	v39 =	vor.u32 s0, v18;
	[sflag:s3] =	ssyncset.done $0x0  }
0x150: {  	v36 =	vmul.f32 v37, v36;
	v37 =	vor.u32 s7, v17;
	[sflag:s3] =	ssyncadd.s32 $0xFFFFF000  }
0x151: {  	v35 =	vadd.f32 v38, v35;
	v38 =	vor.u32 s7, v18;
	_ =	swait.ge [sflag:s3], $0x1000  }
0x152: {  	v40 =	vor.u32 s0, v17;
	v36 =	vadd.f32 v34, v36;
	[sflag:s3] =	ssyncset.done $0x0  }
0x153: {  	v34 =	vperm.xlane v35, v6;
	[sflag:s3] =	ssyncadd.s32 $0xFFFFF000  }
0x154: {  	v41 =	vperm.xlane v36, v2;
	v39 =	vld.idx.msk [tilespmem:v39+s14+$0x0], $0xffff  }
0x155: {  	v34 =	vadd.f32 v34, v35;
	v35 =	vld.idx.msk [tilespmem:v37+s13+$0x0], $0xffff  }
0x156: {  	v36 =	vadd.f32 v41, v36;
	v37 =	vld.idx.msk [tilespmem:v38+s13+$0x0], $0xffff  }
0x157: {  	s0 =	simm.s32 @!p0 $0x6500;
	v38 =	vld.idx.msk [tilespmem:v40+s14+$0x0], $0xffff  }
0x158: {  	v40 =	vperm.xlane v36, v4;
	[tilespmem:s0], [sflag:$0x7] =	stream.strided.gather @!p0 [hbm4b:s5+s21], $0x1000, s20, s21, $0x38;
	[tilespmem:$0x10700] =	vst v63  }
0x159: {  	s0 =	simm.s32 @!p0 $0xE500  }
0x15a: {  	[tilespmem:s0], [sflag:$0x7] =	stream.strided.gather @!p0 [hbm4b:s6+s21], $0x1000, s20, s21, $0x38;
	[tilespmem:$0x10700] =	vst v63  }
0x15b: {  	v36 =	vadd.f32 v40, v36;
	s0 =	simm.s32 $0x8  }
0x15c: {  	_ =	swait.ge [sflag:s0], $0x1000  }
0x15d: {  	v40 =	vperm.xlane v36, v5;
	v37 =	vmul.f32 v39, v37;
	v39 =	vor.u32 s29, v20;
	[sflag:s0] =	ssyncset.done $0x0  }
0x15e: {  	v35 =	vmul.f32 v38, v35;
	v38 =	vor.u32 s29, v19;
	s29 =	simm.s32 $0x1;
	[sflag:s0] =	ssyncadd.s32 $0xFFFFF000  }
0x15f: {  	v41 =	vor.u32 s18, v19;
	v36 =	vadd.f32 v40, v36;
	v40 =	vor.u32 s18, v20;
	_ =	swait.ge [sflag:s0], $0x1000  }
0x160: {  	v42 =	vadd.f32 v37, v35;
	[sflag:s0] =	ssyncset.done $0x0  }
0x161: {  	v35 =	vperm.xlane v36, v6;
	[sflag:s0] =	ssyncadd.s32 $0xFFFFF000  }
.Ltmp0:
0x162: {  	v43 =	vperm.xlane v42, v2;
	v37 =	vld.idx.msk [tilespmem:v39+s13+$0x0], $0xffff;
	(pc) =	sbr.rel @p1 .LBB2_2-.Ltmp0, $4  }
0x163: {  	v35 =	vadd.f32 v35, v36;
	v38 =	vld.idx.msk [tilespmem:v38+s13+$0x0], $0xffff  }
0x164: {  	v36 =	vadd.f32 v43, v42;
	v40 =	vld.idx.msk [tilespmem:v40+s14+$0x0], $0xffff  }
0x165: {  	s0 =	simm.s32 @!p0 $0x7500;
	v41 =	vld.idx.msk [tilespmem:v41+s14+$0x0], $0xffff  }
0x166: {  	v39 =	vperm.xlane v36, v4;
	[tilespmem:s0], [sflag:$0x8] =	stream.strided.gather @!p0 [hbm4b:s28+s21], $0x1000, s20, s21, $0x38;
	[tilespmem:$0x10700] =	vst v63  }
0x167: {  	_ =	sdelay $0x2  }
0x168: {  	v37 =	vmul.f32 v40, v37;
	v38 =	vmul.f32 v41, v38;
	_ =	sdelay $0x1  }
0x169: {  	v37 =	vadd.f32 v37, v38;
	_ =	sdelay $0x1  }
0x16a: {  	v38 =	vperm.xlane v37, v2;
	_ =	sdelay $0x1  }
0x16b: {  	v37 =	vadd.f32 v38, v37;
	_ =	sdelay $0x1  }
0x16c: {  	v38 =	vperm.xlane v37, v4  }
0x16d: {  	v36 =	vadd.f32 v39, v36  }
0x16e: {  	v37 =	vadd.f32 v38, v37  }
0x16f: {  	v60 =	vperm.xlane v36, v5  }
0x170: {  	vm0 =	veq.s32 v25, v0;
	v61 =	vperm.xlane v37, v5  }
0x171: {  	vm1 =	veq.s32 v22, v0;
	v22 =	vsel vm0, v30, v26;
	v62 =	vadd.f32 v60, v36  }
0x172: {  	vm10 =	veq.s32 v21, v0;
	v22 =	vsel vm1, v31, v22;
	v21 =	vadd.f32 v61, v37  }
0x173: {  	vm11 =	veq.s32 v24, v0;
	v22 =	vsel vm10, v32, v22;
	v63 =	vperm.xlane v62, v6  }
0x174: {  	vm12 =	veq.s32 v23, v0;
	v22 =	vsel vm11, v33, v22;
	v23 =	vperm.xlane v21, v6  }
0x175: {  	vm13 =	veq.s32 v27, v0;
	p1 =	seq.s32 s22, $0x0;
	v22 =	vsel vm12, v34, v22;
	v24 =	vadd.f32 v63, v62  }
0x176: {  	vm14 =	veq.s32 v29, v0;
	s3 =	simm.s32 @!p0 $0xF500;
	s0 =	sand.u32 @!p1 $0x7C0, s23;
	v22 =	vsel vm13, v35, v22;
	v21 =	vadd.f32 v23, v21  }
0x177: {  	vm15 =	veq.s32 v28, v0;
	[tilespmem:s3], [sflag:$0x8] =	stream.strided.gather @!p0 [hbm4b:s26+s21], $0x1000, s20, s21, $0x38;
	v22 =	vsel vm14, v24, v22;
	[tilespmem:$0x10700] =	vst v63  }
0x178: {  	s15 =	simm.s32 $0x0;
	s0 =	sshrl.u32 @!p1 s0, $0x2;
	v21 =	vsel vm15, v21, v22  }
0x179: {  	s1 =	simm.s32 $0x10500;
	s26 =	rddreg [dreg:$0x8];
	s3 =	simm.s32 $0x9;
	[tilespmem:s0+$0x10500] =	vst @!p1 v21  }
0x17a: {  	[hbm4b:s26+s15] =	stream.linear.scatter [tilespmem:s1], [sflag:$0x9], $0x200, $0x38;
	[tilespmem:$0x10700] =	vst v63  }
0x17b: {  	_ =	swait.ge [sflag:s3], $0x200  }
0x17c: {  	s4 =	rddreg [dreg:$0xa]  }
0x17d: {  	s28 =	rddreg [dreg:$0x9];
	s4 =	sadd.s32 $0x1, s4  }
0x17e: {  	p0 =	sne.s32 s4, s28  }
.Ltmp1:
0x17f: {  	_ = 	snop;
	(pc) =	sbr.rel @p0 .LBB2_1-.Ltmp1, $3  }
0x180: {  	_ =	sdelay $0x1  }
0x181: {  	s17 =	simm.s32 $0x4;
	[sflag:s3] =	ssyncset.done $0x0  }
0x182: {  	s26 =	simm.s32 $0x3;
	s1 =	simm.s32 $0x5;
	[sflag:s3] =	ssyncadd.s32 $0xFFFFFE00  }
0x183: {  	_ =	sfence.sel $0x180000  }
0x184: {  	[bflag:$0x0] =	sbarrier.arrive $0xFFFF  }
0x185: {  	_ =	strace $0x90000047  }
0x186: {  	s0 =	stileid.u32;
	[bflag:$0x2] =	sbarrier.arrive $0xFFFF  }
0x187: {  	p0 =	sne.s32 s0, $0x0;
	s0 =	rddreg [dreg:$0x5]  }
0x188: {  	s0 =	sadd.s32 @!p0 $0x100000, s0  }
0x189: {  	[sflag:s0] =	ssyncadd.tile.s32 @!p0 $0x1;
	_ =	shalt  }
.Lfunc_end2:
_tile_overlayer_lowered:
.L_overlay_start_2:
0x18a: {  	(tag) =	ssettag $0x2  }
0x18b: {  	s0 =	rddreg [dreg:$0x0];
	s2 =	stileid.u32  }
0x18c: {  	s1 =	rddreg [dreg:$0x1];
	p0 =	sne.s32 s2, $0x0  }
0x18d: {  	s3 =	rddreg [dreg:$0x2];
	[bflag:$0x3] =	sbarrier.arrive $0xFFFF;
	s2 =	simm.s32 @!p0 $0x1C09  }
0x18e: {  	[timem:s3], [sflag:s2] =	dma.local @!p0 [hbm:s0], s1  }
0x18f: {  	s0 =	simm.s32 @!p0 $0x9  }
0x190: {  	_ =	swait.ge @!p0 [sflag:s0], s1  }
0x191: {  	s1 =	ssub.s32 @!p0 $0x0, s1;
	[sflag:s0] =	ssyncset.done @!p0 $0x0  }
0x192: {  	[sflag:s0] =	ssyncadd.s32 @!p0 s1  }
0x193: {  	[bflag:$0x3] =	sbarrier.arrive $0xFFFF  }
0x194: {  	_ =	shalt  }

</sc_bundles>
